<compile_context>
chip_gen: v7x
topology: tpu7x:2x2x1
jax: 0.10.2.dev20260603
libtpu: 0.0.44.dev20260713+nightly
codegen_flags: <defaults>
</compile_context>

<pallas_src>
import functools

import jax
import jax.numpy as jnp
from jax import lax
from jax.experimental import pallas as pl
from jax.experimental.pallas import tpu as pltpu
from jax.experimental.pallas import tpu_sc as plsc

BATCH = 4096
SEQ = 50
EMB = 128

_info = plsc.get_sparse_core_info()
NC = _info.num_cores
NS = _info.num_subcores
NW = NC * NS
PER_W = BATCH // NW

NBUF = 8
G = 5
W = NBUF - G
NLAP = PER_W // NBUF

_mesh = plsc.VectorSubcoreMesh(core_axis_name="c", subcore_axis_name="s")


@functools.partial(
    pl.kernel,
    mesh=_mesh,
    out_type=jax.ShapeDtypeStruct((BATCH, SEQ, EMB), jnp.float32),
    scratch_types=[
        pltpu.VMEM((PER_W, SEQ), jnp.int32),
        pltpu.VMEM((NBUF, SEQ, EMB), jnp.float32),
    ]
    + [pltpu.SemaphoreType.DMA] * (2 * NBUF),
)
def _emb_lookup(idx_hbm, table_hbm, out_hbm, idx_v, rows_v, *sems):
    gsem = sems[:NBUF]
    wsem = sems[NBUF:]
    wid = lax.axis_index("s") * NC + lax.axis_index("c")
    base0 = wid * PER_W
    pltpu.sync_copy(idx_hbm.at[pl.ds(base0, PER_W), :], idx_v)

    def gather_start(j, b):
        pltpu.async_copy(table_hbm.at[idx_v.at[j]], rows_v.at[b], gsem[b])

    def gather_wait(j, b):
        pltpu.make_async_copy(
            table_hbm.at[idx_v.at[j]], rows_v.at[b], gsem[b]
        ).wait()

    def wb_start(j, b):
        pltpu.async_copy(rows_v.at[b], out_hbm.at[base0 + j], wsem[b])

    def wb_wait(j, b):
        pltpu.make_async_copy(rows_v.at[b], out_hbm.at[base0 + j], wsem[b]).wait()

    def step(j, b, do_wb_wait, do_gather):
        gather_wait(j, b)
        wb_start(j, b)
        if do_wb_wait:
            wb_wait(j - W, (b - W) % NBUF)
        if do_gather:
            gather_start(j + G, (b + G) % NBUF)

    for b in range(G):
        gather_start(b, b)

    for b in range(NBUF):
        step(b, b, b >= W, True)

    def body(g, carry):
        j0 = g * NBUF
        for b in range(NBUF):
            step(j0 + b, b, True, True)
        return carry

    lax.fori_loop(1, NLAP - 1, body, 0)

    j0 = (NLAP - 1) * NBUF
    for b in range(NBUF):
        step(j0 + b, b, True, j0 + b + G < PER_W)

    for b in range(W):
        j = PER_W - W + b
        wb_wait(j, j % NBUF)


def kernel(input_tensor, weight):
    return _emb_lookup(input_tensor.astype(jnp.int32), weight)

# --- scband reference (transcript-rebuilt; emitter-appended) ---
"""Pipeline reference for scband-dropout-embeddings-3882650436125 (READ-ONLY COPY).

The authoritative reference and input builder live on the scoring server;
editing this copy changes nothing except your own understanding.
"""

import jax, jax.numpy as jnp
import numpy as np

NTOKENS = 100000
EMB_SIZE = 128
BATCH = 4096
SEQ = 50
INITRANGE = 0.1


def setup_inputs(seed: int = 0) -> dict:
    key = jax.random.key(seed)
    k1, k2 = jax.random.split(key)
    input_tensor = jax.random.randint(k1, (BATCH, SEQ), 0, NTOKENS, dtype=jnp.int64 if jax.config.jax_enable_x64 else jnp.int32)
    weight = jax.random.uniform(k2, (NTOKENS, EMB_SIZE), dtype=jnp.float32, minval=-INITRANGE, maxval=INITRANGE)
    return {"input_tensor": input_tensor, "weight": weight}


def reference(input_tensor, weight):
    # Eval-mode forward: EmbeddingDropout with dropout=0 is a plain embedding lookup,
    # and LockedDropout is identity in eval mode.
    emb = jnp.take(weight, input_tensor, axis=0)
    return emb

if __name__ == "__main__":
    import jax
    _d = setup_inputs()
    print(jax.jit(kernel)(*tuple(_d.values())))

</pallas_src>

<mosaic_0001>
#map = affine_map<(d0, d1) -> (0, 0)>
#map1 = affine_map<(d0, d1) -> (0, 0, 0)>
module attributes {stable_mosaic.version = 14 : i64} {
  func.func @_emb_lookup(%arg0: i32, %arg1: i32, %arg2: memref<4096x50xi32, #tpu.memory_space<hbm>>, %arg3: memref<100000x128xf32, #tpu.memory_space<hbm>>, %arg4: memref<4096x50x128xf32, #tpu.memory_space<hbm>>, %arg5: memref<128x50xi32, #tpu.memory_space<vmem>>, %arg6: memref<8x50x128xf32, #tpu.memory_space<vmem>>, %arg7: memref<!tpu.dma_semaphore, #tpu.memory_space<semaphore_mem>>, %arg8: memref<!tpu.dma_semaphore, #tpu.memory_space<semaphore_mem>>, %arg9: memref<!tpu.dma_semaphore, #tpu.memory_space<semaphore_mem>>, %arg10: memref<!tpu.dma_semaphore, #tpu.memory_space<semaphore_mem>>, %arg11: memref<!tpu.dma_semaphore, #tpu.memory_space<semaphore_mem>>, %arg12: memref<!tpu.dma_semaphore, #tpu.memory_space<semaphore_mem>>, %arg13: memref<!tpu.dma_semaphore, #tpu.memory_space<semaphore_mem>>, %arg14: memref<!tpu.dma_semaphore, #tpu.memory_space<semaphore_mem>>, %arg15: memref<!tpu.dma_semaphore, #tpu.memory_space<semaphore_mem>>, %arg16: memref<!tpu.dma_semaphore, #tpu.memory_space<semaphore_mem>>, %arg17: memref<!tpu.dma_semaphore, #tpu.memory_space<semaphore_mem>>, %arg18: memref<!tpu.dma_semaphore, #tpu.memory_space<semaphore_mem>>, %arg19: memref<!tpu.dma_semaphore, #tpu.memory_space<semaphore_mem>>, %arg20: memref<!tpu.dma_semaphore, #tpu.memory_space<semaphore_mem>>, %arg21: memref<!tpu.dma_semaphore, #tpu.memory_space<semaphore_mem>>, %arg22: memref<!tpu.dma_semaphore, #tpu.memory_space<semaphore_mem>>) attributes {dimension_semantics = [#tpu.dimension_semantics<core_parallel>, #tpu.dimension_semantics<subcore_parallel>], iteration_bounds = array<i64: 2, 16>, scalar_prefetch = 0 : i64, scratch_operands = 18 : i64, tpu.core_type = #tpu.core_type<sc_vector_subcore>, window_params = [{transform_indices = #map}, {transform_indices = #map}, {transform_indices = #map1}]} {
    %mul3A = arith.constant 2 : i32
    %mul3A_0 = arith.muli %arg1, %mul3A : i32
    %add3A = arith.addi %mul3A_0, %arg0 : i32
    %mul3A_1 = arith.constant 128 : i32
    %mul3A_2 = arith.muli %add3A, %mul3A_1 : i32
    "tpu.region"() ({
      %run_scoped3A = tpu.sem_alloc : memref<!tpu.dma_semaphore, #tpu.memory_space<semaphore_mem>>
      %dma_start3A_998 = arith.constant 0 : i32
      %dma_start3A_999 = tpu.memref_slice %arg2[%mul3A_2, %dma_start3A_998] : memref<4096x50xi32, #tpu.memory_space<hbm>> -> memref<128x50xi32, #tpu.memory_space<hbm>>
      %dma_start3A_1000 = arith.constant 0 : i32
      %dma_start3A_1001 = tpu.memref_slice %arg2[%mul3A_2, %dma_start3A_1000] : memref<4096x50xi32, #tpu.memory_space<hbm>> -> memref<128x50xi32, #tpu.memory_space<hbm>>
      tpu.enqueue_dma source(%dma_start3A_1001 : memref<128x50xi32, #tpu.memory_space<hbm>>) target(%arg5 : memref<128x50xi32, #tpu.memory_space<vmem>>) target_semaphore(%run_scoped3A : memref<!tpu.dma_semaphore, #tpu.memory_space<semaphore_mem>>)
      %dma_wait3A_1002 = arith.constant 0 : i32
      %dma_wait3A_1003 = tpu.memref_slice %arg2[%mul3A_2, %dma_wait3A_1002] : memref<4096x50xi32, #tpu.memory_space<hbm>> -> memref<128x50xi32, #tpu.memory_space<hbm>>
      %dma_wait3A_1004 = arith.constant 0 : i32
      %dma_wait3A_1005 = tpu.memref_slice %arg2[%mul3A_2, %dma_wait3A_1004] : memref<4096x50xi32, #tpu.memory_space<hbm>> -> memref<128x50xi32, #tpu.memory_space<hbm>>
      tpu.wait_dma2 semaphore(%run_scoped3A : memref<!tpu.dma_semaphore, #tpu.memory_space<semaphore_mem>>) src(%dma_wait3A_1005 : memref<128x50xi32, #tpu.memory_space<hbm>>) dst(%arg5 : memref<128x50xi32, #tpu.memory_space<vmem>>)
      tpu.yield
    }) : () -> ()
    %dma_start3A = arith.constant 0 : i32
    %dma_start3A_3 = arith.constant 0 : i32
    %dma_start3A_4 = arith.constant 0 : i32
    %dma_start3A_5 = arith.constant 0 : i32
    %dma_start3A_6 = tpu.memref_slice %arg6[%dma_start3A_3, %dma_start3A_4, %dma_start3A_5] : memref<8x50x128xf32, #tpu.memory_space<vmem>> -> memref<1x50x128xf32, #tpu.memory_space<vmem>>
    %dma_start3A_7 = tpu.memref_squeeze %dma_start3A_6 : memref<1x50x128xf32, #tpu.memory_space<vmem>> -> memref<50x128xf32, #tpu.memory_space<vmem>>
    %dma_start3A_8 = arith.constant 0 : i32
    %dma_start3A_9 = tpu.memref_slice %arg5[%dma_start3A, %dma_start3A_8] : memref<128x50xi32, #tpu.memory_space<vmem>> -> memref<1x50xi32, #tpu.memory_space<vmem>>
    %dma_start3A_10 = tpu.memref_squeeze %dma_start3A_9 : memref<1x50xi32, #tpu.memory_space<vmem>> -> memref<50xi32, #tpu.memory_space<vmem>>
    %dma_start3A_11 = arith.constant 0 : i32
    %dma_start3A_12 = arith.constant 0 : i32
    %dma_start3A_13 = tpu.memref_slice %arg3[%dma_start3A_11, %dma_start3A_12] : memref<100000x128xf32, #tpu.memory_space<hbm>> -> memref<100000x128xf32, #tpu.memory_space<hbm>>
    tpu.enqueue_indirect_dma source(%dma_start3A_13 : memref<100000x128xf32, #tpu.memory_space<hbm>>) target(%dma_start3A_7 : memref<50x128xf32, #tpu.memory_space<vmem>>) offsets(%dma_start3A_10 : memref<50xi32, #tpu.memory_space<vmem>>) semaphore(%arg7 : memref<!tpu.dma_semaphore, #tpu.memory_space<semaphore_mem>>)
    %dma_start3A_14 = arith.constant 1 : i32
    %dma_start3A_15 = arith.constant 1 : i32
    %dma_start3A_16 = arith.constant 0 : i32
    %dma_start3A_17 = arith.constant 0 : i32
    %dma_start3A_18 = tpu.memref_slice %arg6[%dma_start3A_15, %dma_start3A_16, %dma_start3A_17] : memref<8x50x128xf32, #tpu.memory_space<vmem>> -> memref<1x50x128xf32, #tpu.memory_space<vmem>>
    %dma_start3A_19 = tpu.memref_squeeze %dma_start3A_18 : memref<1x50x128xf32, #tpu.memory_space<vmem>> -> memref<50x128xf32, #tpu.memory_space<vmem>>
    %dma_start3A_20 = arith.constant 0 : i32
    %dma_start3A_21 = tpu.memref_slice %arg5[%dma_start3A_14, %dma_start3A_20] : memref<128x50xi32, #tpu.memory_space<vmem>> -> memref<1x50xi32, #tpu.memory_space<vmem>>
    %dma_start3A_22 = tpu.memref_squeeze %dma_start3A_21 : memref<1x50xi32, #tpu.memory_space<vmem>> -> memref<50xi32, #tpu.memory_space<vmem>>
    %dma_start3A_23 = arith.constant 0 : i32
    %dma_start3A_24 = arith.constant 0 : i32
    %dma_start3A_25 = tpu.memref_slice %arg3[%dma_start3A_23, %dma_start3A_24] : memref<100000x128xf32, #tpu.memory_space<hbm>> -> memref<100000x128xf32, #tpu.memory_space<hbm>>
    tpu.enqueue_indirect_dma source(%dma_start3A_25 : memref<100000x128xf32, #tpu.memory_space<hbm>>) target(%dma_start3A_19 : memref<50x128xf32, #tpu.memory_space<vmem>>) offsets(%dma_start3A_22 : memref<50xi32, #tpu.memory_space<vmem>>) semaphore(%arg8 : memref<!tpu.dma_semaphore, #tpu.memory_space<semaphore_mem>>)
    %dma_start3A_26 = arith.constant 2 : i32
    %dma_start3A_27 = arith.constant 2 : i32
    %dma_start3A_28 = arith.constant 0 : i32
    %dma_start3A_29 = arith.constant 0 : i32
    %dma_start3A_30 = tpu.memref_slice %arg6[%dma_start3A_27, %dma_start3A_28, %dma_start3A_29] : memref<8x50x128xf32, #tpu.memory_space<vmem>> -> memref<1x50x128xf32, #tpu.memory_space<vmem>>
    %dma_start3A_31 = tpu.memref_squeeze %dma_start3A_30 : memref<1x50x128xf32, #tpu.memory_space<vmem>> -> memref<50x128xf32, #tpu.memory_space<vmem>>
    %dma_start3A_32 = arith.constant 0 : i32
    %dma_start3A_33 = tpu.memref_slice %arg5[%dma_start3A_26, %dma_start3A_32] : memref<128x50xi32, #tpu.memory_space<vmem>> -> memref<1x50xi32, #tpu.memory_space<vmem>>
    %dma_start3A_34 = tpu.memref_squeeze %dma_start3A_33 : memref<1x50xi32, #tpu.memory_space<vmem>> -> memref<50xi32, #tpu.memory_space<vmem>>
    %dma_start3A_35 = arith.constant 0 : i32
    %dma_start3A_36 = arith.constant 0 : i32
    %dma_start3A_37 = tpu.memref_slice %arg3[%dma_start3A_35, %dma_start3A_36] : memref<100000x128xf32, #tpu.memory_space<hbm>> -> memref<100000x128xf32, #tpu.memory_space<hbm>>
    tpu.enqueue_indirect_dma source(%dma_start3A_37 : memref<100000x128xf32, #tpu.memory_space<hbm>>) target(%dma_start3A_31 : memref<50x128xf32, #tpu.memory_space<vmem>>) offsets(%dma_start3A_34 : memref<50xi32, #tpu.memory_space<vmem>>) semaphore(%arg9 : memref<!tpu.dma_semaphore, #tpu.memory_space<semaphore_mem>>)
    %dma_start3A_38 = arith.constant 3 : i32
    %dma_start3A_39 = arith.constant 3 : i32
    %dma_start3A_40 = arith.constant 0 : i32
    %dma_start3A_41 = arith.constant 0 : i32
    %dma_start3A_42 = tpu.memref_slice %arg6[%dma_start3A_39, %dma_start3A_40, %dma_start3A_41] : memref<8x50x128xf32, #tpu.memory_space<vmem>> -> memref<1x50x128xf32, #tpu.memory_space<vmem>>
    %dma_start3A_43 = tpu.memref_squeeze %dma_start3A_42 : memref<1x50x128xf32, #tpu.memory_space<vmem>> -> memref<50x128xf32, #tpu.memory_space<vmem>>
    %dma_start3A_44 = arith.constant 0 : i32
    %dma_start3A_45 = tpu.memref_slice %arg5[%dma_start3A_38, %dma_start3A_44] : memref<128x50xi32, #tpu.memory_space<vmem>> -> memref<1x50xi32, #tpu.memory_space<vmem>>
    %dma_start3A_46 = tpu.memref_squeeze %dma_start3A_45 : memref<1x50xi32, #tpu.memory_space<vmem>> -> memref<50xi32, #tpu.memory_space<vmem>>
    %dma_start3A_47 = arith.constant 0 : i32
    %dma_start3A_48 = arith.constant 0 : i32
    %dma_start3A_49 = tpu.memref_slice %arg3[%dma_start3A_47, %dma_start3A_48] : memref<100000x128xf32, #tpu.memory_space<hbm>> -> memref<100000x128xf32, #tpu.memory_space<hbm>>
    tpu.enqueue_indirect_dma source(%dma_start3A_49 : memref<100000x128xf32, #tpu.memory_space<hbm>>) target(%dma_start3A_43 : memref<50x128xf32, #tpu.memory_space<vmem>>) offsets(%dma_start3A_46 : memref<50xi32, #tpu.memory_space<vmem>>) semaphore(%arg10 : memref<!tpu.dma_semaphore, #tpu.memory_space<semaphore_mem>>)
    %dma_start3A_50 = arith.constant 4 : i32
    %dma_start3A_51 = arith.constant 4 : i32
    %dma_start3A_52 = arith.constant 0 : i32
    %dma_start3A_53 = arith.constant 0 : i32
    %dma_start3A_54 = tpu.memref_slice %arg6[%dma_start3A_51, %dma_start3A_52, %dma_start3A_53] : memref<8x50x128xf32, #tpu.memory_space<vmem>> -> memref<1x50x128xf32, #tpu.memory_space<vmem>>
    %dma_start3A_55 = tpu.memref_squeeze %dma_start3A_54 : memref<1x50x128xf32, #tpu.memory_space<vmem>> -> memref<50x128xf32, #tpu.memory_space<vmem>>
    %dma_start3A_56 = arith.constant 0 : i32
    %dma_start3A_57 = tpu.memref_slice %arg5[%dma_start3A_50, %dma_start3A_56] : memref<128x50xi32, #tpu.memory_space<vmem>> -> memref<1x50xi32, #tpu.memory_space<vmem>>
    %dma_start3A_58 = tpu.memref_squeeze %dma_start3A_57 : memref<1x50xi32, #tpu.memory_space<vmem>> -> memref<50xi32, #tpu.memory_space<vmem>>
    %dma_start3A_59 = arith.constant 0 : i32
    %dma_start3A_60 = arith.constant 0 : i32
    %dma_start3A_61 = tpu.memref_slice %arg3[%dma_start3A_59, %dma_start3A_60] : memref<100000x128xf32, #tpu.memory_space<hbm>> -> memref<100000x128xf32, #tpu.memory_space<hbm>>
    tpu.enqueue_indirect_dma source(%dma_start3A_61 : memref<100000x128xf32, #tpu.memory_space<hbm>>) target(%dma_start3A_55 : memref<50x128xf32, #tpu.memory_space<vmem>>) offsets(%dma_start3A_58 : memref<50xi32, #tpu.memory_space<vmem>>) semaphore(%arg11 : memref<!tpu.dma_semaphore, #tpu.memory_space<semaphore_mem>>)
    %dma_wait3A = arith.constant 0 : i32
    %dma_wait3A_62 = arith.constant 0 : i32
    %dma_wait3A_63 = arith.constant 0 : i32
    %dma_wait3A_64 = arith.constant 0 : i32
    %dma_wait3A_65 = tpu.memref_slice %arg6[%dma_wait3A_62, %dma_wait3A_63, %dma_wait3A_64] : memref<8x50x128xf32, #tpu.memory_space<vmem>> -> memref<1x50x128xf32, #tpu.memory_space<vmem>>
    %dma_wait3A_66 = tpu.memref_squeeze %dma_wait3A_65 : memref<1x50x128xf32, #tpu.memory_space<vmem>> -> memref<50x128xf32, #tpu.memory_space<vmem>>
    %dma_wait3A_67 = arith.constant 0 : i32
    %dma_wait3A_68 = tpu.memref_slice %arg5[%dma_wait3A, %dma_wait3A_67] : memref<128x50xi32, #tpu.memory_space<vmem>> -> memref<1x50xi32, #tpu.memory_space<vmem>>
    %dma_wait3A_69 = tpu.memref_squeeze %dma_wait3A_68 : memref<1x50xi32, #tpu.memory_space<vmem>> -> memref<50xi32, #tpu.memory_space<vmem>>
    %dma_wait3A_70 = arith.constant 0 : i32
    %dma_wait3A_71 = arith.constant 0 : i32
    %dma_wait3A_72 = tpu.memref_slice %arg3[%dma_wait3A_70, %dma_wait3A_71] : memref<100000x128xf32, #tpu.memory_space<hbm>> -> memref<100000x128xf32, #tpu.memory_space<hbm>>
    tpu.wait_indirect_dma semaphore(%arg7 : memref<!tpu.dma_semaphore, #tpu.memory_space<semaphore_mem>>) src(%dma_wait3A_72 : memref<100000x128xf32, #tpu.memory_space<hbm>>) dst(%dma_wait3A_66 : memref<50x128xf32, #tpu.memory_space<vmem>>)
    %add3A_73 = arith.constant 0 : i32
    %add3A_74 = arith.addi %mul3A_2, %add3A_73 : i32
    %dma_start3A_75 = arith.constant 0 : i32
    %dma_start3A_76 = arith.constant 0 : i32
    %dma_start3A_77 = arith.constant 0 : i32
    %dma_start3A_78 = tpu.memref_slice %arg6[%dma_start3A_75, %dma_start3A_76, %dma_start3A_77] : memref<8x50x128xf32, #tpu.memory_space<vmem>> -> memref<1x50x128xf32, #tpu.memory_space<vmem>>
    %dma_start3A_79 = tpu.memref_squeeze %dma_start3A_78 : memref<1x50x128xf32, #tpu.memory_space<vmem>> -> memref<50x128xf32, #tpu.memory_space<vmem>>
    %dma_start3A_80 = arith.constant 0 : i32
    %dma_start3A_81 = arith.constant 0 : i32
    %dma_start3A_82 = tpu.memref_slice %arg4[%add3A_74, %dma_start3A_80, %dma_start3A_81] : memref<4096x50x128xf32, #tpu.memory_space<hbm>> -> memref<1x50x128xf32, #tpu.memory_space<hbm>>
    %dma_start3A_83 = tpu.memref_squeeze %dma_start3A_82 : memref<1x50x128xf32, #tpu.memory_space<hbm>> -> memref<50x128xf32, #tpu.memory_space<hbm>>
    %dma_start3A_84 = arith.constant 0 : i32
    %dma_start3A_85 = arith.constant 0 : i32
    %dma_start3A_86 = tpu.memref_slice %arg4[%add3A_74, %dma_start3A_84, %dma_start3A_85] : memref<4096x50x128xf32, #tpu.memory_space<hbm>> -> memref<1x50x128xf32, #tpu.memory_space<hbm>>
    %dma_start3A_87 = tpu.memref_squeeze %dma_start3A_86 : memref<1x50x128xf32, #tpu.memory_space<hbm>> -> memref<50x128xf32, #tpu.memory_space<hbm>>
    %dma_start3A_88 = arith.constant 0 : i32
    %dma_start3A_89 = arith.constant 0 : i32
    %dma_start3A_90 = tpu.memref_slice %arg6[%dma_start3A_75, %dma_start3A_88, %dma_start3A_89] : memref<8x50x128xf32, #tpu.memory_space<vmem>> -> memref<1x50x128xf32, #tpu.memory_space<vmem>>
    %dma_start3A_91 = tpu.memref_squeeze %dma_start3A_90 : memref<1x50x128xf32, #tpu.memory_space<vmem>> -> memref<50x128xf32, #tpu.memory_space<vmem>>
    tpu.enqueue_dma source(%dma_start3A_91 : memref<50x128xf32, #tpu.memory_space<vmem>>) target(%dma_start3A_87 : memref<50x128xf32, #tpu.memory_space<hbm>>) target_semaphore(%arg15 : memref<!tpu.dma_semaphore, #tpu.memory_space<semaphore_mem>>)
    %dma_start3A_92 = arith.constant 5 : i32
    %dma_start3A_93 = arith.constant 5 : i32
    %dma_start3A_94 = arith.constant 0 : i32
    %dma_start3A_95 = arith.constant 0 : i32
    %dma_start3A_96 = tpu.memref_slice %arg6[%dma_start3A_93, %dma_start3A_94, %dma_start3A_95] : memref<8x50x128xf32, #tpu.memory_space<vmem>> -> memref<1x50x128xf32, #tpu.memory_space<vmem>>
    %dma_start3A_97 = tpu.memref_squeeze %dma_start3A_96 : memref<1x50x128xf32, #tpu.memory_space<vmem>> -> memref<50x128xf32, #tpu.memory_space<vmem>>
    %dma_start3A_98 = arith.constant 0 : i32
    %dma_start3A_99 = tpu.memref_slice %arg5[%dma_start3A_92, %dma_start3A_98] : memref<128x50xi32, #tpu.memory_space<vmem>> -> memref<1x50xi32, #tpu.memory_space<vmem>>
    %dma_start3A_100 = tpu.memref_squeeze %dma_start3A_99 : memref<1x50xi32, #tpu.memory_space<vmem>> -> memref<50xi32, #tpu.memory_space<vmem>>
    %dma_start3A_101 = arith.constant 0 : i32
    %dma_start3A_102 = arith.constant 0 : i32
    %dma_start3A_103 = tpu.memref_slice %arg3[%dma_start3A_101, %dma_start3A_102] : memref<100000x128xf32, #tpu.memory_space<hbm>> -> memref<100000x128xf32, #tpu.memory_space<hbm>>
    tpu.enqueue_indirect_dma source(%dma_start3A_103 : memref<100000x128xf32, #tpu.memory_space<hbm>>) target(%dma_start3A_97 : memref<50x128xf32, #tpu.memory_space<vmem>>) offsets(%dma_start3A_100 : memref<50xi32, #tpu.memory_space<vmem>>) semaphore(%arg12 : memref<!tpu.dma_semaphore, #tpu.memory_space<semaphore_mem>>)
    %dma_wait3A_104 = arith.constant 1 : i32
    %dma_wait3A_105 = arith.constant 1 : i32
    %dma_wait3A_106 = arith.constant 0 : i32
    %dma_wait3A_107 = arith.constant 0 : i32
    %dma_wait3A_108 = tpu.memref_slice %arg6[%dma_wait3A_105, %dma_wait3A_106, %dma_wait3A_107] : memref<8x50x128xf32, #tpu.memory_space<vmem>> -> memref<1x50x128xf32, #tpu.memory_space<vmem>>
    %dma_wait3A_109 = tpu.memref_squeeze %dma_wait3A_108 : memref<1x50x128xf32, #tpu.memory_space<vmem>> -> memref<50x128xf32, #tpu.memory_space<vmem>>
    %dma_wait3A_110 = arith.constant 0 : i32
    %dma_wait3A_111 = tpu.memref_slice %arg5[%dma_wait3A_104, %dma_wait3A_110] : memref<128x50xi32, #tpu.memory_space<vmem>> -> memref<1x50xi32, #tpu.memory_space<vmem>>
    %dma_wait3A_112 = tpu.memref_squeeze %dma_wait3A_111 : memref<1x50xi32, #tpu.memory_space<vmem>> -> memref<50xi32, #tpu.memory_space<vmem>>
    %dma_wait3A_113 = arith.constant 0 : i32
    %dma_wait3A_114 = arith.constant 0 : i32
    %dma_wait3A_115 = tpu.memref_slice %arg3[%dma_wait3A_113, %dma_wait3A_114] : memref<100000x128xf32, #tpu.memory_space<hbm>> -> memref<100000x128xf32, #tpu.memory_space<hbm>>
    tpu.wait_indirect_dma semaphore(%arg8 : memref<!tpu.dma_semaphore, #tpu.memory_space<semaphore_mem>>) src(%dma_wait3A_115 : memref<100000x128xf32, #tpu.memory_space<hbm>>) dst(%dma_wait3A_109 : memref<50x128xf32, #tpu.memory_space<vmem>>)
    %add3A_116 = arith.constant 1 : i32
    %add3A_117 = arith.addi %mul3A_2, %add3A_116 : i32
    %dma_start3A_118 = arith.constant 1 : i32
    %dma_start3A_119 = arith.constant 0 : i32
    %dma_start3A_120 = arith.constant 0 : i32
    %dma_start3A_121 = tpu.memref_slice %arg6[%dma_start3A_118, %dma_start3A_119, %dma_start3A_120] : memref<8x50x128xf32, #tpu.memory_space<vmem>> -> memref<1x50x128xf32, #tpu.memory_space<vmem>>
    %dma_start3A_122 = tpu.memref_squeeze %dma_start3A_121 : memref<1x50x128xf32, #tpu.memory_space<vmem>> -> memref<50x128xf32, #tpu.memory_space<vmem>>
    %dma_start3A_123 = arith.constant 0 : i32
    %dma_start3A_124 = arith.constant 0 : i32
    %dma_start3A_125 = tpu.memref_slice %arg4[%add3A_117, %dma_start3A_123, %dma_start3A_124] : memref<4096x50x128xf32, #tpu.memory_space<hbm>> -> memref<1x50x128xf32, #tpu.memory_space<hbm>>
    %dma_start3A_126 = tpu.memref_squeeze %dma_start3A_125 : memref<1x50x128xf32, #tpu.memory_space<hbm>> -> memref<50x128xf32, #tpu.memory_space<hbm>>
    %dma_start3A_127 = arith.constant 0 : i32
    %dma_start3A_128 = arith.constant 0 : i32
    %dma_start3A_129 = tpu.memref_slice %arg4[%add3A_117, %dma_start3A_127, %dma_start3A_128] : memref<4096x50x128xf32, #tpu.memory_space<hbm>> -> memref<1x50x128xf32, #tpu.memory_space<hbm>>
    %dma_start3A_130 = tpu.memref_squeeze %dma_start3A_129 : memref<1x50x128xf32, #tpu.memory_space<hbm>> -> memref<50x128xf32, #tpu.memory_space<hbm>>
    %dma_start3A_131 = arith.constant 0 : i32
    %dma_start3A_132 = arith.constant 0 : i32
    %dma_start3A_133 = tpu.memref_slice %arg6[%dma_start3A_118, %dma_start3A_131, %dma_start3A_132] : memref<8x50x128xf32, #tpu.memory_space<vmem>> -> memref<1x50x128xf32, #tpu.memory_space<vmem>>
    %dma_start3A_134 = tpu.memref_squeeze %dma_start3A_133 : memref<1x50x128xf32, #tpu.memory_space<vmem>> -> memref<50x128xf32, #tpu.memory_space<vmem>>
    tpu.enqueue_dma source(%dma_start3A_134 : memref<50x128xf32, #tpu.memory_space<vmem>>) target(%dma_start3A_130 : memref<50x128xf32, #tpu.memory_space<hbm>>) target_semaphore(%arg16 : memref<!tpu.dma_semaphore, #tpu.memory_space<semaphore_mem>>)
    %dma_start3A_135 = arith.constant 6 : i32
    %dma_start3A_136 = arith.constant 6 : i32
    %dma_start3A_137 = arith.constant 0 : i32
    %dma_start3A_138 = arith.constant 0 : i32
    %dma_start3A_139 = tpu.memref_slice %arg6[%dma_start3A_136, %dma_start3A_137, %dma_start3A_138] : memref<8x50x128xf32, #tpu.memory_space<vmem>> -> memref<1x50x128xf32, #tpu.memory_space<vmem>>
    %dma_start3A_140 = tpu.memref_squeeze %dma_start3A_139 : memref<1x50x128xf32, #tpu.memory_space<vmem>> -> memref<50x128xf32, #tpu.memory_space<vmem>>
    %dma_start3A_141 = arith.constant 0 : i32
    %dma_start3A_142 = tpu.memref_slice %arg5[%dma_start3A_135, %dma_start3A_141] : memref<128x50xi32, #tpu.memory_space<vmem>> -> memref<1x50xi32, #tpu.memory_space<vmem>>
    %dma_start3A_143 = tpu.memref_squeeze %dma_start3A_142 : memref<1x50xi32, #tpu.memory_space<vmem>> -> memref<50xi32, #tpu.memory_space<vmem>>
    %dma_start3A_144 = arith.constant 0 : i32
    %dma_start3A_145 = arith.constant 0 : i32
    %dma_start3A_146 = tpu.memref_slice %arg3[%dma_start3A_144, %dma_start3A_145] : memref<100000x128xf32, #tpu.memory_space<hbm>> -> memref<100000x128xf32, #tpu.memory_space<hbm>>
    tpu.enqueue_indirect_dma source(%dma_start3A_146 : memref<100000x128xf32, #tpu.memory_space<hbm>>) target(%dma_start3A_140 : memref<50x128xf32, #tpu.memory_space<vmem>>) offsets(%dma_start3A_143 : memref<50xi32, #tpu.memory_space<vmem>>) semaphore(%arg13 : memref<!tpu.dma_semaphore, #tpu.memory_space<semaphore_mem>>)
    %dma_wait3A_147 = arith.constant 2 : i32
    %dma_wait3A_148 = arith.constant 2 : i32
    %dma_wait3A_149 = arith.constant 0 : i32
    %dma_wait3A_150 = arith.constant 0 : i32
    %dma_wait3A_151 = tpu.memref_slice %arg6[%dma_wait3A_148, %dma_wait3A_149, %dma_wait3A_150] : memref<8x50x128xf32, #tpu.memory_space<vmem>> -> memref<1x50x128xf32, #tpu.memory_space<vmem>>
    %dma_wait3A_152 = tpu.memref_squeeze %dma_wait3A_151 : memref<1x50x128xf32, #tpu.memory_space<vmem>> -> memref<50x128xf32, #tpu.memory_space<vmem>>
    %dma_wait3A_153 = arith.constant 0 : i32
    %dma_wait3A_154 = tpu.memref_slice %arg5[%dma_wait3A_147, %dma_wait3A_153] : memref<128x50xi32, #tpu.memory_space<vmem>> -> memref<1x50xi32, #tpu.memory_space<vmem>>
    %dma_wait3A_155 = tpu.memref_squeeze %dma_wait3A_154 : memref<1x50xi32, #tpu.memory_space<vmem>> -> memref<50xi32, #tpu.memory_space<vmem>>
    %dma_wait3A_156 = arith.constant 0 : i32
    %dma_wait3A_157 = arith.constant 0 : i32
    %dma_wait3A_158 = tpu.memref_slice %arg3[%dma_wait3A_156, %dma_wait3A_157] : memref<100000x128xf32, #tpu.memory_space<hbm>> -> memref<100000x128xf32, #tpu.memory_space<hbm>>
    tpu.wait_indirect_dma semaphore(%arg9 : memref<!tpu.dma_semaphore, #tpu.memory_space<semaphore_mem>>) src(%dma_wait3A_158 : memref<100000x128xf32, #tpu.memory_space<hbm>>) dst(%dma_wait3A_152 : memref<50x128xf32, #tpu.memory_space<vmem>>)
    %add3A_159 = arith.constant 2 : i32
    %add3A_160 = arith.addi %mul3A_2, %add3A_159 : i32
    %dma_start3A_161 = arith.constant 2 : i32
    %dma_start3A_162 = arith.constant 0 : i32
    %dma_start3A_163 = arith.constant 0 : i32
    %dma_start3A_164 = tpu.memref_slice %arg6[%dma_start3A_161, %dma_start3A_162, %dma_start3A_163] : memref<8x50x128xf32, #tpu.memory_space<vmem>> -> memref<1x50x128xf32, #tpu.memory_space<vmem>>
    %dma_start3A_165 = tpu.memref_squeeze %dma_start3A_164 : memref<1x50x128xf32, #tpu.memory_space<vmem>> -> memref<50x128xf32, #tpu.memory_space<vmem>>
    %dma_start3A_166 = arith.constant 0 : i32
    %dma_start3A_167 = arith.constant 0 : i32
    %dma_start3A_168 = tpu.memref_slice %arg4[%add3A_160, %dma_start3A_166, %dma_start3A_167] : memref<4096x50x128xf32, #tpu.memory_space<hbm>> -> memref<1x50x128xf32, #tpu.memory_space<hbm>>
    %dma_start3A_169 = tpu.memref_squeeze %dma_start3A_168 : memref<1x50x128xf32, #tpu.memory_space<hbm>> -> memref<50x128xf32, #tpu.memory_space<hbm>>
    %dma_start3A_170 = arith.constant 0 : i32
    %dma_start3A_171 = arith.constant 0 : i32
    %dma_start3A_172 = tpu.memref_slice %arg4[%add3A_160, %dma_start3A_170, %dma_start3A_171] : memref<4096x50x128xf32, #tpu.memory_space<hbm>> -> memref<1x50x128xf32, #tpu.memory_space<hbm>>
    %dma_start3A_173 = tpu.memref_squeeze %dma_start3A_172 : memref<1x50x128xf32, #tpu.memory_space<hbm>> -> memref<50x128xf32, #tpu.memory_space<hbm>>
    %dma_start3A_174 = arith.constant 0 : i32
    %dma_start3A_175 = arith.constant 0 : i32
    %dma_start3A_176 = tpu.memref_slice %arg6[%dma_start3A_161, %dma_start3A_174, %dma_start3A_175] : memref<8x50x128xf32, #tpu.memory_space<vmem>> -> memref<1x50x128xf32, #tpu.memory_space<vmem>>
    %dma_start3A_177 = tpu.memref_squeeze %dma_start3A_176 : memref<1x50x128xf32, #tpu.memory_space<vmem>> -> memref<50x128xf32, #tpu.memory_space<vmem>>
    tpu.enqueue_dma source(%dma_start3A_177 : memref<50x128xf32, #tpu.memory_space<vmem>>) target(%dma_start3A_173 : memref<50x128xf32, #tpu.memory_space<hbm>>) target_semaphore(%arg17 : memref<!tpu.dma_semaphore, #tpu.memory_space<semaphore_mem>>)
    %dma_start3A_178 = arith.constant 7 : i32
    %dma_start3A_179 = arith.constant 7 : i32
    %dma_start3A_180 = arith.constant 0 : i32
    %dma_start3A_181 = arith.constant 0 : i32
    %dma_start3A_182 = tpu.memref_slice %arg6[%dma_start3A_179, %dma_start3A_180, %dma_start3A_181] : memref<8x50x128xf32, #tpu.memory_space<vmem>> -> memref<1x50x128xf32, #tpu.memory_space<vmem>>
    %dma_start3A_183 = tpu.memref_squeeze %dma_start3A_182 : memref<1x50x128xf32, #tpu.memory_space<vmem>> -> memref<50x128xf32, #tpu.memory_space<vmem>>
    %dma_start3A_184 = arith.constant 0 : i32
    %dma_start3A_185 = tpu.memref_slice %arg5[%dma_start3A_178, %dma_start3A_184] : memref<128x50xi32, #tpu.memory_space<vmem>> -> memref<1x50xi32, #tpu.memory_space<vmem>>
    %dma_start3A_186 = tpu.memref_squeeze %dma_start3A_185 : memref<1x50xi32, #tpu.memory_space<vmem>> -> memref<50xi32, #tpu.memory_space<vmem>>
    %dma_start3A_187 = arith.constant 0 : i32
    %dma_start3A_188 = arith.constant 0 : i32
    %dma_start3A_189 = tpu.memref_slice %arg3[%dma_start3A_187, %dma_start3A_188] : memref<100000x128xf32, #tpu.memory_space<hbm>> -> memref<100000x128xf32, #tpu.memory_space<hbm>>
    tpu.enqueue_indirect_dma source(%dma_start3A_189 : memref<100000x128xf32, #tpu.memory_space<hbm>>) target(%dma_start3A_183 : memref<50x128xf32, #tpu.memory_space<vmem>>) offsets(%dma_start3A_186 : memref<50xi32, #tpu.memory_space<vmem>>) semaphore(%arg14 : memref<!tpu.dma_semaphore, #tpu.memory_space<semaphore_mem>>)
    %dma_wait3A_190 = arith.constant 3 : i32
    %dma_wait3A_191 = arith.constant 3 : i32
    %dma_wait3A_192 = arith.constant 0 : i32
    %dma_wait3A_193 = arith.constant 0 : i32
    %dma_wait3A_194 = tpu.memref_slice %arg6[%dma_wait3A_191, %dma_wait3A_192, %dma_wait3A_193] : memref<8x50x128xf32, #tpu.memory_space<vmem>> -> memref<1x50x128xf32, #tpu.memory_space<vmem>>
    %dma_wait3A_195 = tpu.memref_squeeze %dma_wait3A_194 : memref<1x50x128xf32, #tpu.memory_space<vmem>> -> memref<50x128xf32, #tpu.memory_space<vmem>>
    %dma_wait3A_196 = arith.constant 0 : i32
    %dma_wait3A_197 = tpu.memref_slice %arg5[%dma_wait3A_190, %dma_wait3A_196] : memref<128x50xi32, #tpu.memory_space<vmem>> -> memref<1x50xi32, #tpu.memory_space<vmem>>
    %dma_wait3A_198 = tpu.memref_squeeze %dma_wait3A_197 : memref<1x50xi32, #tpu.memory_space<vmem>> -> memref<50xi32, #tpu.memory_space<vmem>>
    %dma_wait3A_199 = arith.constant 0 : i32
    %dma_wait3A_200 = arith.constant 0 : i32
    %dma_wait3A_201 = tpu.memref_slice %arg3[%dma_wait3A_199, %dma_wait3A_200] : memref<100000x128xf32, #tpu.memory_space<hbm>> -> memref<100000x128xf32, #tpu.memory_space<hbm>>
    tpu.wait_indirect_dma semaphore(%arg10 : memref<!tpu.dma_semaphore, #tpu.memory_space<semaphore_mem>>) src(%dma_wait3A_201 : memref<100000x128xf32, #tpu.memory_space<hbm>>) dst(%dma_wait3A_195 : memref<50x128xf32, #tpu.memory_space<vmem>>)
    %add3A_202 = arith.constant 3 : i32
    %add3A_203 = arith.addi %mul3A_2, %add3A_202 : i32
    %dma_start3A_204 = arith.constant 3 : i32
    %dma_start3A_205 = arith.constant 0 : i32
    %dma_start3A_206 = arith.constant 0 : i32
    %dma_start3A_207 = tpu.memref_slice %arg6[%dma_start3A_204, %dma_start3A_205, %dma_start3A_206] : memref<8x50x128xf32, #tpu.memory_space<vmem>> -> memref<1x50x128xf32, #tpu.memory_space<vmem>>
    %dma_start3A_208 = tpu.memref_squeeze %dma_start3A_207 : memref<1x50x128xf32, #tpu.memory_space<vmem>> -> memref<50x128xf32, #tpu.memory_space<vmem>>
    %dma_start3A_209 = arith.constant 0 : i32
    %dma_start3A_210 = arith.constant 0 : i32
    %dma_start3A_211 = tpu.memref_slice %arg4[%add3A_203, %dma_start3A_209, %dma_start3A_210] : memref<4096x50x128xf32, #tpu.memory_space<hbm>> -> memref<1x50x128xf32, #tpu.memory_space<hbm>>
    %dma_start3A_212 = tpu.memref_squeeze %dma_start3A_211 : memref<1x50x128xf32, #tpu.memory_space<hbm>> -> memref<50x128xf32, #tpu.memory_space<hbm>>
    %dma_start3A_213 = arith.constant 0 : i32
    %dma_start3A_214 = arith.constant 0 : i32
    %dma_start3A_215 = tpu.memref_slice %arg4[%add3A_203, %dma_start3A_213, %dma_start3A_214] : memref<4096x50x128xf32, #tpu.memory_space<hbm>> -> memref<1x50x128xf32, #tpu.memory_space<hbm>>
    %dma_start3A_216 = tpu.memref_squeeze %dma_start3A_215 : memref<1x50x128xf32, #tpu.memory_space<hbm>> -> memref<50x128xf32, #tpu.memory_space<hbm>>
    %dma_start3A_217 = arith.constant 0 : i32
    %dma_start3A_218 = arith.constant 0 : i32
    %dma_start3A_219 = tpu.memref_slice %arg6[%dma_start3A_204, %dma_start3A_217, %dma_start3A_218] : memref<8x50x128xf32, #tpu.memory_space<vmem>> -> memref<1x50x128xf32, #tpu.memory_space<vmem>>
    %dma_start3A_220 = tpu.memref_squeeze %dma_start3A_219 : memref<1x50x128xf32, #tpu.memory_space<vmem>> -> memref<50x128xf32, #tpu.memory_space<vmem>>
    tpu.enqueue_dma source(%dma_start3A_220 : memref<50x128xf32, #tpu.memory_space<vmem>>) target(%dma_start3A_216 : memref<50x128xf32, #tpu.memory_space<hbm>>) target_semaphore(%arg18 : memref<!tpu.dma_semaphore, #tpu.memory_space<semaphore_mem>>)
    %add3A_221 = arith.constant 0 : i32
    %add3A_222 = arith.addi %mul3A_2, %add3A_221 : i32
    %dma_wait3A_223 = arith.constant 0 : i32
    %dma_wait3A_224 = arith.constant 0 : i32
    %dma_wait3A_225 = arith.constant 0 : i32
    %dma_wait3A_226 = tpu.memref_slice %arg6[%dma_wait3A_223, %dma_wait3A_224, %dma_wait3A_225] : memref<8x50x128xf32, #tpu.memory_space<vmem>> -> memref<1x50x128xf32, #tpu.memory_space<vmem>>
    %dma_wait3A_227 = tpu.memref_squeeze %dma_wait3A_226 : memref<1x50x128xf32, #tpu.memory_space<vmem>> -> memref<50x128xf32, #tpu.memory_space<vmem>>
    %dma_wait3A_228 = arith.constant 0 : i32
    %dma_wait3A_229 = arith.constant 0 : i32
    %dma_wait3A_230 = tpu.memref_slice %arg4[%add3A_222, %dma_wait3A_228, %dma_wait3A_229] : memref<4096x50x128xf32, #tpu.memory_space<hbm>> -> memref<1x50x128xf32, #tpu.memory_space<hbm>>
    %dma_wait3A_231 = tpu.memref_squeeze %dma_wait3A_230 : memref<1x50x128xf32, #tpu.memory_space<hbm>> -> memref<50x128xf32, #tpu.memory_space<hbm>>
    %dma_wait3A_232 = arith.constant 0 : i32
    %dma_wait3A_233 = arith.constant 0 : i32
    %dma_wait3A_234 = tpu.memref_slice %arg4[%add3A_222, %dma_wait3A_232, %dma_wait3A_233] : memref<4096x50x128xf32, #tpu.memory_space<hbm>> -> memref<1x50x128xf32, #tpu.memory_space<hbm>>
    %dma_wait3A_235 = tpu.memref_squeeze %dma_wait3A_234 : memref<1x50x128xf32, #tpu.memory_space<hbm>> -> memref<50x128xf32, #tpu.memory_space<hbm>>
    %dma_wait3A_236 = arith.constant 0 : i32
    %dma_wait3A_237 = arith.constant 0 : i32
    %dma_wait3A_238 = tpu.memref_slice %arg6[%dma_wait3A_223, %dma_wait3A_236, %dma_wait3A_237] : memref<8x50x128xf32, #tpu.memory_space<vmem>> -> memref<1x50x128xf32, #tpu.memory_space<vmem>>
    %dma_wait3A_239 = tpu.memref_squeeze %dma_wait3A_238 : memref<1x50x128xf32, #tpu.memory_space<vmem>> -> memref<50x128xf32, #tpu.memory_space<vmem>>
    tpu.wait_dma2 semaphore(%arg15 : memref<!tpu.dma_semaphore, #tpu.memory_space<semaphore_mem>>) src(%dma_wait3A_239 : memref<50x128xf32, #tpu.memory_space<vmem>>) dst(%dma_wait3A_235 : memref<50x128xf32, #tpu.memory_space<hbm>>)
    %dma_start3A_240 = arith.constant 8 : i32
    %dma_start3A_241 = arith.constant 0 : i32
    %dma_start3A_242 = arith.constant 0 : i32
    %dma_start3A_243 = arith.constant 0 : i32
    %dma_start3A_244 = tpu.memref_slice %arg6[%dma_start3A_241, %dma_start3A_242, %dma_start3A_243] : memref<8x50x128xf32, #tpu.memory_space<vmem>> -> memref<1x50x128xf32, #tpu.memory_space<vmem>>
    %dma_start3A_245 = tpu.memref_squeeze %dma_start3A_244 : memref<1x50x128xf32, #tpu.memory_space<vmem>> -> memref<50x128xf32, #tpu.memory_space<vmem>>
    %dma_start3A_246 = arith.constant 0 : i32
    %dma_start3A_247 = tpu.memref_slice %arg5[%dma_start3A_240, %dma_start3A_246] : memref<128x50xi32, #tpu.memory_space<vmem>> -> memref<1x50xi32, #tpu.memory_space<vmem>>
    %dma_start3A_248 = tpu.memref_squeeze %dma_start3A_247 : memref<1x50xi32, #tpu.memory_space<vmem>> -> memref<50xi32, #tpu.memory_space<vmem>>
    %dma_start3A_249 = arith.constant 0 : i32
    %dma_start3A_250 = arith.constant 0 : i32
    %dma_start3A_251 = tpu.memref_slice %arg3[%dma_start3A_249, %dma_start3A_250] : memref<100000x128xf32, #tpu.memory_space<hbm>> -> memref<100000x128xf32, #tpu.memory_space<hbm>>
    tpu.enqueue_indirect_dma source(%dma_start3A_251 : memref<100000x128xf32, #tpu.memory_space<hbm>>) target(%dma_start3A_245 : memref<50x128xf32, #tpu.memory_space<vmem>>) offsets(%dma_start3A_248 : memref<50xi32, #tpu.memory_space<vmem>>) semaphore(%arg7 : memref<!tpu.dma_semaphore, #tpu.memory_space<semaphore_mem>>)
    %dma_wait3A_252 = arith.constant 4 : i32
    %dma_wait3A_253 = arith.constant 4 : i32
    %dma_wait3A_254 = arith.constant 0 : i32
    %dma_wait3A_255 = arith.constant 0 : i32
    %dma_wait3A_256 = tpu.memref_slice %arg6[%dma_wait3A_253, %dma_wait3A_254, %dma_wait3A_255] : memref<8x50x128xf32, #tpu.memory_space<vmem>> -> memref<1x50x128xf32, #tpu.memory_space<vmem>>
    %dma_wait3A_257 = tpu.memref_squeeze %dma_wait3A_256 : memref<1x50x128xf32, #tpu.memory_space<vmem>> -> memref<50x128xf32, #tpu.memory_space<vmem>>
    %dma_wait3A_258 = arith.constant 0 : i32
    %dma_wait3A_259 = tpu.memref_slice %arg5[%dma_wait3A_252, %dma_wait3A_258] : memref<128x50xi32, #tpu.memory_space<vmem>> -> memref<1x50xi32, #tpu.memory_space<vmem>>
    %dma_wait3A_260 = tpu.memref_squeeze %dma_wait3A_259 : memref<1x50xi32, #tpu.memory_space<vmem>> -> memref<50xi32, #tpu.memory_space<vmem>>
    %dma_wait3A_261 = arith.constant 0 : i32
    %dma_wait3A_262 = arith.constant 0 : i32
    %dma_wait3A_263 = tpu.memref_slice %arg3[%dma_wait3A_261, %dma_wait3A_262] : memref<100000x128xf32, #tpu.memory_space<hbm>> -> memref<100000x128xf32, #tpu.memory_space<hbm>>
    tpu.wait_indirect_dma semaphore(%arg11 : memref<!tpu.dma_semaphore, #tpu.memory_space<semaphore_mem>>) src(%dma_wait3A_263 : memref<100000x128xf32, #tpu.memory_space<hbm>>) dst(%dma_wait3A_257 : memref<50x128xf32, #tpu.memory_space<vmem>>)
    %add3A_264 = arith.constant 4 : i32
    %add3A_265 = arith.addi %mul3A_2, %add3A_264 : i32
    %dma_start3A_266 = arith.constant 4 : i32
    %dma_start3A_267 = arith.constant 0 : i32
    %dma_start3A_268 = arith.constant 0 : i32
    %dma_start3A_269 = tpu.memref_slice %arg6[%dma_start3A_266, %dma_start3A_267, %dma_start3A_268] : memref<8x50x128xf32, #tpu.memory_space<vmem>> -> memref<1x50x128xf32, #tpu.memory_space<vmem>>
    %dma_start3A_270 = tpu.memref_squeeze %dma_start3A_269 : memref<1x50x128xf32, #tpu.memory_space<vmem>> -> memref<50x128xf32, #tpu.memory_space<vmem>>
    %dma_start3A_271 = arith.constant 0 : i32
    %dma_start3A_272 = arith.constant 0 : i32
    %dma_start3A_273 = tpu.memref_slice %arg4[%add3A_265, %dma_start3A_271, %dma_start3A_272] : memref<4096x50x128xf32, #tpu.memory_space<hbm>> -> memref<1x50x128xf32, #tpu.memory_space<hbm>>
    %dma_start3A_274 = tpu.memref_squeeze %dma_start3A_273 : memref<1x50x128xf32, #tpu.memory_space<hbm>> -> memref<50x128xf32, #tpu.memory_space<hbm>>
    %dma_start3A_275 = arith.constant 0 : i32
    %dma_start3A_276 = arith.constant 0 : i32
    %dma_start3A_277 = tpu.memref_slice %arg4[%add3A_265, %dma_start3A_275, %dma_start3A_276] : memref<4096x50x128xf32, #tpu.memory_space<hbm>> -> memref<1x50x128xf32, #tpu.memory_space<hbm>>
    %dma_start3A_278 = tpu.memref_squeeze %dma_start3A_277 : memref<1x50x128xf32, #tpu.memory_space<hbm>> -> memref<50x128xf32, #tpu.memory_space<hbm>>
    %dma_start3A_279 = arith.constant 0 : i32
    %dma_start3A_280 = arith.constant 0 : i32
    %dma_start3A_281 = tpu.memref_slice %arg6[%dma_start3A_266, %dma_start3A_279, %dma_start3A_280] : memref<8x50x128xf32, #tpu.memory_space<vmem>> -> memref<1x50x128xf32, #tpu.memory_space<vmem>>
    %dma_start3A_282 = tpu.memref_squeeze %dma_start3A_281 : memref<1x50x128xf32, #tpu.memory_space<vmem>> -> memref<50x128xf32, #tpu.memory_space<vmem>>
    tpu.enqueue_dma source(%dma_start3A_282 : memref<50x128xf32, #tpu.memory_space<vmem>>) target(%dma_start3A_278 : memref<50x128xf32, #tpu.memory_space<hbm>>) target_semaphore(%arg19 : memref<!tpu.dma_semaphore, #tpu.memory_space<semaphore_mem>>)
    %add3A_283 = arith.constant 1 : i32
    %add3A_284 = arith.addi %mul3A_2, %add3A_283 : i32
    %dma_wait3A_285 = arith.constant 1 : i32
    %dma_wait3A_286 = arith.constant 0 : i32
    %dma_wait3A_287 = arith.constant 0 : i32
    %dma_wait3A_288 = tpu.memref_slice %arg6[%dma_wait3A_285, %dma_wait3A_286, %dma_wait3A_287] : memref<8x50x128xf32, #tpu.memory_space<vmem>> -> memref<1x50x128xf32, #tpu.memory_space<vmem>>
    %dma_wait3A_289 = tpu.memref_squeeze %dma_wait3A_288 : memref<1x50x128xf32, #tpu.memory_space<vmem>> -> memref<50x128xf32, #tpu.memory_space<vmem>>
    %dma_wait3A_290 = arith.constant 0 : i32
    %dma_wait3A_291 = arith.constant 0 : i32
    %dma_wait3A_292 = tpu.memref_slice %arg4[%add3A_284, %dma_wait3A_290, %dma_wait3A_291] : memref<4096x50x128xf32, #tpu.memory_space<hbm>> -> memref<1x50x128xf32, #tpu.memory_space<hbm>>
    %dma_wait3A_293 = tpu.memref_squeeze %dma_wait3A_292 : memref<1x50x128xf32, #tpu.memory_space<hbm>> -> memref<50x128xf32, #tpu.memory_space<hbm>>
    %dma_wait3A_294 = arith.constant 0 : i32
    %dma_wait3A_295 = arith.constant 0 : i32
    %dma_wait3A_296 = tpu.memref_slice %arg4[%add3A_284, %dma_wait3A_294, %dma_wait3A_295] : memref<4096x50x128xf32, #tpu.memory_space<hbm>> -> memref<1x50x128xf32, #tpu.memory_space<hbm>>
    %dma_wait3A_297 = tpu.memref_squeeze %dma_wait3A_296 : memref<1x50x128xf32, #tpu.memory_space<hbm>> -> memref<50x128xf32, #tpu.memory_space<hbm>>
    %dma_wait3A_298 = arith.constant 0 : i32
    %dma_wait3A_299 = arith.constant 0 : i32
    %dma_wait3A_300 = tpu.memref_slice %arg6[%dma_wait3A_285, %dma_wait3A_298, %dma_wait3A_299] : memref<8x50x128xf32, #tpu.memory_space<vmem>> -> memref<1x50x128xf32, #tpu.memory_space<vmem>>
    %dma_wait3A_301 = tpu.memref_squeeze %dma_wait3A_300 : memref<1x50x128xf32, #tpu.memory_space<vmem>> -> memref<50x128xf32, #tpu.memory_space<vmem>>
    tpu.wait_dma2 semaphore(%arg16 : memref<!tpu.dma_semaphore, #tpu.memory_space<semaphore_mem>>) src(%dma_wait3A_301 : memref<50x128xf32, #tpu.memory_space<vmem>>) dst(%dma_wait3A_297 : memref<50x128xf32, #tpu.memory_space<hbm>>)
    %dma_start3A_302 = arith.constant 9 : i32
    %dma_start3A_303 = arith.constant 1 : i32
    %dma_start3A_304 = arith.constant 0 : i32
    %dma_start3A_305 = arith.constant 0 : i32
    %dma_start3A_306 = tpu.memref_slice %arg6[%dma_start3A_303, %dma_start3A_304, %dma_start3A_305] : memref<8x50x128xf32, #tpu.memory_space<vmem>> -> memref<1x50x128xf32, #tpu.memory_space<vmem>>
    %dma_start3A_307 = tpu.memref_squeeze %dma_start3A_306 : memref<1x50x128xf32, #tpu.memory_space<vmem>> -> memref<50x128xf32, #tpu.memory_space<vmem>>
    %dma_start3A_308 = arith.constant 0 : i32
    %dma_start3A_309 = tpu.memref_slice %arg5[%dma_start3A_302, %dma_start3A_308] : memref<128x50xi32, #tpu.memory_space<vmem>> -> memref<1x50xi32, #tpu.memory_space<vmem>>
    %dma_start3A_310 = tpu.memref_squeeze %dma_start3A_309 : memref<1x50xi32, #tpu.memory_space<vmem>> -> memref<50xi32, #tpu.memory_space<vmem>>
    %dma_start3A_311 = arith.constant 0 : i32
    %dma_start3A_312 = arith.constant 0 : i32
    %dma_start3A_313 = tpu.memref_slice %arg3[%dma_start3A_311, %dma_start3A_312] : memref<100000x128xf32, #tpu.memory_space<hbm>> -> memref<100000x128xf32, #tpu.memory_space<hbm>>
    tpu.enqueue_indirect_dma source(%dma_start3A_313 : memref<100000x128xf32, #tpu.memory_space<hbm>>) target(%dma_start3A_307 : memref<50x128xf32, #tpu.memory_space<vmem>>) offsets(%dma_start3A_310 : memref<50xi32, #tpu.memory_space<vmem>>) semaphore(%arg8 : memref<!tpu.dma_semaphore, #tpu.memory_space<semaphore_mem>>)
    %dma_wait3A_314 = arith.constant 5 : i32
    %dma_wait3A_315 = arith.constant 5 : i32
    %dma_wait3A_316 = arith.constant 0 : i32
    %dma_wait3A_317 = arith.constant 0 : i32
    %dma_wait3A_318 = tpu.memref_slice %arg6[%dma_wait3A_315, %dma_wait3A_316, %dma_wait3A_317] : memref<8x50x128xf32, #tpu.memory_space<vmem>> -> memref<1x50x128xf32, #tpu.memory_space<vmem>>
    %dma_wait3A_319 = tpu.memref_squeeze %dma_wait3A_318 : memref<1x50x128xf32, #tpu.memory_space<vmem>> -> memref<50x128xf32, #tpu.memory_space<vmem>>
    %dma_wait3A_320 = arith.constant 0 : i32
    %dma_wait3A_321 = tpu.memref_slice %arg5[%dma_wait3A_314, %dma_wait3A_320] : memref<128x50xi32, #tpu.memory_space<vmem>> -> memref<1x50xi32, #tpu.memory_space<vmem>>
    %dma_wait3A_322 = tpu.memref_squeeze %dma_wait3A_321 : memref<1x50xi32, #tpu.memory_space<vmem>> -> memref<50xi32, #tpu.memory_space<vmem>>
    %dma_wait3A_323 = arith.constant 0 : i32
    %dma_wait3A_324 = arith.constant 0 : i32
    %dma_wait3A_325 = tpu.memref_slice %arg3[%dma_wait3A_323, %dma_wait3A_324] : memref<100000x128xf32, #tpu.memory_space<hbm>> -> memref<100000x128xf32, #tpu.memory_space<hbm>>
    tpu.wait_indirect_dma semaphore(%arg12 : memref<!tpu.dma_semaphore, #tpu.memory_space<semaphore_mem>>) src(%dma_wait3A_325 : memref<100000x128xf32, #tpu.memory_space<hbm>>) dst(%dma_wait3A_319 : memref<50x128xf32, #tpu.memory_space<vmem>>)
    %add3A_326 = arith.constant 5 : i32
    %add3A_327 = arith.addi %mul3A_2, %add3A_326 : i32
    %dma_start3A_328 = arith.constant 5 : i32
    %dma_start3A_329 = arith.constant 0 : i32
    %dma_start3A_330 = arith.constant 0 : i32
    %dma_start3A_331 = tpu.memref_slice %arg6[%dma_start3A_328, %dma_start3A_329, %dma_start3A_330] : memref<8x50x128xf32, #tpu.memory_space<vmem>> -> memref<1x50x128xf32, #tpu.memory_space<vmem>>
    %dma_start3A_332 = tpu.memref_squeeze %dma_start3A_331 : memref<1x50x128xf32, #tpu.memory_space<vmem>> -> memref<50x128xf32, #tpu.memory_space<vmem>>
    %dma_start3A_333 = arith.constant 0 : i32
    %dma_start3A_334 = arith.constant 0 : i32
    %dma_start3A_335 = tpu.memref_slice %arg4[%add3A_327, %dma_start3A_333, %dma_start3A_334] : memref<4096x50x128xf32, #tpu.memory_space<hbm>> -> memref<1x50x128xf32, #tpu.memory_space<hbm>>
    %dma_start3A_336 = tpu.memref_squeeze %dma_start3A_335 : memref<1x50x128xf32, #tpu.memory_space<hbm>> -> memref<50x128xf32, #tpu.memory_space<hbm>>
    %dma_start3A_337 = arith.constant 0 : i32
    %dma_start3A_338 = arith.constant 0 : i32
    %dma_start3A_339 = tpu.memref_slice %arg4[%add3A_327, %dma_start3A_337, %dma_start3A_338] : memref<4096x50x128xf32, #tpu.memory_space<hbm>> -> memref<1x50x128xf32, #tpu.memory_space<hbm>>
    %dma_start3A_340 = tpu.memref_squeeze %dma_start3A_339 : memref<1x50x128xf32, #tpu.memory_space<hbm>> -> memref<50x128xf32, #tpu.memory_space<hbm>>
    %dma_start3A_341 = arith.constant 0 : i32
    %dma_start3A_342 = arith.constant 0 : i32
    %dma_start3A_343 = tpu.memref_slice %arg6[%dma_start3A_328, %dma_start3A_341, %dma_start3A_342] : memref<8x50x128xf32, #tpu.memory_space<vmem>> -> memref<1x50x128xf32, #tpu.memory_space<vmem>>
    %dma_start3A_344 = tpu.memref_squeeze %dma_start3A_343 : memref<1x50x128xf32, #tpu.memory_space<vmem>> -> memref<50x128xf32, #tpu.memory_space<vmem>>
    tpu.enqueue_dma source(%dma_start3A_344 : memref<50x128xf32, #tpu.memory_space<vmem>>) target(%dma_start3A_340 : memref<50x128xf32, #tpu.memory_space<hbm>>) target_semaphore(%arg20 : memref<!tpu.dma_semaphore, #tpu.memory_space<semaphore_mem>>)
    %add3A_345 = arith.constant 2 : i32
    %add3A_346 = arith.addi %mul3A_2, %add3A_345 : i32
    %dma_wait3A_347 = arith.constant 2 : i32
    %dma_wait3A_348 = arith.constant 0 : i32
    %dma_wait3A_349 = arith.constant 0 : i32
    %dma_wait3A_350 = tpu.memref_slice %arg6[%dma_wait3A_347, %dma_wait3A_348, %dma_wait3A_349] : memref<8x50x128xf32, #tpu.memory_space<vmem>> -> memref<1x50x128xf32, #tpu.memory_space<vmem>>
    %dma_wait3A_351 = tpu.memref_squeeze %dma_wait3A_350 : memref<1x50x128xf32, #tpu.memory_space<vmem>> -> memref<50x128xf32, #tpu.memory_space<vmem>>
    %dma_wait3A_352 = arith.constant 0 : i32
    %dma_wait3A_353 = arith.constant 0 : i32
    %dma_wait3A_354 = tpu.memref_slice %arg4[%add3A_346, %dma_wait3A_352, %dma_wait3A_353] : memref<4096x50x128xf32, #tpu.memory_space<hbm>> -> memref<1x50x128xf32, #tpu.memory_space<hbm>>
    %dma_wait3A_355 = tpu.memref_squeeze %dma_wait3A_354 : memref<1x50x128xf32, #tpu.memory_space<hbm>> -> memref<50x128xf32, #tpu.memory_space<hbm>>
    %dma_wait3A_356 = arith.constant 0 : i32
    %dma_wait3A_357 = arith.constant 0 : i32
    %dma_wait3A_358 = tpu.memref_slice %arg4[%add3A_346, %dma_wait3A_356, %dma_wait3A_357] : memref<4096x50x128xf32, #tpu.memory_space<hbm>> -> memref<1x50x128xf32, #tpu.memory_space<hbm>>
    %dma_wait3A_359 = tpu.memref_squeeze %dma_wait3A_358 : memref<1x50x128xf32, #tpu.memory_space<hbm>> -> memref<50x128xf32, #tpu.memory_space<hbm>>
    %dma_wait3A_360 = arith.constant 0 : i32
    %dma_wait3A_361 = arith.constant 0 : i32
    %dma_wait3A_362 = tpu.memref_slice %arg6[%dma_wait3A_347, %dma_wait3A_360, %dma_wait3A_361] : memref<8x50x128xf32, #tpu.memory_space<vmem>> -> memref<1x50x128xf32, #tpu.memory_space<vmem>>
    %dma_wait3A_363 = tpu.memref_squeeze %dma_wait3A_362 : memref<1x50x128xf32, #tpu.memory_space<vmem>> -> memref<50x128xf32, #tpu.memory_space<vmem>>
    tpu.wait_dma2 semaphore(%arg17 : memref<!tpu.dma_semaphore, #tpu.memory_space<semaphore_mem>>) src(%dma_wait3A_363 : memref<50x128xf32, #tpu.memory_space<vmem>>) dst(%dma_wait3A_359 : memref<50x128xf32, #tpu.memory_space<hbm>>)
    %dma_start3A_364 = arith.constant 10 : i32
    %dma_start3A_365 = arith.constant 2 : i32
    %dma_start3A_366 = arith.constant 0 : i32
    %dma_start3A_367 = arith.constant 0 : i32
    %dma_start3A_368 = tpu.memref_slice %arg6[%dma_start3A_365, %dma_start3A_366, %dma_start3A_367] : memref<8x50x128xf32, #tpu.memory_space<vmem>> -> memref<1x50x128xf32, #tpu.memory_space<vmem>>
    %dma_start3A_369 = tpu.memref_squeeze %dma_start3A_368 : memref<1x50x128xf32, #tpu.memory_space<vmem>> -> memref<50x128xf32, #tpu.memory_space<vmem>>
    %dma_start3A_370 = arith.constant 0 : i32
    %dma_start3A_371 = tpu.memref_slice %arg5[%dma_start3A_364, %dma_start3A_370] : memref<128x50xi32, #tpu.memory_space<vmem>> -> memref<1x50xi32, #tpu.memory_space<vmem>>
    %dma_start3A_372 = tpu.memref_squeeze %dma_start3A_371 : memref<1x50xi32, #tpu.memory_space<vmem>> -> memref<50xi32, #tpu.memory_space<vmem>>
    %dma_start3A_373 = arith.constant 0 : i32
    %dma_start3A_374 = arith.constant 0 : i32
    %dma_start3A_375 = tpu.memref_slice %arg3[%dma_start3A_373, %dma_start3A_374] : memref<100000x128xf32, #tpu.memory_space<hbm>> -> memref<100000x128xf32, #tpu.memory_space<hbm>>
    tpu.enqueue_indirect_dma source(%dma_start3A_375 : memref<100000x128xf32, #tpu.memory_space<hbm>>) target(%dma_start3A_369 : memref<50x128xf32, #tpu.memory_space<vmem>>) offsets(%dma_start3A_372 : memref<50xi32, #tpu.memory_space<vmem>>) semaphore(%arg9 : memref<!tpu.dma_semaphore, #tpu.memory_space<semaphore_mem>>)
    %dma_wait3A_376 = arith.constant 6 : i32
    %dma_wait3A_377 = arith.constant 6 : i32
    %dma_wait3A_378 = arith.constant 0 : i32
    %dma_wait3A_379 = arith.constant 0 : i32
    %dma_wait3A_380 = tpu.memref_slice %arg6[%dma_wait3A_377, %dma_wait3A_378, %dma_wait3A_379] : memref<8x50x128xf32, #tpu.memory_space<vmem>> -> memref<1x50x128xf32, #tpu.memory_space<vmem>>
    %dma_wait3A_381 = tpu.memref_squeeze %dma_wait3A_380 : memref<1x50x128xf32, #tpu.memory_space<vmem>> -> memref<50x128xf32, #tpu.memory_space<vmem>>
    %dma_wait3A_382 = arith.constant 0 : i32
    %dma_wait3A_383 = tpu.memref_slice %arg5[%dma_wait3A_376, %dma_wait3A_382] : memref<128x50xi32, #tpu.memory_space<vmem>> -> memref<1x50xi32, #tpu.memory_space<vmem>>
    %dma_wait3A_384 = tpu.memref_squeeze %dma_wait3A_383 : memref<1x50xi32, #tpu.memory_space<vmem>> -> memref<50xi32, #tpu.memory_space<vmem>>
    %dma_wait3A_385 = arith.constant 0 : i32
    %dma_wait3A_386 = arith.constant 0 : i32
    %dma_wait3A_387 = tpu.memref_slice %arg3[%dma_wait3A_385, %dma_wait3A_386] : memref<100000x128xf32, #tpu.memory_space<hbm>> -> memref<100000x128xf32, #tpu.memory_space<hbm>>
    tpu.wait_indirect_dma semaphore(%arg13 : memref<!tpu.dma_semaphore, #tpu.memory_space<semaphore_mem>>) src(%dma_wait3A_387 : memref<100000x128xf32, #tpu.memory_space<hbm>>) dst(%dma_wait3A_381 : memref<50x128xf32, #tpu.memory_space<vmem>>)
    %add3A_388 = arith.constant 6 : i32
    %add3A_389 = arith.addi %mul3A_2, %add3A_388 : i32
    %dma_start3A_390 = arith.constant 6 : i32
    %dma_start3A_391 = arith.constant 0 : i32
    %dma_start3A_392 = arith.constant 0 : i32
    %dma_start3A_393 = tpu.memref_slice %arg6[%dma_start3A_390, %dma_start3A_391, %dma_start3A_392] : memref<8x50x128xf32, #tpu.memory_space<vmem>> -> memref<1x50x128xf32, #tpu.memory_space<vmem>>
    %dma_start3A_394 = tpu.memref_squeeze %dma_start3A_393 : memref<1x50x128xf32, #tpu.memory_space<vmem>> -> memref<50x128xf32, #tpu.memory_space<vmem>>
    %dma_start3A_395 = arith.constant 0 : i32
    %dma_start3A_396 = arith.constant 0 : i32
    %dma_start3A_397 = tpu.memref_slice %arg4[%add3A_389, %dma_start3A_395, %dma_start3A_396] : memref<4096x50x128xf32, #tpu.memory_space<hbm>> -> memref<1x50x128xf32, #tpu.memory_space<hbm>>
    %dma_start3A_398 = tpu.memref_squeeze %dma_start3A_397 : memref<1x50x128xf32, #tpu.memory_space<hbm>> -> memref<50x128xf32, #tpu.memory_space<hbm>>
    %dma_start3A_399 = arith.constant 0 : i32
    %dma_start3A_400 = arith.constant 0 : i32
    %dma_start3A_401 = tpu.memref_slice %arg4[%add3A_389, %dma_start3A_399, %dma_start3A_400] : memref<4096x50x128xf32, #tpu.memory_space<hbm>> -> memref<1x50x128xf32, #tpu.memory_space<hbm>>
    %dma_start3A_402 = tpu.memref_squeeze %dma_start3A_401 : memref<1x50x128xf32, #tpu.memory_space<hbm>> -> memref<50x128xf32, #tpu.memory_space<hbm>>
    %dma_start3A_403 = arith.constant 0 : i32
    %dma_start3A_404 = arith.constant 0 : i32
    %dma_start3A_405 = tpu.memref_slice %arg6[%dma_start3A_390, %dma_start3A_403, %dma_start3A_404] : memref<8x50x128xf32, #tpu.memory_space<vmem>> -> memref<1x50x128xf32, #tpu.memory_space<vmem>>
    %dma_start3A_406 = tpu.memref_squeeze %dma_start3A_405 : memref<1x50x128xf32, #tpu.memory_space<vmem>> -> memref<50x128xf32, #tpu.memory_space<vmem>>
    tpu.enqueue_dma source(%dma_start3A_406 : memref<50x128xf32, #tpu.memory_space<vmem>>) target(%dma_start3A_402 : memref<50x128xf32, #tpu.memory_space<hbm>>) target_semaphore(%arg21 : memref<!tpu.dma_semaphore, #tpu.memory_space<semaphore_mem>>)
    %add3A_407 = arith.constant 3 : i32
    %add3A_408 = arith.addi %mul3A_2, %add3A_407 : i32
    %dma_wait3A_409 = arith.constant 3 : i32
    %dma_wait3A_410 = arith.constant 0 : i32
    %dma_wait3A_411 = arith.constant 0 : i32
    %dma_wait3A_412 = tpu.memref_slice %arg6[%dma_wait3A_409, %dma_wait3A_410, %dma_wait3A_411] : memref<8x50x128xf32, #tpu.memory_space<vmem>> -> memref<1x50x128xf32, #tpu.memory_space<vmem>>
    %dma_wait3A_413 = tpu.memref_squeeze %dma_wait3A_412 : memref<1x50x128xf32, #tpu.memory_space<vmem>> -> memref<50x128xf32, #tpu.memory_space<vmem>>
    %dma_wait3A_414 = arith.constant 0 : i32
    %dma_wait3A_415 = arith.constant 0 : i32
    %dma_wait3A_416 = tpu.memref_slice %arg4[%add3A_408, %dma_wait3A_414, %dma_wait3A_415] : memref<4096x50x128xf32, #tpu.memory_space<hbm>> -> memref<1x50x128xf32, #tpu.memory_space<hbm>>
    %dma_wait3A_417 = tpu.memref_squeeze %dma_wait3A_416 : memref<1x50x128xf32, #tpu.memory_space<hbm>> -> memref<50x128xf32, #tpu.memory_space<hbm>>
    %dma_wait3A_418 = arith.constant 0 : i32
    %dma_wait3A_419 = arith.constant 0 : i32
    %dma_wait3A_420 = tpu.memref_slice %arg4[%add3A_408, %dma_wait3A_418, %dma_wait3A_419] : memref<4096x50x128xf32, #tpu.memory_space<hbm>> -> memref<1x50x128xf32, #tpu.memory_space<hbm>>
    %dma_wait3A_421 = tpu.memref_squeeze %dma_wait3A_420 : memref<1x50x128xf32, #tpu.memory_space<hbm>> -> memref<50x128xf32, #tpu.memory_space<hbm>>
    %dma_wait3A_422 = arith.constant 0 : i32
    %dma_wait3A_423 = arith.constant 0 : i32
    %dma_wait3A_424 = tpu.memref_slice %arg6[%dma_wait3A_409, %dma_wait3A_422, %dma_wait3A_423] : memref<8x50x128xf32, #tpu.memory_space<vmem>> -> memref<1x50x128xf32, #tpu.memory_space<vmem>>
    %dma_wait3A_425 = tpu.memref_squeeze %dma_wait3A_424 : memref<1x50x128xf32, #tpu.memory_space<vmem>> -> memref<50x128xf32, #tpu.memory_space<vmem>>
    tpu.wait_dma2 semaphore(%arg18 : memref<!tpu.dma_semaphore, #tpu.memory_space<semaphore_mem>>) src(%dma_wait3A_425 : memref<50x128xf32, #tpu.memory_space<vmem>>) dst(%dma_wait3A_421 : memref<50x128xf32, #tpu.memory_space<hbm>>)
    %dma_start3A_426 = arith.constant 11 : i32
    %dma_start3A_427 = arith.constant 3 : i32
    %dma_start3A_428 = arith.constant 0 : i32
    %dma_start3A_429 = arith.constant 0 : i32
    %dma_start3A_430 = tpu.memref_slice %arg6[%dma_start3A_427, %dma_start3A_428, %dma_start3A_429] : memref<8x50x128xf32, #tpu.memory_space<vmem>> -> memref<1x50x128xf32, #tpu.memory_space<vmem>>
    %dma_start3A_431 = tpu.memref_squeeze %dma_start3A_430 : memref<1x50x128xf32, #tpu.memory_space<vmem>> -> memref<50x128xf32, #tpu.memory_space<vmem>>
    %dma_start3A_432 = arith.constant 0 : i32
    %dma_start3A_433 = tpu.memref_slice %arg5[%dma_start3A_426, %dma_start3A_432] : memref<128x50xi32, #tpu.memory_space<vmem>> -> memref<1x50xi32, #tpu.memory_space<vmem>>
    %dma_start3A_434 = tpu.memref_squeeze %dma_start3A_433 : memref<1x50xi32, #tpu.memory_space<vmem>> -> memref<50xi32, #tpu.memory_space<vmem>>
    %dma_start3A_435 = arith.constant 0 : i32
    %dma_start3A_436 = arith.constant 0 : i32
    %dma_start3A_437 = tpu.memref_slice %arg3[%dma_start3A_435, %dma_start3A_436] : memref<100000x128xf32, #tpu.memory_space<hbm>> -> memref<100000x128xf32, #tpu.memory_space<hbm>>
    tpu.enqueue_indirect_dma source(%dma_start3A_437 : memref<100000x128xf32, #tpu.memory_space<hbm>>) target(%dma_start3A_431 : memref<50x128xf32, #tpu.memory_space<vmem>>) offsets(%dma_start3A_434 : memref<50xi32, #tpu.memory_space<vmem>>) semaphore(%arg10 : memref<!tpu.dma_semaphore, #tpu.memory_space<semaphore_mem>>)
    %dma_wait3A_438 = arith.constant 7 : i32
    %dma_wait3A_439 = arith.constant 7 : i32
    %dma_wait3A_440 = arith.constant 0 : i32
    %dma_wait3A_441 = arith.constant 0 : i32
    %dma_wait3A_442 = tpu.memref_slice %arg6[%dma_wait3A_439, %dma_wait3A_440, %dma_wait3A_441] : memref<8x50x128xf32, #tpu.memory_space<vmem>> -> memref<1x50x128xf32, #tpu.memory_space<vmem>>
    %dma_wait3A_443 = tpu.memref_squeeze %dma_wait3A_442 : memref<1x50x128xf32, #tpu.memory_space<vmem>> -> memref<50x128xf32, #tpu.memory_space<vmem>>
    %dma_wait3A_444 = arith.constant 0 : i32
    %dma_wait3A_445 = tpu.memref_slice %arg5[%dma_wait3A_438, %dma_wait3A_444] : memref<128x50xi32, #tpu.memory_space<vmem>> -> memref<1x50xi32, #tpu.memory_space<vmem>>
    %dma_wait3A_446 = tpu.memref_squeeze %dma_wait3A_445 : memref<1x50xi32, #tpu.memory_space<vmem>> -> memref<50xi32, #tpu.memory_space<vmem>>
    %dma_wait3A_447 = arith.constant 0 : i32
    %dma_wait3A_448 = arith.constant 0 : i32
    %dma_wait3A_449 = tpu.memref_slice %arg3[%dma_wait3A_447, %dma_wait3A_448] : memref<100000x128xf32, #tpu.memory_space<hbm>> -> memref<100000x128xf32, #tpu.memory_space<hbm>>
    tpu.wait_indirect_dma semaphore(%arg14 : memref<!tpu.dma_semaphore, #tpu.memory_space<semaphore_mem>>) src(%dma_wait3A_449 : memref<100000x128xf32, #tpu.memory_space<hbm>>) dst(%dma_wait3A_443 : memref<50x128xf32, #tpu.memory_space<vmem>>)
    %add3A_450 = arith.constant 7 : i32
    %add3A_451 = arith.addi %mul3A_2, %add3A_450 : i32
    %dma_start3A_452 = arith.constant 7 : i32
    %dma_start3A_453 = arith.constant 0 : i32
    %dma_start3A_454 = arith.constant 0 : i32
    %dma_start3A_455 = tpu.memref_slice %arg6[%dma_start3A_452, %dma_start3A_453, %dma_start3A_454] : memref<8x50x128xf32, #tpu.memory_space<vmem>> -> memref<1x50x128xf32, #tpu.memory_space<vmem>>
    %dma_start3A_456 = tpu.memref_squeeze %dma_start3A_455 : memref<1x50x128xf32, #tpu.memory_space<vmem>> -> memref<50x128xf32, #tpu.memory_space<vmem>>
    %dma_start3A_457 = arith.constant 0 : i32
    %dma_start3A_458 = arith.constant 0 : i32
    %dma_start3A_459 = tpu.memref_slice %arg4[%add3A_451, %dma_start3A_457, %dma_start3A_458] : memref<4096x50x128xf32, #tpu.memory_space<hbm>> -> memref<1x50x128xf32, #tpu.memory_space<hbm>>
    %dma_start3A_460 = tpu.memref_squeeze %dma_start3A_459 : memref<1x50x128xf32, #tpu.memory_space<hbm>> -> memref<50x128xf32, #tpu.memory_space<hbm>>
    %dma_start3A_461 = arith.constant 0 : i32
    %dma_start3A_462 = arith.constant 0 : i32
    %dma_start3A_463 = tpu.memref_slice %arg4[%add3A_451, %dma_start3A_461, %dma_start3A_462] : memref<4096x50x128xf32, #tpu.memory_space<hbm>> -> memref<1x50x128xf32, #tpu.memory_space<hbm>>
    %dma_start3A_464 = tpu.memref_squeeze %dma_start3A_463 : memref<1x50x128xf32, #tpu.memory_space<hbm>> -> memref<50x128xf32, #tpu.memory_space<hbm>>
    %dma_start3A_465 = arith.constant 0 : i32
    %dma_start3A_466 = arith.constant 0 : i32
    %dma_start3A_467 = tpu.memref_slice %arg6[%dma_start3A_452, %dma_start3A_465, %dma_start3A_466] : memref<8x50x128xf32, #tpu.memory_space<vmem>> -> memref<1x50x128xf32, #tpu.memory_space<vmem>>
    %dma_start3A_468 = tpu.memref_squeeze %dma_start3A_467 : memref<1x50x128xf32, #tpu.memory_space<vmem>> -> memref<50x128xf32, #tpu.memory_space<vmem>>
    tpu.enqueue_dma source(%dma_start3A_468 : memref<50x128xf32, #tpu.memory_space<vmem>>) target(%dma_start3A_464 : memref<50x128xf32, #tpu.memory_space<hbm>>) target_semaphore(%arg22 : memref<!tpu.dma_semaphore, #tpu.memory_space<semaphore_mem>>)
    %add3A_469 = arith.constant 4 : i32
    %add3A_470 = arith.addi %mul3A_2, %add3A_469 : i32
    %dma_wait3A_471 = arith.constant 4 : i32
    %dma_wait3A_472 = arith.constant 0 : i32
    %dma_wait3A_473 = arith.constant 0 : i32
    %dma_wait3A_474 = tpu.memref_slice %arg6[%dma_wait3A_471, %dma_wait3A_472, %dma_wait3A_473] : memref<8x50x128xf32, #tpu.memory_space<vmem>> -> memref<1x50x128xf32, #tpu.memory_space<vmem>>
    %dma_wait3A_475 = tpu.memref_squeeze %dma_wait3A_474 : memref<1x50x128xf32, #tpu.memory_space<vmem>> -> memref<50x128xf32, #tpu.memory_space<vmem>>
    %dma_wait3A_476 = arith.constant 0 : i32
    %dma_wait3A_477 = arith.constant 0 : i32
    %dma_wait3A_478 = tpu.memref_slice %arg4[%add3A_470, %dma_wait3A_476, %dma_wait3A_477] : memref<4096x50x128xf32, #tpu.memory_space<hbm>> -> memref<1x50x128xf32, #tpu.memory_space<hbm>>
    %dma_wait3A_479 = tpu.memref_squeeze %dma_wait3A_478 : memref<1x50x128xf32, #tpu.memory_space<hbm>> -> memref<50x128xf32, #tpu.memory_space<hbm>>
    %dma_wait3A_480 = arith.constant 0 : i32
    %dma_wait3A_481 = arith.constant 0 : i32
    %dma_wait3A_482 = tpu.memref_slice %arg4[%add3A_470, %dma_wait3A_480, %dma_wait3A_481] : memref<4096x50x128xf32, #tpu.memory_space<hbm>> -> memref<1x50x128xf32, #tpu.memory_space<hbm>>
    %dma_wait3A_483 = tpu.memref_squeeze %dma_wait3A_482 : memref<1x50x128xf32, #tpu.memory_space<hbm>> -> memref<50x128xf32, #tpu.memory_space<hbm>>
    %dma_wait3A_484 = arith.constant 0 : i32
    %dma_wait3A_485 = arith.constant 0 : i32
    %dma_wait3A_486 = tpu.memref_slice %arg6[%dma_wait3A_471, %dma_wait3A_484, %dma_wait3A_485] : memref<8x50x128xf32, #tpu.memory_space<vmem>> -> memref<1x50x128xf32, #tpu.memory_space<vmem>>
    %dma_wait3A_487 = tpu.memref_squeeze %dma_wait3A_486 : memref<1x50x128xf32, #tpu.memory_space<vmem>> -> memref<50x128xf32, #tpu.memory_space<vmem>>
    tpu.wait_dma2 semaphore(%arg19 : memref<!tpu.dma_semaphore, #tpu.memory_space<semaphore_mem>>) src(%dma_wait3A_487 : memref<50x128xf32, #tpu.memory_space<vmem>>) dst(%dma_wait3A_483 : memref<50x128xf32, #tpu.memory_space<hbm>>)
    %dma_start3A_488 = arith.constant 12 : i32
    %dma_start3A_489 = arith.constant 4 : i32
    %dma_start3A_490 = arith.constant 0 : i32
    %dma_start3A_491 = arith.constant 0 : i32
    %dma_start3A_492 = tpu.memref_slice %arg6[%dma_start3A_489, %dma_start3A_490, %dma_start3A_491] : memref<8x50x128xf32, #tpu.memory_space<vmem>> -> memref<1x50x128xf32, #tpu.memory_space<vmem>>
    %dma_start3A_493 = tpu.memref_squeeze %dma_start3A_492 : memref<1x50x128xf32, #tpu.memory_space<vmem>> -> memref<50x128xf32, #tpu.memory_space<vmem>>
    %dma_start3A_494 = arith.constant 0 : i32
    %dma_start3A_495 = tpu.memref_slice %arg5[%dma_start3A_488, %dma_start3A_494] : memref<128x50xi32, #tpu.memory_space<vmem>> -> memref<1x50xi32, #tpu.memory_space<vmem>>
    %dma_start3A_496 = tpu.memref_squeeze %dma_start3A_495 : memref<1x50xi32, #tpu.memory_space<vmem>> -> memref<50xi32, #tpu.memory_space<vmem>>
    %dma_start3A_497 = arith.constant 0 : i32
    %dma_start3A_498 = arith.constant 0 : i32
    %dma_start3A_499 = tpu.memref_slice %arg3[%dma_start3A_497, %dma_start3A_498] : memref<100000x128xf32, #tpu.memory_space<hbm>> -> memref<100000x128xf32, #tpu.memory_space<hbm>>
    tpu.enqueue_indirect_dma source(%dma_start3A_499 : memref<100000x128xf32, #tpu.memory_space<hbm>>) target(%dma_start3A_493 : memref<50x128xf32, #tpu.memory_space<vmem>>) offsets(%dma_start3A_496 : memref<50xi32, #tpu.memory_space<vmem>>) semaphore(%arg11 : memref<!tpu.dma_semaphore, #tpu.memory_space<semaphore_mem>>)
    %scan3A = arith.constant 0 : i32
    %scan3A_500 = arith.constant 1 : i32
    %scan3A_501 = arith.constant 14 : i32
    %scan3A_502 = arith.addi %scan3A_500, %scan3A_501 : i32
    %scan3A_503 = arith.constant 1 : i32
    scf.for %scan3A_998 = %scan3A_500 to %scan3A_502 step %scan3A_503  : i32 {
      %mul3A_999 = arith.constant 8 : i32
      %mul3A_1000 = arith.muli %scan3A_998, %mul3A_999 : i32
      %add3A_1001 = arith.constant 0 : i32
      %add3A_1002 = arith.addi %mul3A_1000, %add3A_1001 : i32
      %dma_wait3A_1003 = arith.constant 0 : i32
      %dma_wait3A_1004 = arith.constant 0 : i32
      %dma_wait3A_1005 = arith.constant 0 : i32
      %dma_wait3A_1006 = tpu.memref_slice %arg6[%dma_wait3A_1003, %dma_wait3A_1004, %dma_wait3A_1005] : memref<8x50x128xf32, #tpu.memory_space<vmem>> -> memref<1x50x128xf32, #tpu.memory_space<vmem>>
      %dma_wait3A_1007 = tpu.memref_squeeze %dma_wait3A_1006 : memref<1x50x128xf32, #tpu.memory_space<vmem>> -> memref<50x128xf32, #tpu.memory_space<vmem>>
      %dma_wait3A_1008 = arith.constant 0 : i32
      %dma_wait3A_1009 = tpu.memref_slice %arg5[%add3A_1002, %dma_wait3A_1008] : memref<128x50xi32, #tpu.memory_space<vmem>> -> memref<1x50xi32, #tpu.memory_space<vmem>>
      %dma_wait3A_1010 = tpu.memref_squeeze %dma_wait3A_1009 : memref<1x50xi32, #tpu.memory_space<vmem>> -> memref<50xi32, #tpu.memory_space<vmem>>
      %dma_wait3A_1011 = arith.constant 0 : i32
      %dma_wait3A_1012 = arith.constant 0 : i32
      %dma_wait3A_1013 = tpu.memref_slice %arg3[%dma_wait3A_1011, %dma_wait3A_1012] : memref<100000x128xf32, #tpu.memory_space<hbm>> -> memref<100000x128xf32, #tpu.memory_space<hbm>>
      tpu.wait_indirect_dma semaphore(%arg7 : memref<!tpu.dma_semaphore, #tpu.memory_space<semaphore_mem>>) src(%dma_wait3A_1013 : memref<100000x128xf32, #tpu.memory_space<hbm>>) dst(%dma_wait3A_1007 : memref<50x128xf32, #tpu.memory_space<vmem>>)
      %add3A_1014 = arith.addi %mul3A_2, %add3A_1002 : i32
      %dma_start3A_1015 = arith.constant 0 : i32
      %dma_start3A_1016 = arith.constant 0 : i32
      %dma_start3A_1017 = arith.constant 0 : i32
      %dma_start3A_1018 = tpu.memref_slice %arg6[%dma_start3A_1015, %dma_start3A_1016, %dma_start3A_1017] : memref<8x50x128xf32, #tpu.memory_space<vmem>> -> memref<1x50x128xf32, #tpu.memory_space<vmem>>
      %dma_start3A_1019 = tpu.memref_squeeze %dma_start3A_1018 : memref<1x50x128xf32, #tpu.memory_space<vmem>> -> memref<50x128xf32, #tpu.memory_space<vmem>>
      %dma_start3A_1020 = arith.constant 0 : i32
      %dma_start3A_1021 = arith.constant 0 : i32
      %dma_start3A_1022 = tpu.memref_slice %arg4[%add3A_1014, %dma_start3A_1020, %dma_start3A_1021] : memref<4096x50x128xf32, #tpu.memory_space<hbm>> -> memref<1x50x128xf32, #tpu.memory_space<hbm>>
      %dma_start3A_1023 = tpu.memref_squeeze %dma_start3A_1022 : memref<1x50x128xf32, #tpu.memory_space<hbm>> -> memref<50x128xf32, #tpu.memory_space<hbm>>
      %dma_start3A_1024 = arith.constant 0 : i32
      %dma_start3A_1025 = arith.constant 0 : i32
      %dma_start3A_1026 = tpu.memref_slice %arg4[%add3A_1014, %dma_start3A_1024, %dma_start3A_1025] : memref<4096x50x128xf32, #tpu.memory_space<hbm>> -> memref<1x50x128xf32, #tpu.memory_space<hbm>>
      %dma_start3A_1027 = tpu.memref_squeeze %dma_start3A_1026 : memref<1x50x128xf32, #tpu.memory_space<hbm>> -> memref<50x128xf32, #tpu.memory_space<hbm>>
      %dma_start3A_1028 = arith.constant 0 : i32
      %dma_start3A_1029 = arith.constant 0 : i32
      %dma_start3A_1030 = tpu.memref_slice %arg6[%dma_start3A_1015, %dma_start3A_1028, %dma_start3A_1029] : memref<8x50x128xf32, #tpu.memory_space<vmem>> -> memref<1x50x128xf32, #tpu.memory_space<vmem>>
      %dma_start3A_1031 = tpu.memref_squeeze %dma_start3A_1030 : memref<1x50x128xf32, #tpu.memory_space<vmem>> -> memref<50x128xf32, #tpu.memory_space<vmem>>
      tpu.enqueue_dma source(%dma_start3A_1031 : memref<50x128xf32, #tpu.memory_space<vmem>>) target(%dma_start3A_1027 : memref<50x128xf32, #tpu.memory_space<hbm>>) target_semaphore(%arg15 : memref<!tpu.dma_semaphore, #tpu.memory_space<semaphore_mem>>)
      %sub3A = arith.constant 3 : i32
      %sub3A_1032 = arith.subi %add3A_1002, %sub3A : i32
      %add3A_1033 = arith.addi %mul3A_2, %sub3A_1032 : i32
      %dma_wait3A_1034 = arith.constant 5 : i32
      %dma_wait3A_1035 = arith.constant 0 : i32
      %dma_wait3A_1036 = arith.constant 0 : i32
      %dma_wait3A_1037 = tpu.memref_slice %arg6[%dma_wait3A_1034, %dma_wait3A_1035, %dma_wait3A_1036] : memref<8x50x128xf32, #tpu.memory_space<vmem>> -> memref<1x50x128xf32, #tpu.memory_space<vmem>>
      %dma_wait3A_1038 = tpu.memref_squeeze %dma_wait3A_1037 : memref<1x50x128xf32, #tpu.memory_space<vmem>> -> memref<50x128xf32, #tpu.memory_space<vmem>>
      %dma_wait3A_1039 = arith.constant 0 : i32
      %dma_wait3A_1040 = arith.constant 0 : i32
      %dma_wait3A_1041 = tpu.memref_slice %arg4[%add3A_1033, %dma_wait3A_1039, %dma_wait3A_1040] : memref<4096x50x128xf32, #tpu.memory_space<hbm>> -> memref<1x50x128xf32, #tpu.memory_space<hbm>>
      %dma_wait3A_1042 = tpu.memref_squeeze %dma_wait3A_1041 : memref<1x50x128xf32, #tpu.memory_space<hbm>> -> memref<50x128xf32, #tpu.memory_space<hbm>>
      %dma_wait3A_1043 = arith.constant 0 : i32
      %dma_wait3A_1044 = arith.constant 0 : i32
      %dma_wait3A_1045 = tpu.memref_slice %arg4[%add3A_1033, %dma_wait3A_1043, %dma_wait3A_1044] : memref<4096x50x128xf32, #tpu.memory_space<hbm>> -> memref<1x50x128xf32, #tpu.memory_space<hbm>>
      %dma_wait3A_1046 = tpu.memref_squeeze %dma_wait3A_1045 : memref<1x50x128xf32, #tpu.memory_space<hbm>> -> memref<50x128xf32, #tpu.memory_space<hbm>>
      %dma_wait3A_1047 = arith.constant 0 : i32
      %dma_wait3A_1048 = arith.constant 0 : i32
      %dma_wait3A_1049 = tpu.memref_slice %arg6[%dma_wait3A_1034, %dma_wait3A_1047, %dma_wait3A_1048] : memref<8x50x128xf32, #tpu.memory_space<vmem>> -> memref<1x50x128xf32, #tpu.memory_space<vmem>>
      %dma_wait3A_1050 = tpu.memref_squeeze %dma_wait3A_1049 : memref<1x50x128xf32, #tpu.memory_space<vmem>> -> memref<50x128xf32, #tpu.memory_space<vmem>>
      tpu.wait_dma2 semaphore(%arg20 : memref<!tpu.dma_semaphore, #tpu.memory_space<semaphore_mem>>) src(%dma_wait3A_1050 : memref<50x128xf32, #tpu.memory_space<vmem>>) dst(%dma_wait3A_1046 : memref<50x128xf32, #tpu.memory_space<hbm>>)
      %add3A_1051 = arith.constant 5 : i32
      %add3A_1052 = arith.addi %add3A_1002, %add3A_1051 : i32
      %dma_start3A_1053 = arith.constant 5 : i32
      %dma_start3A_1054 = arith.constant 0 : i32
      %dma_start3A_1055 = arith.constant 0 : i32
      %dma_start3A_1056 = tpu.memref_slice %arg6[%dma_start3A_1053, %dma_start3A_1054, %dma_start3A_1055] : memref<8x50x128xf32, #tpu.memory_space<vmem>> -> memref<1x50x128xf32, #tpu.memory_space<vmem>>
      %dma_start3A_1057 = tpu.memref_squeeze %dma_start3A_1056 : memref<1x50x128xf32, #tpu.memory_space<vmem>> -> memref<50x128xf32, #tpu.memory_space<vmem>>
      %dma_start3A_1058 = arith.constant 0 : i32
      %dma_start3A_1059 = tpu.memref_slice %arg5[%add3A_1052, %dma_start3A_1058] : memref<128x50xi32, #tpu.memory_space<vmem>> -> memref<1x50xi32, #tpu.memory_space<vmem>>
      %dma_start3A_1060 = tpu.memref_squeeze %dma_start3A_1059 : memref<1x50xi32, #tpu.memory_space<vmem>> -> memref<50xi32, #tpu.memory_space<vmem>>
      %dma_start3A_1061 = arith.constant 0 : i32
      %dma_start3A_1062 = arith.constant 0 : i32
      %dma_start3A_1063 = tpu.memref_slice %arg3[%dma_start3A_1061, %dma_start3A_1062] : memref<100000x128xf32, #tpu.memory_space<hbm>> -> memref<100000x128xf32, #tpu.memory_space<hbm>>
      tpu.enqueue_indirect_dma source(%dma_start3A_1063 : memref<100000x128xf32, #tpu.memory_space<hbm>>) target(%dma_start3A_1057 : memref<50x128xf32, #tpu.memory_space<vmem>>) offsets(%dma_start3A_1060 : memref<50xi32, #tpu.memory_space<vmem>>) semaphore(%arg12 : memref<!tpu.dma_semaphore, #tpu.memory_space<semaphore_mem>>)
      %add3A_1064 = arith.constant 1 : i32
      %add3A_1065 = arith.addi %mul3A_1000, %add3A_1064 : i32
      %dma_wait3A_1066 = arith.constant 1 : i32
      %dma_wait3A_1067 = arith.constant 0 : i32
      %dma_wait3A_1068 = arith.constant 0 : i32
      %dma_wait3A_1069 = tpu.memref_slice %arg6[%dma_wait3A_1066, %dma_wait3A_1067, %dma_wait3A_1068] : memref<8x50x128xf32, #tpu.memory_space<vmem>> -> memref<1x50x128xf32, #tpu.memory_space<vmem>>
      %dma_wait3A_1070 = tpu.memref_squeeze %dma_wait3A_1069 : memref<1x50x128xf32, #tpu.memory_space<vmem>> -> memref<50x128xf32, #tpu.memory_space<vmem>>
      %dma_wait3A_1071 = arith.constant 0 : i32
      %dma_wait3A_1072 = tpu.memref_slice %arg5[%add3A_1065, %dma_wait3A_1071] : memref<128x50xi32, #tpu.memory_space<vmem>> -> memref<1x50xi32, #tpu.memory_space<vmem>>
      %dma_wait3A_1073 = tpu.memref_squeeze %dma_wait3A_1072 : memref<1x50xi32, #tpu.memory_space<vmem>> -> memref<50xi32, #tpu.memory_space<vmem>>
      %dma_wait3A_1074 = arith.constant 0 : i32
      %dma_wait3A_1075 = arith.constant 0 : i32
      %dma_wait3A_1076 = tpu.memref_slice %arg3[%dma_wait3A_1074, %dma_wait3A_1075] : memref<100000x128xf32, #tpu.memory_space<hbm>> -> memref<100000x128xf32, #tpu.memory_space<hbm>>
      tpu.wait_indirect_dma semaphore(%arg8 : memref<!tpu.dma_semaphore, #tpu.memory_space<semaphore_mem>>) src(%dma_wait3A_1076 : memref<100000x128xf32, #tpu.memory_space<hbm>>) dst(%dma_wait3A_1070 : memref<50x128xf32, #tpu.memory_space<vmem>>)
      %add3A_1077 = arith.addi %mul3A_2, %add3A_1065 : i32
      %dma_start3A_1078 = arith.constant 1 : i32
      %dma_start3A_1079 = arith.constant 0 : i32
      %dma_start3A_1080 = arith.constant 0 : i32
      %dma_start3A_1081 = tpu.memref_slice %arg6[%dma_start3A_1078, %dma_start3A_1079, %dma_start3A_1080] : memref<8x50x128xf32, #tpu.memory_space<vmem>> -> memref<1x50x128xf32, #tpu.memory_space<vmem>>
      %dma_start3A_1082 = tpu.memref_squeeze %dma_start3A_1081 : memref<1x50x128xf32, #tpu.memory_space<vmem>> -> memref<50x128xf32, #tpu.memory_space<vmem>>
      %dma_start3A_1083 = arith.constant 0 : i32
      %dma_start3A_1084 = arith.constant 0 : i32
      %dma_start3A_1085 = tpu.memref_slice %arg4[%add3A_1077, %dma_start3A_1083, %dma_start3A_1084] : memref<4096x50x128xf32, #tpu.memory_space<hbm>> -> memref<1x50x128xf32, #tpu.memory_space<hbm>>
      %dma_start3A_1086 = tpu.memref_squeeze %dma_start3A_1085 : memref<1x50x128xf32, #tpu.memory_space<hbm>> -> memref<50x128xf32, #tpu.memory_space<hbm>>
      %dma_start3A_1087 = arith.constant 0 : i32
      %dma_start3A_1088 = arith.constant 0 : i32
      %dma_start3A_1089 = tpu.memref_slice %arg4[%add3A_1077, %dma_start3A_1087, %dma_start3A_1088] : memref<4096x50x128xf32, #tpu.memory_space<hbm>> -> memref<1x50x128xf32, #tpu.memory_space<hbm>>
      %dma_start3A_1090 = tpu.memref_squeeze %dma_start3A_1089 : memref<1x50x128xf32, #tpu.memory_space<hbm>> -> memref<50x128xf32, #tpu.memory_space<hbm>>
      %dma_start3A_1091 = arith.constant 0 : i32
      %dma_start3A_1092 = arith.constant 0 : i32
      %dma_start3A_1093 = tpu.memref_slice %arg6[%dma_start3A_1078, %dma_start3A_1091, %dma_start3A_1092] : memref<8x50x128xf32, #tpu.memory_space<vmem>> -> memref<1x50x128xf32, #tpu.memory_space<vmem>>
      %dma_start3A_1094 = tpu.memref_squeeze %dma_start3A_1093 : memref<1x50x128xf32, #tpu.memory_space<vmem>> -> memref<50x128xf32, #tpu.memory_space<vmem>>
      tpu.enqueue_dma source(%dma_start3A_1094 : memref<50x128xf32, #tpu.memory_space<vmem>>) target(%dma_start3A_1090 : memref<50x128xf32, #tpu.memory_space<hbm>>) target_semaphore(%arg16 : memref<!tpu.dma_semaphore, #tpu.memory_space<semaphore_mem>>)
      %sub3A_1095 = arith.constant 3 : i32
      %sub3A_1096 = arith.subi %add3A_1065, %sub3A_1095 : i32
      %add3A_1097 = arith.addi %mul3A_2, %sub3A_1096 : i32
      %dma_wait3A_1098 = arith.constant 6 : i32
      %dma_wait3A_1099 = arith.constant 0 : i32
      %dma_wait3A_1100 = arith.constant 0 : i32
      %dma_wait3A_1101 = tpu.memref_slice %arg6[%dma_wait3A_1098, %dma_wait3A_1099, %dma_wait3A_1100] : memref<8x50x128xf32, #tpu.memory_space<vmem>> -> memref<1x50x128xf32, #tpu.memory_space<vmem>>
      %dma_wait3A_1102 = tpu.memref_squeeze %dma_wait3A_1101 : memref<1x50x128xf32, #tpu.memory_space<vmem>> -> memref<50x128xf32, #tpu.memory_space<vmem>>
      %dma_wait3A_1103 = arith.constant 0 : i32
      %dma_wait3A_1104 = arith.constant 0 : i32
      %dma_wait3A_1105 = tpu.memref_slice %arg4[%add3A_1097, %dma_wait3A_1103, %dma_wait3A_1104] : memref<4096x50x128xf32, #tpu.memory_space<hbm>> -> memref<1x50x128xf32, #tpu.memory_space<hbm>>
      %dma_wait3A_1106 = tpu.memref_squeeze %dma_wait3A_1105 : memref<1x50x128xf32, #tpu.memory_space<hbm>> -> memref<50x128xf32, #tpu.memory_space<hbm>>
      %dma_wait3A_1107 = arith.constant 0 : i32
      %dma_wait3A_1108 = arith.constant 0 : i32
      %dma_wait3A_1109 = tpu.memref_slice %arg4[%add3A_1097, %dma_wait3A_1107, %dma_wait3A_1108] : memref<4096x50x128xf32, #tpu.memory_space<hbm>> -> memref<1x50x128xf32, #tpu.memory_space<hbm>>
      %dma_wait3A_1110 = tpu.memref_squeeze %dma_wait3A_1109 : memref<1x50x128xf32, #tpu.memory_space<hbm>> -> memref<50x128xf32, #tpu.memory_space<hbm>>
      %dma_wait3A_1111 = arith.constant 0 : i32
      %dma_wait3A_1112 = arith.constant 0 : i32
      %dma_wait3A_1113 = tpu.memref_slice %arg6[%dma_wait3A_1098, %dma_wait3A_1111, %dma_wait3A_1112] : memref<8x50x128xf32, #tpu.memory_space<vmem>> -> memref<1x50x128xf32, #tpu.memory_space<vmem>>
      %dma_wait3A_1114 = tpu.memref_squeeze %dma_wait3A_1113 : memref<1x50x128xf32, #tpu.memory_space<vmem>> -> memref<50x128xf32, #tpu.memory_space<vmem>>
      tpu.wait_dma2 semaphore(%arg21 : memref<!tpu.dma_semaphore, #tpu.memory_space<semaphore_mem>>) src(%dma_wait3A_1114 : memref<50x128xf32, #tpu.memory_space<vmem>>) dst(%dma_wait3A_1110 : memref<50x128xf32, #tpu.memory_space<hbm>>)
      %add3A_1115 = arith.constant 5 : i32
      %add3A_1116 = arith.addi %add3A_1065, %add3A_1115 : i32
      %dma_start3A_1117 = arith.constant 6 : i32
      %dma_start3A_1118 = arith.constant 0 : i32
      %dma_start3A_1119 = arith.constant 0 : i32
      %dma_start3A_1120 = tpu.memref_slice %arg6[%dma_start3A_1117, %dma_start3A_1118, %dma_start3A_1119] : memref<8x50x128xf32, #tpu.memory_space<vmem>> -> memref<1x50x128xf32, #tpu.memory_space<vmem>>
      %dma_start3A_1121 = tpu.memref_squeeze %dma_start3A_1120 : memref<1x50x128xf32, #tpu.memory_space<vmem>> -> memref<50x128xf32, #tpu.memory_space<vmem>>
      %dma_start3A_1122 = arith.constant 0 : i32
      %dma_start3A_1123 = tpu.memref_slice %arg5[%add3A_1116, %dma_start3A_1122] : memref<128x50xi32, #tpu.memory_space<vmem>> -> memref<1x50xi32, #tpu.memory_space<vmem>>
      %dma_start3A_1124 = tpu.memref_squeeze %dma_start3A_1123 : memref<1x50xi32, #tpu.memory_space<vmem>> -> memref<50xi32, #tpu.memory_space<vmem>>
      %dma_start3A_1125 = arith.constant 0 : i32
      %dma_start3A_1126 = arith.constant 0 : i32
      %dma_start3A_1127 = tpu.memref_slice %arg3[%dma_start3A_1125, %dma_start3A_1126] : memref<100000x128xf32, #tpu.memory_space<hbm>> -> memref<100000x128xf32, #tpu.memory_space<hbm>>
      tpu.enqueue_indirect_dma source(%dma_start3A_1127 : memref<100000x128xf32, #tpu.memory_space<hbm>>) target(%dma_start3A_1121 : memref<50x128xf32, #tpu.memory_space<vmem>>) offsets(%dma_start3A_1124 : memref<50xi32, #tpu.memory_space<vmem>>) semaphore(%arg13 : memref<!tpu.dma_semaphore, #tpu.memory_space<semaphore_mem>>)
      %add3A_1128 = arith.constant 2 : i32
      %add3A_1129 = arith.addi %mul3A_1000, %add3A_1128 : i32
      %dma_wait3A_1130 = arith.constant 2 : i32
      %dma_wait3A_1131 = arith.constant 0 : i32
      %dma_wait3A_1132 = arith.constant 0 : i32
      %dma_wait3A_1133 = tpu.memref_slice %arg6[%dma_wait3A_1130, %dma_wait3A_1131, %dma_wait3A_1132] : memref<8x50x128xf32, #tpu.memory_space<vmem>> -> memref<1x50x128xf32, #tpu.memory_space<vmem>>
      %dma_wait3A_1134 = tpu.memref_squeeze %dma_wait3A_1133 : memref<1x50x128xf32, #tpu.memory_space<vmem>> -> memref<50x128xf32, #tpu.memory_space<vmem>>
      %dma_wait3A_1135 = arith.constant 0 : i32
      %dma_wait3A_1136 = tpu.memref_slice %arg5[%add3A_1129, %dma_wait3A_1135] : memref<128x50xi32, #tpu.memory_space<vmem>> -> memref<1x50xi32, #tpu.memory_space<vmem>>
      %dma_wait3A_1137 = tpu.memref_squeeze %dma_wait3A_1136 : memref<1x50xi32, #tpu.memory_space<vmem>> -> memref<50xi32, #tpu.memory_space<vmem>>
      %dma_wait3A_1138 = arith.constant 0 : i32
      %dma_wait3A_1139 = arith.constant 0 : i32
      %dma_wait3A_1140 = tpu.memref_slice %arg3[%dma_wait3A_1138, %dma_wait3A_1139] : memref<100000x128xf32, #tpu.memory_space<hbm>> -> memref<100000x128xf32, #tpu.memory_space<hbm>>
      tpu.wait_indirect_dma semaphore(%arg9 : memref<!tpu.dma_semaphore, #tpu.memory_space<semaphore_mem>>) src(%dma_wait3A_1140 : memref<100000x128xf32, #tpu.memory_space<hbm>>) dst(%dma_wait3A_1134 : memref<50x128xf32, #tpu.memory_space<vmem>>)
      %add3A_1141 = arith.addi %mul3A_2, %add3A_1129 : i32
      %dma_start3A_1142 = arith.constant 2 : i32
      %dma_start3A_1143 = arith.constant 0 : i32
      %dma_start3A_1144 = arith.constant 0 : i32
      %dma_start3A_1145 = tpu.memref_slice %arg6[%dma_start3A_1142, %dma_start3A_1143, %dma_start3A_1144] : memref<8x50x128xf32, #tpu.memory_space<vmem>> -> memref<1x50x128xf32, #tpu.memory_space<vmem>>
      %dma_start3A_1146 = tpu.memref_squeeze %dma_start3A_1145 : memref<1x50x128xf32, #tpu.memory_space<vmem>> -> memref<50x128xf32, #tpu.memory_space<vmem>>
      %dma_start3A_1147 = arith.constant 0 : i32
      %dma_start3A_1148 = arith.constant 0 : i32
      %dma_start3A_1149 = tpu.memref_slice %arg4[%add3A_1141, %dma_start3A_1147, %dma_start3A_1148] : memref<4096x50x128xf32, #tpu.memory_space<hbm>> -> memref<1x50x128xf32, #tpu.memory_space<hbm>>
      %dma_start3A_1150 = tpu.memref_squeeze %dma_start3A_1149 : memref<1x50x128xf32, #tpu.memory_space<hbm>> -> memref<50x128xf32, #tpu.memory_space<hbm>>
      %dma_start3A_1151 = arith.constant 0 : i32
      %dma_start3A_1152 = arith.constant 0 : i32
      %dma_start3A_1153 = tpu.memref_slice %arg4[%add3A_1141, %dma_start3A_1151, %dma_start3A_1152] : memref<4096x50x128xf32, #tpu.memory_space<hbm>> -> memref<1x50x128xf32, #tpu.memory_space<hbm>>
      %dma_start3A_1154 = tpu.memref_squeeze %dma_start3A_1153 : memref<1x50x128xf32, #tpu.memory_space<hbm>> -> memref<50x128xf32, #tpu.memory_space<hbm>>
      %dma_start3A_1155 = arith.constant 0 : i32
      %dma_start3A_1156 = arith.constant 0 : i32
      %dma_start3A_1157 = tpu.memref_slice %arg6[%dma_start3A_1142, %dma_start3A_1155, %dma_start3A_1156] : memref<8x50x128xf32, #tpu.memory_space<vmem>> -> memref<1x50x128xf32, #tpu.memory_space<vmem>>
      %dma_start3A_1158 = tpu.memref_squeeze %dma_start3A_1157 : memref<1x50x128xf32, #tpu.memory_space<vmem>> -> memref<50x128xf32, #tpu.memory_space<vmem>>
      tpu.enqueue_dma source(%dma_start3A_1158 : memref<50x128xf32, #tpu.memory_space<vmem>>) target(%dma_start3A_1154 : memref<50x128xf32, #tpu.memory_space<hbm>>) target_semaphore(%arg17 : memref<!tpu.dma_semaphore, #tpu.memory_space<semaphore_mem>>)
      %sub3A_1159 = arith.constant 3 : i32
      %sub3A_1160 = arith.subi %add3A_1129, %sub3A_1159 : i32
      %add3A_1161 = arith.addi %mul3A_2, %sub3A_1160 : i32
      %dma_wait3A_1162 = arith.constant 7 : i32
      %dma_wait3A_1163 = arith.constant 0 : i32
      %dma_wait3A_1164 = arith.constant 0 : i32
      %dma_wait3A_1165 = tpu.memref_slice %arg6[%dma_wait3A_1162, %dma_wait3A_1163, %dma_wait3A_1164] : memref<8x50x128xf32, #tpu.memory_space<vmem>> -> memref<1x50x128xf32, #tpu.memory_space<vmem>>
      %dma_wait3A_1166 = tpu.memref_squeeze %dma_wait3A_1165 : memref<1x50x128xf32, #tpu.memory_space<vmem>> -> memref<50x128xf32, #tpu.memory_space<vmem>>
      %dma_wait3A_1167 = arith.constant 0 : i32
      %dma_wait3A_1168 = arith.constant 0 : i32
      %dma_wait3A_1169 = tpu.memref_slice %arg4[%add3A_1161, %dma_wait3A_1167, %dma_wait3A_1168] : memref<4096x50x128xf32, #tpu.memory_space<hbm>> -> memref<1x50x128xf32, #tpu.memory_space<hbm>>
      %dma_wait3A_1170 = tpu.memref_squeeze %dma_wait3A_1169 : memref<1x50x128xf32, #tpu.memory_space<hbm>> -> memref<50x128xf32, #tpu.memory_space<hbm>>
      %dma_wait3A_1171 = arith.constant 0 : i32
      %dma_wait3A_1172 = arith.constant 0 : i32
      %dma_wait3A_1173 = tpu.memref_slice %arg4[%add3A_1161, %dma_wait3A_1171, %dma_wait3A_1172] : memref<4096x50x128xf32, #tpu.memory_space<hbm>> -> memref<1x50x128xf32, #tpu.memory_space<hbm>>
      %dma_wait3A_1174 = tpu.memref_squeeze %dma_wait3A_1173 : memref<1x50x128xf32, #tpu.memory_space<hbm>> -> memref<50x128xf32, #tpu.memory_space<hbm>>
      %dma_wait3A_1175 = arith.constant 0 : i32
      %dma_wait3A_1176 = arith.constant 0 : i32
      %dma_wait3A_1177 = tpu.memref_slice %arg6[%dma_wait3A_1162, %dma_wait3A_1175, %dma_wait3A_1176] : memref<8x50x128xf32, #tpu.memory_space<vmem>> -> memref<1x50x128xf32, #tpu.memory_space<vmem>>
      %dma_wait3A_1178 = tpu.memref_squeeze %dma_wait3A_1177 : memref<1x50x128xf32, #tpu.memory_space<vmem>> -> memref<50x128xf32, #tpu.memory_space<vmem>>
      tpu.wait_dma2 semaphore(%arg22 : memref<!tpu.dma_semaphore, #tpu.memory_space<semaphore_mem>>) src(%dma_wait3A_1178 : memref<50x128xf32, #tpu.memory_space<vmem>>) dst(%dma_wait3A_1174 : memref<50x128xf32, #tpu.memory_space<hbm>>)
      %add3A_1179 = arith.constant 5 : i32
      %add3A_1180 = arith.addi %add3A_1129, %add3A_1179 : i32
      %dma_start3A_1181 = arith.constant 7 : i32
      %dma_start3A_1182 = arith.constant 0 : i32
      %dma_start3A_1183 = arith.constant 0 : i32
      %dma_start3A_1184 = tpu.memref_slice %arg6[%dma_start3A_1181, %dma_start3A_1182, %dma_start3A_1183] : memref<8x50x128xf32, #tpu.memory_space<vmem>> -> memref<1x50x128xf32, #tpu.memory_space<vmem>>
      %dma_start3A_1185 = tpu.memref_squeeze %dma_start3A_1184 : memref<1x50x128xf32, #tpu.memory_space<vmem>> -> memref<50x128xf32, #tpu.memory_space<vmem>>
      %dma_start3A_1186 = arith.constant 0 : i32
      %dma_start3A_1187 = tpu.memref_slice %arg5[%add3A_1180, %dma_start3A_1186] : memref<128x50xi32, #tpu.memory_space<vmem>> -> memref<1x50xi32, #tpu.memory_space<vmem>>
      %dma_start3A_1188 = tpu.memref_squeeze %dma_start3A_1187 : memref<1x50xi32, #tpu.memory_space<vmem>> -> memref<50xi32, #tpu.memory_space<vmem>>
      %dma_start3A_1189 = arith.constant 0 : i32
      %dma_start3A_1190 = arith.constant 0 : i32
      %dma_start3A_1191 = tpu.memref_slice %arg3[%dma_start3A_1189, %dma_start3A_1190] : memref<100000x128xf32, #tpu.memory_space<hbm>> -> memref<100000x128xf32, #tpu.memory_space<hbm>>
      tpu.enqueue_indirect_dma source(%dma_start3A_1191 : memref<100000x128xf32, #tpu.memory_space<hbm>>) target(%dma_start3A_1185 : memref<50x128xf32, #tpu.memory_space<vmem>>) offsets(%dma_start3A_1188 : memref<50xi32, #tpu.memory_space<vmem>>) semaphore(%arg14 : memref<!tpu.dma_semaphore, #tpu.memory_space<semaphore_mem>>)
      %add3A_1192 = arith.constant 3 : i32
      %add3A_1193 = arith.addi %mul3A_1000, %add3A_1192 : i32
      %dma_wait3A_1194 = arith.constant 3 : i32
      %dma_wait3A_1195 = arith.constant 0 : i32
      %dma_wait3A_1196 = arith.constant 0 : i32
      %dma_wait3A_1197 = tpu.memref_slice %arg6[%dma_wait3A_1194, %dma_wait3A_1195, %dma_wait3A_1196] : memref<8x50x128xf32, #tpu.memory_space<vmem>> -> memref<1x50x128xf32, #tpu.memory_space<vmem>>
      %dma_wait3A_1198 = tpu.memref_squeeze %dma_wait3A_1197 : memref<1x50x128xf32, #tpu.memory_space<vmem>> -> memref<50x128xf32, #tpu.memory_space<vmem>>
      %dma_wait3A_1199 = arith.constant 0 : i32
      %dma_wait3A_1200 = tpu.memref_slice %arg5[%add3A_1193, %dma_wait3A_1199] : memref<128x50xi32, #tpu.memory_space<vmem>> -> memref<1x50xi32, #tpu.memory_space<vmem>>
      %dma_wait3A_1201 = tpu.memref_squeeze %dma_wait3A_1200 : memref<1x50xi32, #tpu.memory_space<vmem>> -> memref<50xi32, #tpu.memory_space<vmem>>
      %dma_wait3A_1202 = arith.constant 0 : i32
      %dma_wait3A_1203 = arith.constant 0 : i32
      %dma_wait3A_1204 = tpu.memref_slice %arg3[%dma_wait3A_1202, %dma_wait3A_1203] : memref<100000x128xf32, #tpu.memory_space<hbm>> -> memref<100000x128xf32, #tpu.memory_space<hbm>>
      tpu.wait_indirect_dma semaphore(%arg10 : memref<!tpu.dma_semaphore, #tpu.memory_space<semaphore_mem>>) src(%dma_wait3A_1204 : memref<100000x128xf32, #tpu.memory_space<hbm>>) dst(%dma_wait3A_1198 : memref<50x128xf32, #tpu.memory_space<vmem>>)
      %add3A_1205 = arith.addi %mul3A_2, %add3A_1193 : i32
      %dma_start3A_1206 = arith.constant 3 : i32
      %dma_start3A_1207 = arith.constant 0 : i32
      %dma_start3A_1208 = arith.constant 0 : i32
      %dma_start3A_1209 = tpu.memref_slice %arg6[%dma_start3A_1206, %dma_start3A_1207, %dma_start3A_1208] : memref<8x50x128xf32, #tpu.memory_space<vmem>> -> memref<1x50x128xf32, #tpu.memory_space<vmem>>
      %dma_start3A_1210 = tpu.memref_squeeze %dma_start3A_1209 : memref<1x50x128xf32, #tpu.memory_space<vmem>> -> memref<50x128xf32, #tpu.memory_space<vmem>>
      %dma_start3A_1211 = arith.constant 0 : i32
      %dma_start3A_1212 = arith.constant 0 : i32
      %dma_start3A_1213 = tpu.memref_slice %arg4[%add3A_1205, %dma_start3A_1211, %dma_start3A_1212] : memref<4096x50x128xf32, #tpu.memory_space<hbm>> -> memref<1x50x128xf32, #tpu.memory_space<hbm>>
      %dma_start3A_1214 = tpu.memref_squeeze %dma_start3A_1213 : memref<1x50x128xf32, #tpu.memory_space<hbm>> -> memref<50x128xf32, #tpu.memory_space<hbm>>
      %dma_start3A_1215 = arith.constant 0 : i32
      %dma_start3A_1216 = arith.constant 0 : i32
      %dma_start3A_1217 = tpu.memref_slice %arg4[%add3A_1205, %dma_start3A_1215, %dma_start3A_1216] : memref<4096x50x128xf32, #tpu.memory_space<hbm>> -> memref<1x50x128xf32, #tpu.memory_space<hbm>>
      %dma_start3A_1218 = tpu.memref_squeeze %dma_start3A_1217 : memref<1x50x128xf32, #tpu.memory_space<hbm>> -> memref<50x128xf32, #tpu.memory_space<hbm>>
      %dma_start3A_1219 = arith.constant 0 : i32
      %dma_start3A_1220 = arith.constant 0 : i32
      %dma_start3A_1221 = tpu.memref_slice %arg6[%dma_start3A_1206, %dma_start3A_1219, %dma_start3A_1220] : memref<8x50x128xf32, #tpu.memory_space<vmem>> -> memref<1x50x128xf32, #tpu.memory_space<vmem>>
      %dma_start3A_1222 = tpu.memref_squeeze %dma_start3A_1221 : memref<1x50x128xf32, #tpu.memory_space<vmem>> -> memref<50x128xf32, #tpu.memory_space<vmem>>
      tpu.enqueue_dma source(%dma_start3A_1222 : memref<50x128xf32, #tpu.memory_space<vmem>>) target(%dma_start3A_1218 : memref<50x128xf32, #tpu.memory_space<hbm>>) target_semaphore(%arg18 : memref<!tpu.dma_semaphore, #tpu.memory_space<semaphore_mem>>)
      %sub3A_1223 = arith.constant 3 : i32
      %sub3A_1224 = arith.subi %add3A_1193, %sub3A_1223 : i32
      %add3A_1225 = arith.addi %mul3A_2, %sub3A_1224 : i32
      %dma_wait3A_1226 = arith.constant 0 : i32
      %dma_wait3A_1227 = arith.constant 0 : i32
      %dma_wait3A_1228 = arith.constant 0 : i32
      %dma_wait3A_1229 = tpu.memref_slice %arg6[%dma_wait3A_1226, %dma_wait3A_1227, %dma_wait3A_1228] : memref<8x50x128xf32, #tpu.memory_space<vmem>> -> memref<1x50x128xf32, #tpu.memory_space<vmem>>
      %dma_wait3A_1230 = tpu.memref_squeeze %dma_wait3A_1229 : memref<1x50x128xf32, #tpu.memory_space<vmem>> -> memref<50x128xf32, #tpu.memory_space<vmem>>
      %dma_wait3A_1231 = arith.constant 0 : i32
      %dma_wait3A_1232 = arith.constant 0 : i32
      %dma_wait3A_1233 = tpu.memref_slice %arg4[%add3A_1225, %dma_wait3A_1231, %dma_wait3A_1232] : memref<4096x50x128xf32, #tpu.memory_space<hbm>> -> memref<1x50x128xf32, #tpu.memory_space<hbm>>
      %dma_wait3A_1234 = tpu.memref_squeeze %dma_wait3A_1233 : memref<1x50x128xf32, #tpu.memory_space<hbm>> -> memref<50x128xf32, #tpu.memory_space<hbm>>
      %dma_wait3A_1235 = arith.constant 0 : i32
      %dma_wait3A_1236 = arith.constant 0 : i32
      %dma_wait3A_1237 = tpu.memref_slice %arg4[%add3A_1225, %dma_wait3A_1235, %dma_wait3A_1236] : memref<4096x50x128xf32, #tpu.memory_space<hbm>> -> memref<1x50x128xf32, #tpu.memory_space<hbm>>
      %dma_wait3A_1238 = tpu.memref_squeeze %dma_wait3A_1237 : memref<1x50x128xf32, #tpu.memory_space<hbm>> -> memref<50x128xf32, #tpu.memory_space<hbm>>
      %dma_wait3A_1239 = arith.constant 0 : i32
      %dma_wait3A_1240 = arith.constant 0 : i32
      %dma_wait3A_1241 = tpu.memref_slice %arg6[%dma_wait3A_1226, %dma_wait3A_1239, %dma_wait3A_1240] : memref<8x50x128xf32, #tpu.memory_space<vmem>> -> memref<1x50x128xf32, #tpu.memory_space<vmem>>
      %dma_wait3A_1242 = tpu.memref_squeeze %dma_wait3A_1241 : memref<1x50x128xf32, #tpu.memory_space<vmem>> -> memref<50x128xf32, #tpu.memory_space<vmem>>
      tpu.wait_dma2 semaphore(%arg15 : memref<!tpu.dma_semaphore, #tpu.memory_space<semaphore_mem>>) src(%dma_wait3A_1242 : memref<50x128xf32, #tpu.memory_space<vmem>>) dst(%dma_wait3A_1238 : memref<50x128xf32, #tpu.memory_space<hbm>>)
      %add3A_1243 = arith.constant 5 : i32
      %add3A_1244 = arith.addi %add3A_1193, %add3A_1243 : i32
      %dma_start3A_1245 = arith.constant 0 : i32
      %dma_start3A_1246 = arith.constant 0 : i32
      %dma_start3A_1247 = arith.constant 0 : i32
      %dma_start3A_1248 = tpu.memref_slice %arg6[%dma_start3A_1245, %dma_start3A_1246, %dma_start3A_1247] : memref<8x50x128xf32, #tpu.memory_space<vmem>> -> memref<1x50x128xf32, #tpu.memory_space<vmem>>
      %dma_start3A_1249 = tpu.memref_squeeze %dma_start3A_1248 : memref<1x50x128xf32, #tpu.memory_space<vmem>> -> memref<50x128xf32, #tpu.memory_space<vmem>>
      %dma_start3A_1250 = arith.constant 0 : i32
      %dma_start3A_1251 = tpu.memref_slice %arg5[%add3A_1244, %dma_start3A_1250] : memref<128x50xi32, #tpu.memory_space<vmem>> -> memref<1x50xi32, #tpu.memory_space<vmem>>
      %dma_start3A_1252 = tpu.memref_squeeze %dma_start3A_1251 : memref<1x50xi32, #tpu.memory_space<vmem>> -> memref<50xi32, #tpu.memory_space<vmem>>
      %dma_start3A_1253 = arith.constant 0 : i32
      %dma_start3A_1254 = arith.constant 0 : i32
      %dma_start3A_1255 = tpu.memref_slice %arg3[%dma_start3A_1253, %dma_start3A_1254] : memref<100000x128xf32, #tpu.memory_space<hbm>> -> memref<100000x128xf32, #tpu.memory_space<hbm>>
      tpu.enqueue_indirect_dma source(%dma_start3A_1255 : memref<100000x128xf32, #tpu.memory_space<hbm>>) target(%dma_start3A_1249 : memref<50x128xf32, #tpu.memory_space<vmem>>) offsets(%dma_start3A_1252 : memref<50xi32, #tpu.memory_space<vmem>>) semaphore(%arg7 : memref<!tpu.dma_semaphore, #tpu.memory_space<semaphore_mem>>)
      %add3A_1256 = arith.constant 4 : i32
      %add3A_1257 = arith.addi %mul3A_1000, %add3A_1256 : i32
      %dma_wait3A_1258 = arith.constant 4 : i32
      %dma_wait3A_1259 = arith.constant 0 : i32
      %dma_wait3A_1260 = arith.constant 0 : i32
      %dma_wait3A_1261 = tpu.memref_slice %arg6[%dma_wait3A_1258, %dma_wait3A_1259, %dma_wait3A_1260] : memref<8x50x128xf32, #tpu.memory_space<vmem>> -> memref<1x50x128xf32, #tpu.memory_space<vmem>>
      %dma_wait3A_1262 = tpu.memref_squeeze %dma_wait3A_1261 : memref<1x50x128xf32, #tpu.memory_space<vmem>> -> memref<50x128xf32, #tpu.memory_space<vmem>>
      %dma_wait3A_1263 = arith.constant 0 : i32
      %dma_wait3A_1264 = tpu.memref_slice %arg5[%add3A_1257, %dma_wait3A_1263] : memref<128x50xi32, #tpu.memory_space<vmem>> -> memref<1x50xi32, #tpu.memory_space<vmem>>
      %dma_wait3A_1265 = tpu.memref_squeeze %dma_wait3A_1264 : memref<1x50xi32, #tpu.memory_space<vmem>> -> memref<50xi32, #tpu.memory_space<vmem>>
      %dma_wait3A_1266 = arith.constant 0 : i32
      %dma_wait3A_1267 = arith.constant 0 : i32
      %dma_wait3A_1268 = tpu.memref_slice %arg3[%dma_wait3A_1266, %dma_wait3A_1267] : memref<100000x128xf32, #tpu.memory_space<hbm>> -> memref<100000x128xf32, #tpu.memory_space<hbm>>
      tpu.wait_indirect_dma semaphore(%arg11 : memref<!tpu.dma_semaphore, #tpu.memory_space<semaphore_mem>>) src(%dma_wait3A_1268 : memref<100000x128xf32, #tpu.memory_space<hbm>>) dst(%dma_wait3A_1262 : memref<50x128xf32, #tpu.memory_space<vmem>>)
      %add3A_1269 = arith.addi %mul3A_2, %add3A_1257 : i32
      %dma_start3A_1270 = arith.constant 4 : i32
      %dma_start3A_1271 = arith.constant 0 : i32
      %dma_start3A_1272 = arith.constant 0 : i32
      %dma_start3A_1273 = tpu.memref_slice %arg6[%dma_start3A_1270, %dma_start3A_1271, %dma_start3A_1272] : memref<8x50x128xf32, #tpu.memory_space<vmem>> -> memref<1x50x128xf32, #tpu.memory_space<vmem>>
      %dma_start3A_1274 = tpu.memref_squeeze %dma_start3A_1273 : memref<1x50x128xf32, #tpu.memory_space<vmem>> -> memref<50x128xf32, #tpu.memory_space<vmem>>
      %dma_start3A_1275 = arith.constant 0 : i32
      %dma_start3A_1276 = arith.constant 0 : i32
      %dma_start3A_1277 = tpu.memref_slice %arg4[%add3A_1269, %dma_start3A_1275, %dma_start3A_1276] : memref<4096x50x128xf32, #tpu.memory_space<hbm>> -> memref<1x50x128xf32, #tpu.memory_space<hbm>>
      %dma_start3A_1278 = tpu.memref_squeeze %dma_start3A_1277 : memref<1x50x128xf32, #tpu.memory_space<hbm>> -> memref<50x128xf32, #tpu.memory_space<hbm>>
      %dma_start3A_1279 = arith.constant 0 : i32
      %dma_start3A_1280 = arith.constant 0 : i32
      %dma_start3A_1281 = tpu.memref_slice %arg4[%add3A_1269, %dma_start3A_1279, %dma_start3A_1280] : memref<4096x50x128xf32, #tpu.memory_space<hbm>> -> memref<1x50x128xf32, #tpu.memory_space<hbm>>
      %dma_start3A_1282 = tpu.memref_squeeze %dma_start3A_1281 : memref<1x50x128xf32, #tpu.memory_space<hbm>> -> memref<50x128xf32, #tpu.memory_space<hbm>>
      %dma_start3A_1283 = arith.constant 0 : i32
      %dma_start3A_1284 = arith.constant 0 : i32
      %dma_start3A_1285 = tpu.memref_slice %arg6[%dma_start3A_1270, %dma_start3A_1283, %dma_start3A_1284] : memref<8x50x128xf32, #tpu.memory_space<vmem>> -> memref<1x50x128xf32, #tpu.memory_space<vmem>>
      %dma_start3A_1286 = tpu.memref_squeeze %dma_start3A_1285 : memref<1x50x128xf32, #tpu.memory_space<vmem>> -> memref<50x128xf32, #tpu.memory_space<vmem>>
      tpu.enqueue_dma source(%dma_start3A_1286 : memref<50x128xf32, #tpu.memory_space<vmem>>) target(%dma_start3A_1282 : memref<50x128xf32, #tpu.memory_space<hbm>>) target_semaphore(%arg19 : memref<!tpu.dma_semaphore, #tpu.memory_space<semaphore_mem>>)
      %sub3A_1287 = arith.constant 3 : i32
      %sub3A_1288 = arith.subi %add3A_1257, %sub3A_1287 : i32
      %add3A_1289 = arith.addi %mul3A_2, %sub3A_1288 : i32
      %dma_wait3A_1290 = arith.constant 1 : i32
      %dma_wait3A_1291 = arith.constant 0 : i32
      %dma_wait3A_1292 = arith.constant 0 : i32
      %dma_wait3A_1293 = tpu.memref_slice %arg6[%dma_wait3A_1290, %dma_wait3A_1291, %dma_wait3A_1292] : memref<8x50x128xf32, #tpu.memory_space<vmem>> -> memref<1x50x128xf32, #tpu.memory_space<vmem>>
      %dma_wait3A_1294 = tpu.memref_squeeze %dma_wait3A_1293 : memref<1x50x128xf32, #tpu.memory_space<vmem>> -> memref<50x128xf32, #tpu.memory_space<vmem>>
      %dma_wait3A_1295 = arith.constant 0 : i32
      %dma_wait3A_1296 = arith.constant 0 : i32
      %dma_wait3A_1297 = tpu.memref_slice %arg4[%add3A_1289, %dma_wait3A_1295, %dma_wait3A_1296] : memref<4096x50x128xf32, #tpu.memory_space<hbm>> -> memref<1x50x128xf32, #tpu.memory_space<hbm>>
      %dma_wait3A_1298 = tpu.memref_squeeze %dma_wait3A_1297 : memref<1x50x128xf32, #tpu.memory_space<hbm>> -> memref<50x128xf32, #tpu.memory_space<hbm>>
      %dma_wait3A_1299 = arith.constant 0 : i32
      %dma_wait3A_1300 = arith.constant 0 : i32
      %dma_wait3A_1301 = tpu.memref_slice %arg4[%add3A_1289, %dma_wait3A_1299, %dma_wait3A_1300] : memref<4096x50x128xf32, #tpu.memory_space<hbm>> -> memref<1x50x128xf32, #tpu.memory_space<hbm>>
      %dma_wait3A_1302 = tpu.memref_squeeze %dma_wait3A_1301 : memref<1x50x128xf32, #tpu.memory_space<hbm>> -> memref<50x128xf32, #tpu.memory_space<hbm>>
      %dma_wait3A_1303 = arith.constant 0 : i32
      %dma_wait3A_1304 = arith.constant 0 : i32
      %dma_wait3A_1305 = tpu.memref_slice %arg6[%dma_wait3A_1290, %dma_wait3A_1303, %dma_wait3A_1304] : memref<8x50x128xf32, #tpu.memory_space<vmem>> -> memref<1x50x128xf32, #tpu.memory_space<vmem>>
      %dma_wait3A_1306 = tpu.memref_squeeze %dma_wait3A_1305 : memref<1x50x128xf32, #tpu.memory_space<vmem>> -> memref<50x128xf32, #tpu.memory_space<vmem>>
      tpu.wait_dma2 semaphore(%arg16 : memref<!tpu.dma_semaphore, #tpu.memory_space<semaphore_mem>>) src(%dma_wait3A_1306 : memref<50x128xf32, #tpu.memory_space<vmem>>) dst(%dma_wait3A_1302 : memref<50x128xf32, #tpu.memory_space<hbm>>)
      %add3A_1307 = arith.constant 5 : i32
      %add3A_1308 = arith.addi %add3A_1257, %add3A_1307 : i32
      %dma_start3A_1309 = arith.constant 1 : i32
      %dma_start3A_1310 = arith.constant 0 : i32
      %dma_start3A_1311 = arith.constant 0 : i32
      %dma_start3A_1312 = tpu.memref_slice %arg6[%dma_start3A_1309, %dma_start3A_1310, %dma_start3A_1311] : memref<8x50x128xf32, #tpu.memory_space<vmem>> -> memref<1x50x128xf32, #tpu.memory_space<vmem>>
      %dma_start3A_1313 = tpu.memref_squeeze %dma_start3A_1312 : memref<1x50x128xf32, #tpu.memory_space<vmem>> -> memref<50x128xf32, #tpu.memory_space<vmem>>
      %dma_start3A_1314 = arith.constant 0 : i32
      %dma_start3A_1315 = tpu.memref_slice %arg5[%add3A_1308, %dma_start3A_1314] : memref<128x50xi32, #tpu.memory_space<vmem>> -> memref<1x50xi32, #tpu.memory_space<vmem>>
      %dma_start3A_1316 = tpu.memref_squeeze %dma_start3A_1315 : memref<1x50xi32, #tpu.memory_space<vmem>> -> memref<50xi32, #tpu.memory_space<vmem>>
      %dma_start3A_1317 = arith.constant 0 : i32
      %dma_start3A_1318 = arith.constant 0 : i32
      %dma_start3A_1319 = tpu.memref_slice %arg3[%dma_start3A_1317, %dma_start3A_1318] : memref<100000x128xf32, #tpu.memory_space<hbm>> -> memref<100000x128xf32, #tpu.memory_space<hbm>>
      tpu.enqueue_indirect_dma source(%dma_start3A_1319 : memref<100000x128xf32, #tpu.memory_space<hbm>>) target(%dma_start3A_1313 : memref<50x128xf32, #tpu.memory_space<vmem>>) offsets(%dma_start3A_1316 : memref<50xi32, #tpu.memory_space<vmem>>) semaphore(%arg8 : memref<!tpu.dma_semaphore, #tpu.memory_space<semaphore_mem>>)
      %add3A_1320 = arith.constant 5 : i32
      %add3A_1321 = arith.addi %mul3A_1000, %add3A_1320 : i32
      %dma_wait3A_1322 = arith.constant 5 : i32
      %dma_wait3A_1323 = arith.constant 0 : i32
      %dma_wait3A_1324 = arith.constant 0 : i32
      %dma_wait3A_1325 = tpu.memref_slice %arg6[%dma_wait3A_1322, %dma_wait3A_1323, %dma_wait3A_1324] : memref<8x50x128xf32, #tpu.memory_space<vmem>> -> memref<1x50x128xf32, #tpu.memory_space<vmem>>
      %dma_wait3A_1326 = tpu.memref_squeeze %dma_wait3A_1325 : memref<1x50x128xf32, #tpu.memory_space<vmem>> -> memref<50x128xf32, #tpu.memory_space<vmem>>
      %dma_wait3A_1327 = arith.constant 0 : i32
      %dma_wait3A_1328 = tpu.memref_slice %arg5[%add3A_1321, %dma_wait3A_1327] : memref<128x50xi32, #tpu.memory_space<vmem>> -> memref<1x50xi32, #tpu.memory_space<vmem>>
      %dma_wait3A_1329 = tpu.memref_squeeze %dma_wait3A_1328 : memref<1x50xi32, #tpu.memory_space<vmem>> -> memref<50xi32, #tpu.memory_space<vmem>>
      %dma_wait3A_1330 = arith.constant 0 : i32
      %dma_wait3A_1331 = arith.constant 0 : i32
      %dma_wait3A_1332 = tpu.memref_slice %arg3[%dma_wait3A_1330, %dma_wait3A_1331] : memref<100000x128xf32, #tpu.memory_space<hbm>> -> memref<100000x128xf32, #tpu.memory_space<hbm>>
      tpu.wait_indirect_dma semaphore(%arg12 : memref<!tpu.dma_semaphore, #tpu.memory_space<semaphore_mem>>) src(%dma_wait3A_1332 : memref<100000x128xf32, #tpu.memory_space<hbm>>) dst(%dma_wait3A_1326 : memref<50x128xf32, #tpu.memory_space<vmem>>)
      %add3A_1333 = arith.addi %mul3A_2, %add3A_1321 : i32
      %dma_start3A_1334 = arith.constant 5 : i32
      %dma_start3A_1335 = arith.constant 0 : i32
      %dma_start3A_1336 = arith.constant 0 : i32
      %dma_start3A_1337 = tpu.memref_slice %arg6[%dma_start3A_1334, %dma_start3A_1335, %dma_start3A_1336] : memref<8x50x128xf32, #tpu.memory_space<vmem>> -> memref<1x50x128xf32, #tpu.memory_space<vmem>>
      %dma_start3A_1338 = tpu.memref_squeeze %dma_start3A_1337 : memref<1x50x128xf32, #tpu.memory_space<vmem>> -> memref<50x128xf32, #tpu.memory_space<vmem>>
      %dma_start3A_1339 = arith.constant 0 : i32
      %dma_start3A_1340 = arith.constant 0 : i32
      %dma_start3A_1341 = tpu.memref_slice %arg4[%add3A_1333, %dma_start3A_1339, %dma_start3A_1340] : memref<4096x50x128xf32, #tpu.memory_space<hbm>> -> memref<1x50x128xf32, #tpu.memory_space<hbm>>
      %dma_start3A_1342 = tpu.memref_squeeze %dma_start3A_1341 : memref<1x50x128xf32, #tpu.memory_space<hbm>> -> memref<50x128xf32, #tpu.memory_space<hbm>>
      %dma_start3A_1343 = arith.constant 0 : i32
      %dma_start3A_1344 = arith.constant 0 : i32
      %dma_start3A_1345 = tpu.memref_slice %arg4[%add3A_1333, %dma_start3A_1343, %dma_start3A_1344] : memref<4096x50x128xf32, #tpu.memory_space<hbm>> -> memref<1x50x128xf32, #tpu.memory_space<hbm>>
      %dma_start3A_1346 = tpu.memref_squeeze %dma_start3A_1345 : memref<1x50x128xf32, #tpu.memory_space<hbm>> -> memref<50x128xf32, #tpu.memory_space<hbm>>
      %dma_start3A_1347 = arith.constant 0 : i32
      %dma_start3A_1348 = arith.constant 0 : i32
      %dma_start3A_1349 = tpu.memref_slice %arg6[%dma_start3A_1334, %dma_start3A_1347, %dma_start3A_1348] : memref<8x50x128xf32, #tpu.memory_space<vmem>> -> memref<1x50x128xf32, #tpu.memory_space<vmem>>
      %dma_start3A_1350 = tpu.memref_squeeze %dma_start3A_1349 : memref<1x50x128xf32, #tpu.memory_space<vmem>> -> memref<50x128xf32, #tpu.memory_space<vmem>>
      tpu.enqueue_dma source(%dma_start3A_1350 : memref<50x128xf32, #tpu.memory_space<vmem>>) target(%dma_start3A_1346 : memref<50x128xf32, #tpu.memory_space<hbm>>) target_semaphore(%arg20 : memref<!tpu.dma_semaphore, #tpu.memory_space<semaphore_mem>>)
      %sub3A_1351 = arith.constant 3 : i32
      %sub3A_1352 = arith.subi %add3A_1321, %sub3A_1351 : i32
      %add3A_1353 = arith.addi %mul3A_2, %sub3A_1352 : i32
      %dma_wait3A_1354 = arith.constant 2 : i32
      %dma_wait3A_1355 = arith.constant 0 : i32
      %dma_wait3A_1356 = arith.constant 0 : i32
      %dma_wait3A_1357 = tpu.memref_slice %arg6[%dma_wait3A_1354, %dma_wait3A_1355, %dma_wait3A_1356] : memref<8x50x128xf32, #tpu.memory_space<vmem>> -> memref<1x50x128xf32, #tpu.memory_space<vmem>>
      %dma_wait3A_1358 = tpu.memref_squeeze %dma_wait3A_1357 : memref<1x50x128xf32, #tpu.memory_space<vmem>> -> memref<50x128xf32, #tpu.memory_space<vmem>>
      %dma_wait3A_1359 = arith.constant 0 : i32
      %dma_wait3A_1360 = arith.constant 0 : i32
      %dma_wait3A_1361 = tpu.memref_slice %arg4[%add3A_1353, %dma_wait3A_1359, %dma_wait3A_1360] : memref<4096x50x128xf32, #tpu.memory_space<hbm>> -> memref<1x50x128xf32, #tpu.memory_space<hbm>>
      %dma_wait3A_1362 = tpu.memref_squeeze %dma_wait3A_1361 : memref<1x50x128xf32, #tpu.memory_space<hbm>> -> memref<50x128xf32, #tpu.memory_space<hbm>>
      %dma_wait3A_1363 = arith.constant 0 : i32
      %dma_wait3A_1364 = arith.constant 0 : i32
      %dma_wait3A_1365 = tpu.memref_slice %arg4[%add3A_1353, %dma_wait3A_1363, %dma_wait3A_1364] : memref<4096x50x128xf32, #tpu.memory_space<hbm>> -> memref<1x50x128xf32, #tpu.memory_space<hbm>>
      %dma_wait3A_1366 = tpu.memref_squeeze %dma_wait3A_1365 : memref<1x50x128xf32, #tpu.memory_space<hbm>> -> memref<50x128xf32, #tpu.memory_space<hbm>>
      %dma_wait3A_1367 = arith.constant 0 : i32
      %dma_wait3A_1368 = arith.constant 0 : i32
      %dma_wait3A_1369 = tpu.memref_slice %arg6[%dma_wait3A_1354, %dma_wait3A_1367, %dma_wait3A_1368] : memref<8x50x128xf32, #tpu.memory_space<vmem>> -> memref<1x50x128xf32, #tpu.memory_space<vmem>>
      %dma_wait3A_1370 = tpu.memref_squeeze %dma_wait3A_1369 : memref<1x50x128xf32, #tpu.memory_space<vmem>> -> memref<50x128xf32, #tpu.memory_space<vmem>>
      tpu.wait_dma2 semaphore(%arg17 : memref<!tpu.dma_semaphore, #tpu.memory_space<semaphore_mem>>) src(%dma_wait3A_1370 : memref<50x128xf32, #tpu.memory_space<vmem>>) dst(%dma_wait3A_1366 : memref<50x128xf32, #tpu.memory_space<hbm>>)
      %add3A_1371 = arith.constant 5 : i32
      %add3A_1372 = arith.addi %add3A_1321, %add3A_1371 : i32
      %dma_start3A_1373 = arith.constant 2 : i32
      %dma_start3A_1374 = arith.constant 0 : i32
      %dma_start3A_1375 = arith.constant 0 : i32
      %dma_start3A_1376 = tpu.memref_slice %arg6[%dma_start3A_1373, %dma_start3A_1374, %dma_start3A_1375] : memref<8x50x128xf32, #tpu.memory_space<vmem>> -> memref<1x50x128xf32, #tpu.memory_space<vmem>>
      %dma_start3A_1377 = tpu.memref_squeeze %dma_start3A_1376 : memref<1x50x128xf32, #tpu.memory_space<vmem>> -> memref<50x128xf32, #tpu.memory_space<vmem>>
      %dma_start3A_1378 = arith.constant 0 : i32
      %dma_start3A_1379 = tpu.memref_slice %arg5[%add3A_1372, %dma_start3A_1378] : memref<128x50xi32, #tpu.memory_space<vmem>> -> memref<1x50xi32, #tpu.memory_space<vmem>>
      %dma_start3A_1380 = tpu.memref_squeeze %dma_start3A_1379 : memref<1x50xi32, #tpu.memory_space<vmem>> -> memref<50xi32, #tpu.memory_space<vmem>>
      %dma_start3A_1381 = arith.constant 0 : i32
      %dma_start3A_1382 = arith.constant 0 : i32
      %dma_start3A_1383 = tpu.memref_slice %arg3[%dma_start3A_1381, %dma_start3A_1382] : memref<100000x128xf32, #tpu.memory_space<hbm>> -> memref<100000x128xf32, #tpu.memory_space<hbm>>
      tpu.enqueue_indirect_dma source(%dma_start3A_1383 : memref<100000x128xf32, #tpu.memory_space<hbm>>) target(%dma_start3A_1377 : memref<50x128xf32, #tpu.memory_space<vmem>>) offsets(%dma_start3A_1380 : memref<50xi32, #tpu.memory_space<vmem>>) semaphore(%arg9 : memref<!tpu.dma_semaphore, #tpu.memory_space<semaphore_mem>>)
      %add3A_1384 = arith.constant 6 : i32
      %add3A_1385 = arith.addi %mul3A_1000, %add3A_1384 : i32
      %dma_wait3A_1386 = arith.constant 6 : i32
      %dma_wait3A_1387 = arith.constant 0 : i32
      %dma_wait3A_1388 = arith.constant 0 : i32
      %dma_wait3A_1389 = tpu.memref_slice %arg6[%dma_wait3A_1386, %dma_wait3A_1387, %dma_wait3A_1388] : memref<8x50x128xf32, #tpu.memory_space<vmem>> -> memref<1x50x128xf32, #tpu.memory_space<vmem>>
      %dma_wait3A_1390 = tpu.memref_squeeze %dma_wait3A_1389 : memref<1x50x128xf32, #tpu.memory_space<vmem>> -> memref<50x128xf32, #tpu.memory_space<vmem>>
      %dma_wait3A_1391 = arith.constant 0 : i32
      %dma_wait3A_1392 = tpu.memref_slice %arg5[%add3A_1385, %dma_wait3A_1391] : memref<128x50xi32, #tpu.memory_space<vmem>> -> memref<1x50xi32, #tpu.memory_space<vmem>>
      %dma_wait3A_1393 = tpu.memref_squeeze %dma_wait3A_1392 : memref<1x50xi32, #tpu.memory_space<vmem>> -> memref<50xi32, #tpu.memory_space<vmem>>
      %dma_wait3A_1394 = arith.constant 0 : i32
      %dma_wait3A_1395 = arith.constant 0 : i32
      %dma_wait3A_1396 = tpu.memref_slice %arg3[%dma_wait3A_1394, %dma_wait3A_1395] : memref<100000x128xf32, #tpu.memory_space<hbm>> -> memref<100000x128xf32, #tpu.memory_space<hbm>>
      tpu.wait_indirect_dma semaphore(%arg13 : memref<!tpu.dma_semaphore, #tpu.memory_space<semaphore_mem>>) src(%dma_wait3A_1396 : memref<100000x128xf32, #tpu.memory_space<hbm>>) dst(%dma_wait3A_1390 : memref<50x128xf32, #tpu.memory_space<vmem>>)
      %add3A_1397 = arith.addi %mul3A_2, %add3A_1385 : i32
      %dma_start3A_1398 = arith.constant 6 : i32
      %dma_start3A_1399 = arith.constant 0 : i32
      %dma_start3A_1400 = arith.constant 0 : i32
      %dma_start3A_1401 = tpu.memref_slice %arg6[%dma_start3A_1398, %dma_start3A_1399, %dma_start3A_1400] : memref<8x50x128xf32, #tpu.memory_space<vmem>> -> memref<1x50x128xf32, #tpu.memory_space<vmem>>
      %dma_start3A_1402 = tpu.memref_squeeze %dma_start3A_1401 : memref<1x50x128xf32, #tpu.memory_space<vmem>> -> memref<50x128xf32, #tpu.memory_space<vmem>>
      %dma_start3A_1403 = arith.constant 0 : i32
      %dma_start3A_1404 = arith.constant 0 : i32
      %dma_start3A_1405 = tpu.memref_slice %arg4[%add3A_1397, %dma_start3A_1403, %dma_start3A_1404] : memref<4096x50x128xf32, #tpu.memory_space<hbm>> -> memref<1x50x128xf32, #tpu.memory_space<hbm>>
      %dma_start3A_1406 = tpu.memref_squeeze %dma_start3A_1405 : memref<1x50x128xf32, #tpu.memory_space<hbm>> -> memref<50x128xf32, #tpu.memory_space<hbm>>
      %dma_start3A_1407 = arith.constant 0 : i32
      %dma_start3A_1408 = arith.constant 0 : i32
      %dma_start3A_1409 = tpu.memref_slice %arg4[%add3A_1397, %dma_start3A_1407, %dma_start3A_1408] : memref<4096x50x128xf32, #tpu.memory_space<hbm>> -> memref<1x50x128xf32, #tpu.memory_space<hbm>>
      %dma_start3A_1410 = tpu.memref_squeeze %dma_start3A_1409 : memref<1x50x128xf32, #tpu.memory_space<hbm>> -> memref<50x128xf32, #tpu.memory_space<hbm>>
      %dma_start3A_1411 = arith.constant 0 : i32
      %dma_start3A_1412 = arith.constant 0 : i32
      %dma_start3A_1413 = tpu.memref_slice %arg6[%dma_start3A_1398, %dma_start3A_1411, %dma_start3A_1412] : memref<8x50x128xf32, #tpu.memory_space<vmem>> -> memref<1x50x128xf32, #tpu.memory_space<vmem>>
      %dma_start3A_1414 = tpu.memref_squeeze %dma_start3A_1413 : memref<1x50x128xf32, #tpu.memory_space<vmem>> -> memref<50x128xf32, #tpu.memory_space<vmem>>
      tpu.enqueue_dma source(%dma_start3A_1414 : memref<50x128xf32, #tpu.memory_space<vmem>>) target(%dma_start3A_1410 : memref<50x128xf32, #tpu.memory_space<hbm>>) target_semaphore(%arg21 : memref<!tpu.dma_semaphore, #tpu.memory_space<semaphore_mem>>)
      %sub3A_1415 = arith.constant 3 : i32
      %sub3A_1416 = arith.subi %add3A_1385, %sub3A_1415 : i32
      %add3A_1417 = arith.addi %mul3A_2, %sub3A_1416 : i32
      %dma_wait3A_1418 = arith.constant 3 : i32
      %dma_wait3A_1419 = arith.constant 0 : i32
      %dma_wait3A_1420 = arith.constant 0 : i32
      %dma_wait3A_1421 = tpu.memref_slice %arg6[%dma_wait3A_1418, %dma_wait3A_1419, %dma_wait3A_1420] : memref<8x50x128xf32, #tpu.memory_space<vmem>> -> memref<1x50x128xf32, #tpu.memory_space<vmem>>
      %dma_wait3A_1422 = tpu.memref_squeeze %dma_wait3A_1421 : memref<1x50x128xf32, #tpu.memory_space<vmem>> -> memref<50x128xf32, #tpu.memory_space<vmem>>
      %dma_wait3A_1423 = arith.constant 0 : i32
      %dma_wait3A_1424 = arith.constant 0 : i32
      %dma_wait3A_1425 = tpu.memref_slice %arg4[%add3A_1417, %dma_wait3A_1423, %dma_wait3A_1424] : memref<4096x50x128xf32, #tpu.memory_space<hbm>> -> memref<1x50x128xf32, #tpu.memory_space<hbm>>
      %dma_wait3A_1426 = tpu.memref_squeeze %dma_wait3A_1425 : memref<1x50x128xf32, #tpu.memory_space<hbm>> -> memref<50x128xf32, #tpu.memory_space<hbm>>
      %dma_wait3A_1427 = arith.constant 0 : i32
      %dma_wait3A_1428 = arith.constant 0 : i32
      %dma_wait3A_1429 = tpu.memref_slice %arg4[%add3A_1417, %dma_wait3A_1427, %dma_wait3A_1428] : memref<4096x50x128xf32, #tpu.memory_space<hbm>> -> memref<1x50x128xf32, #tpu.memory_space<hbm>>
      %dma_wait3A_1430 = tpu.memref_squeeze %dma_wait3A_1429 : memref<1x50x128xf32, #tpu.memory_space<hbm>> -> memref<50x128xf32, #tpu.memory_space<hbm>>
      %dma_wait3A_1431 = arith.constant 0 : i32
      %dma_wait3A_1432 = arith.constant 0 : i32
      %dma_wait3A_1433 = tpu.memref_slice %arg6[%dma_wait3A_1418, %dma_wait3A_1431, %dma_wait3A_1432] : memref<8x50x128xf32, #tpu.memory_space<vmem>> -> memref<1x50x128xf32, #tpu.memory_space<vmem>>
      %dma_wait3A_1434 = tpu.memref_squeeze %dma_wait3A_1433 : memref<1x50x128xf32, #tpu.memory_space<vmem>> -> memref<50x128xf32, #tpu.memory_space<vmem>>
      tpu.wait_dma2 semaphore(%arg18 : memref<!tpu.dma_semaphore, #tpu.memory_space<semaphore_mem>>) src(%dma_wait3A_1434 : memref<50x128xf32, #tpu.memory_space<vmem>>) dst(%dma_wait3A_1430 : memref<50x128xf32, #tpu.memory_space<hbm>>)
      %add3A_1435 = arith.constant 5 : i32
      %add3A_1436 = arith.addi %add3A_1385, %add3A_1435 : i32
      %dma_start3A_1437 = arith.constant 3 : i32
      %dma_start3A_1438 = arith.constant 0 : i32
      %dma_start3A_1439 = arith.constant 0 : i32
      %dma_start3A_1440 = tpu.memref_slice %arg6[%dma_start3A_1437, %dma_start3A_1438, %dma_start3A_1439] : memref<8x50x128xf32, #tpu.memory_space<vmem>> -> memref<1x50x128xf32, #tpu.memory_space<vmem>>
      %dma_start3A_1441 = tpu.memref_squeeze %dma_start3A_1440 : memref<1x50x128xf32, #tpu.memory_space<vmem>> -> memref<50x128xf32, #tpu.memory_space<vmem>>
      %dma_start3A_1442 = arith.constant 0 : i32
      %dma_start3A_1443 = tpu.memref_slice %arg5[%add3A_1436, %dma_start3A_1442] : memref<128x50xi32, #tpu.memory_space<vmem>> -> memref<1x50xi32, #tpu.memory_space<vmem>>
      %dma_start3A_1444 = tpu.memref_squeeze %dma_start3A_1443 : memref<1x50xi32, #tpu.memory_space<vmem>> -> memref<50xi32, #tpu.memory_space<vmem>>
      %dma_start3A_1445 = arith.constant 0 : i32
      %dma_start3A_1446 = arith.constant 0 : i32
      %dma_start3A_1447 = tpu.memref_slice %arg3[%dma_start3A_1445, %dma_start3A_1446] : memref<100000x128xf32, #tpu.memory_space<hbm>> -> memref<100000x128xf32, #tpu.memory_space<hbm>>
      tpu.enqueue_indirect_dma source(%dma_start3A_1447 : memref<100000x128xf32, #tpu.memory_space<hbm>>) target(%dma_start3A_1441 : memref<50x128xf32, #tpu.memory_space<vmem>>) offsets(%dma_start3A_1444 : memref<50xi32, #tpu.memory_space<vmem>>) semaphore(%arg10 : memref<!tpu.dma_semaphore, #tpu.memory_space<semaphore_mem>>)
      %add3A_1448 = arith.constant 7 : i32
      %add3A_1449 = arith.addi %mul3A_1000, %add3A_1448 : i32
      %dma_wait3A_1450 = arith.constant 7 : i32
      %dma_wait3A_1451 = arith.constant 0 : i32
      %dma_wait3A_1452 = arith.constant 0 : i32
      %dma_wait3A_1453 = tpu.memref_slice %arg6[%dma_wait3A_1450, %dma_wait3A_1451, %dma_wait3A_1452] : memref<8x50x128xf32, #tpu.memory_space<vmem>> -> memref<1x50x128xf32, #tpu.memory_space<vmem>>
      %dma_wait3A_1454 = tpu.memref_squeeze %dma_wait3A_1453 : memref<1x50x128xf32, #tpu.memory_space<vmem>> -> memref<50x128xf32, #tpu.memory_space<vmem>>
      %dma_wait3A_1455 = arith.constant 0 : i32
      %dma_wait3A_1456 = tpu.memref_slice %arg5[%add3A_1449, %dma_wait3A_1455] : memref<128x50xi32, #tpu.memory_space<vmem>> -> memref<1x50xi32, #tpu.memory_space<vmem>>
      %dma_wait3A_1457 = tpu.memref_squeeze %dma_wait3A_1456 : memref<1x50xi32, #tpu.memory_space<vmem>> -> memref<50xi32, #tpu.memory_space<vmem>>
      %dma_wait3A_1458 = arith.constant 0 : i32
      %dma_wait3A_1459 = arith.constant 0 : i32
      %dma_wait3A_1460 = tpu.memref_slice %arg3[%dma_wait3A_1458, %dma_wait3A_1459] : memref<100000x128xf32, #tpu.memory_space<hbm>> -> memref<100000x128xf32, #tpu.memory_space<hbm>>
      tpu.wait_indirect_dma semaphore(%arg14 : memref<!tpu.dma_semaphore, #tpu.memory_space<semaphore_mem>>) src(%dma_wait3A_1460 : memref<100000x128xf32, #tpu.memory_space<hbm>>) dst(%dma_wait3A_1454 : memref<50x128xf32, #tpu.memory_space<vmem>>)
      %add3A_1461 = arith.addi %mul3A_2, %add3A_1449 : i32
      %dma_start3A_1462 = arith.constant 7 : i32
      %dma_start3A_1463 = arith.constant 0 : i32
      %dma_start3A_1464 = arith.constant 0 : i32
      %dma_start3A_1465 = tpu.memref_slice %arg6[%dma_start3A_1462, %dma_start3A_1463, %dma_start3A_1464] : memref<8x50x128xf32, #tpu.memory_space<vmem>> -> memref<1x50x128xf32, #tpu.memory_space<vmem>>
      %dma_start3A_1466 = tpu.memref_squeeze %dma_start3A_1465 : memref<1x50x128xf32, #tpu.memory_space<vmem>> -> memref<50x128xf32, #tpu.memory_space<vmem>>
      %dma_start3A_1467 = arith.constant 0 : i32
      %dma_start3A_1468 = arith.constant 0 : i32
      %dma_start3A_1469 = tpu.memref_slice %arg4[%add3A_1461, %dma_start3A_1467, %dma_start3A_1468] : memref<4096x50x128xf32, #tpu.memory_space<hbm>> -> memref<1x50x128xf32, #tpu.memory_space<hbm>>
      %dma_start3A_1470 = tpu.memref_squeeze %dma_start3A_1469 : memref<1x50x128xf32, #tpu.memory_space<hbm>> -> memref<50x128xf32, #tpu.memory_space<hbm>>
      %dma_start3A_1471 = arith.constant 0 : i32
      %dma_start3A_1472 = arith.constant 0 : i32
      %dma_start3A_1473 = tpu.memref_slice %arg4[%add3A_1461, %dma_start3A_1471, %dma_start3A_1472] : memref<4096x50x128xf32, #tpu.memory_space<hbm>> -> memref<1x50x128xf32, #tpu.memory_space<hbm>>
      %dma_start3A_1474 = tpu.memref_squeeze %dma_start3A_1473 : memref<1x50x128xf32, #tpu.memory_space<hbm>> -> memref<50x128xf32, #tpu.memory_space<hbm>>
      %dma_start3A_1475 = arith.constant 0 : i32
      %dma_start3A_1476 = arith.constant 0 : i32
      %dma_start3A_1477 = tpu.memref_slice %arg6[%dma_start3A_1462, %dma_start3A_1475, %dma_start3A_1476] : memref<8x50x128xf32, #tpu.memory_space<vmem>> -> memref<1x50x128xf32, #tpu.memory_space<vmem>>
      %dma_start3A_1478 = tpu.memref_squeeze %dma_start3A_1477 : memref<1x50x128xf32, #tpu.memory_space<vmem>> -> memref<50x128xf32, #tpu.memory_space<vmem>>
      tpu.enqueue_dma source(%dma_start3A_1478 : memref<50x128xf32, #tpu.memory_space<vmem>>) target(%dma_start3A_1474 : memref<50x128xf32, #tpu.memory_space<hbm>>) target_semaphore(%arg22 : memref<!tpu.dma_semaphore, #tpu.memory_space<semaphore_mem>>)
      %sub3A_1479 = arith.constant 3 : i32
      %sub3A_1480 = arith.subi %add3A_1449, %sub3A_1479 : i32
      %add3A_1481 = arith.addi %mul3A_2, %sub3A_1480 : i32
      %dma_wait3A_1482 = arith.constant 4 : i32
      %dma_wait3A_1483 = arith.constant 0 : i32
      %dma_wait3A_1484 = arith.constant 0 : i32
      %dma_wait3A_1485 = tpu.memref_slice %arg6[%dma_wait3A_1482, %dma_wait3A_1483, %dma_wait3A_1484] : memref<8x50x128xf32, #tpu.memory_space<vmem>> -> memref<1x50x128xf32, #tpu.memory_space<vmem>>
      %dma_wait3A_1486 = tpu.memref_squeeze %dma_wait3A_1485 : memref<1x50x128xf32, #tpu.memory_space<vmem>> -> memref<50x128xf32, #tpu.memory_space<vmem>>
      %dma_wait3A_1487 = arith.constant 0 : i32
      %dma_wait3A_1488 = arith.constant 0 : i32
      %dma_wait3A_1489 = tpu.memref_slice %arg4[%add3A_1481, %dma_wait3A_1487, %dma_wait3A_1488] : memref<4096x50x128xf32, #tpu.memory_space<hbm>> -> memref<1x50x128xf32, #tpu.memory_space<hbm>>
      %dma_wait3A_1490 = tpu.memref_squeeze %dma_wait3A_1489 : memref<1x50x128xf32, #tpu.memory_space<hbm>> -> memref<50x128xf32, #tpu.memory_space<hbm>>
      %dma_wait3A_1491 = arith.constant 0 : i32
      %dma_wait3A_1492 = arith.constant 0 : i32
      %dma_wait3A_1493 = tpu.memref_slice %arg4[%add3A_1481, %dma_wait3A_1491, %dma_wait3A_1492] : memref<4096x50x128xf32, #tpu.memory_space<hbm>> -> memref<1x50x128xf32, #tpu.memory_space<hbm>>
      %dma_wait3A_1494 = tpu.memref_squeeze %dma_wait3A_1493 : memref<1x50x128xf32, #tpu.memory_space<hbm>> -> memref<50x128xf32, #tpu.memory_space<hbm>>
      %dma_wait3A_1495 = arith.constant 0 : i32
      %dma_wait3A_1496 = arith.constant 0 : i32
      %dma_wait3A_1497 = tpu.memref_slice %arg6[%dma_wait3A_1482, %dma_wait3A_1495, %dma_wait3A_1496] : memref<8x50x128xf32, #tpu.memory_space<vmem>> -> memref<1x50x128xf32, #tpu.memory_space<vmem>>
      %dma_wait3A_1498 = tpu.memref_squeeze %dma_wait3A_1497 : memref<1x50x128xf32, #tpu.memory_space<vmem>> -> memref<50x128xf32, #tpu.memory_space<vmem>>
      tpu.wait_dma2 semaphore(%arg19 : memref<!tpu.dma_semaphore, #tpu.memory_space<semaphore_mem>>) src(%dma_wait3A_1498 : memref<50x128xf32, #tpu.memory_space<vmem>>) dst(%dma_wait3A_1494 : memref<50x128xf32, #tpu.memory_space<hbm>>)
      %add3A_1499 = arith.constant 5 : i32
      %add3A_1500 = arith.addi %add3A_1449, %add3A_1499 : i32
      %dma_start3A_1501 = arith.constant 4 : i32
      %dma_start3A_1502 = arith.constant 0 : i32
      %dma_start3A_1503 = arith.constant 0 : i32
      %dma_start3A_1504 = tpu.memref_slice %arg6[%dma_start3A_1501, %dma_start3A_1502, %dma_start3A_1503] : memref<8x50x128xf32, #tpu.memory_space<vmem>> -> memref<1x50x128xf32, #tpu.memory_space<vmem>>
      %dma_start3A_1505 = tpu.memref_squeeze %dma_start3A_1504 : memref<1x50x128xf32, #tpu.memory_space<vmem>> -> memref<50x128xf32, #tpu.memory_space<vmem>>
      %dma_start3A_1506 = arith.constant 0 : i32
      %dma_start3A_1507 = tpu.memref_slice %arg5[%add3A_1500, %dma_start3A_1506] : memref<128x50xi32, #tpu.memory_space<vmem>> -> memref<1x50xi32, #tpu.memory_space<vmem>>
      %dma_start3A_1508 = tpu.memref_squeeze %dma_start3A_1507 : memref<1x50xi32, #tpu.memory_space<vmem>> -> memref<50xi32, #tpu.memory_space<vmem>>
      %dma_start3A_1509 = arith.constant 0 : i32
      %dma_start3A_1510 = arith.constant 0 : i32
      %dma_start3A_1511 = tpu.memref_slice %arg3[%dma_start3A_1509, %dma_start3A_1510] : memref<100000x128xf32, #tpu.memory_space<hbm>> -> memref<100000x128xf32, #tpu.memory_space<hbm>>
      tpu.enqueue_indirect_dma source(%dma_start3A_1511 : memref<100000x128xf32, #tpu.memory_space<hbm>>) target(%dma_start3A_1505 : memref<50x128xf32, #tpu.memory_space<vmem>>) offsets(%dma_start3A_1508 : memref<50xi32, #tpu.memory_space<vmem>>) semaphore(%arg11 : memref<!tpu.dma_semaphore, #tpu.memory_space<semaphore_mem>>)
    }
    %scan3A_504 = arith.constant 14 : i32
    %dma_wait3A_505 = arith.constant 120 : i32
    %dma_wait3A_506 = arith.constant 0 : i32
    %dma_wait3A_507 = arith.constant 0 : i32
    %dma_wait3A_508 = arith.constant 0 : i32
    %dma_wait3A_509 = tpu.memref_slice %arg6[%dma_wait3A_506, %dma_wait3A_507, %dma_wait3A_508] : memref<8x50x128xf32, #tpu.memory_space<vmem>> -> memref<1x50x128xf32, #tpu.memory_space<vmem>>
    %dma_wait3A_510 = tpu.memref_squeeze %dma_wait3A_509 : memref<1x50x128xf32, #tpu.memory_space<vmem>> -> memref<50x128xf32, #tpu.memory_space<vmem>>
    %dma_wait3A_511 = arith.constant 0 : i32
    %dma_wait3A_512 = tpu.memref_slice %arg5[%dma_wait3A_505, %dma_wait3A_511] : memref<128x50xi32, #tpu.memory_space<vmem>> -> memref<1x50xi32, #tpu.memory_space<vmem>>
    %dma_wait3A_513 = tpu.memref_squeeze %dma_wait3A_512 : memref<1x50xi32, #tpu.memory_space<vmem>> -> memref<50xi32, #tpu.memory_space<vmem>>
    %dma_wait3A_514 = arith.constant 0 : i32
    %dma_wait3A_515 = arith.constant 0 : i32
    %dma_wait3A_516 = tpu.memref_slice %arg3[%dma_wait3A_514, %dma_wait3A_515] : memref<100000x128xf32, #tpu.memory_space<hbm>> -> memref<100000x128xf32, #tpu.memory_space<hbm>>
    tpu.wait_indirect_dma semaphore(%arg7 : memref<!tpu.dma_semaphore, #tpu.memory_space<semaphore_mem>>) src(%dma_wait3A_516 : memref<100000x128xf32, #tpu.memory_space<hbm>>) dst(%dma_wait3A_510 : memref<50x128xf32, #tpu.memory_space<vmem>>)
    %add3A_517 = arith.constant 120 : i32
    %add3A_518 = arith.addi %mul3A_2, %add3A_517 : i32
    %dma_start3A_519 = arith.constant 0 : i32
    %dma_start3A_520 = arith.constant 0 : i32
    %dma_start3A_521 = arith.constant 0 : i32
    %dma_start3A_522 = tpu.memref_slice %arg6[%dma_start3A_519, %dma_start3A_520, %dma_start3A_521] : memref<8x50x128xf32, #tpu.memory_space<vmem>> -> memref<1x50x128xf32, #tpu.memory_space<vmem>>
    %dma_start3A_523 = tpu.memref_squeeze %dma_start3A_522 : memref<1x50x128xf32, #tpu.memory_space<vmem>> -> memref<50x128xf32, #tpu.memory_space<vmem>>
    %dma_start3A_524 = arith.constant 0 : i32
    %dma_start3A_525 = arith.constant 0 : i32
    %dma_start3A_526 = tpu.memref_slice %arg4[%add3A_518, %dma_start3A_524, %dma_start3A_525] : memref<4096x50x128xf32, #tpu.memory_space<hbm>> -> memref<1x50x128xf32, #tpu.memory_space<hbm>>
    %dma_start3A_527 = tpu.memref_squeeze %dma_start3A_526 : memref<1x50x128xf32, #tpu.memory_space<hbm>> -> memref<50x128xf32, #tpu.memory_space<hbm>>
    %dma_start3A_528 = arith.constant 0 : i32
    %dma_start3A_529 = arith.constant 0 : i32
    %dma_start3A_530 = tpu.memref_slice %arg4[%add3A_518, %dma_start3A_528, %dma_start3A_529] : memref<4096x50x128xf32, #tpu.memory_space<hbm>> -> memref<1x50x128xf32, #tpu.memory_space<hbm>>
    %dma_start3A_531 = tpu.memref_squeeze %dma_start3A_530 : memref<1x50x128xf32, #tpu.memory_space<hbm>> -> memref<50x128xf32, #tpu.memory_space<hbm>>
    %dma_start3A_532 = arith.constant 0 : i32
    %dma_start3A_533 = arith.constant 0 : i32
    %dma_start3A_534 = tpu.memref_slice %arg6[%dma_start3A_519, %dma_start3A_532, %dma_start3A_533] : memref<8x50x128xf32, #tpu.memory_space<vmem>> -> memref<1x50x128xf32, #tpu.memory_space<vmem>>
    %dma_start3A_535 = tpu.memref_squeeze %dma_start3A_534 : memref<1x50x128xf32, #tpu.memory_space<vmem>> -> memref<50x128xf32, #tpu.memory_space<vmem>>
    tpu.enqueue_dma source(%dma_start3A_535 : memref<50x128xf32, #tpu.memory_space<vmem>>) target(%dma_start3A_531 : memref<50x128xf32, #tpu.memory_space<hbm>>) target_semaphore(%arg15 : memref<!tpu.dma_semaphore, #tpu.memory_space<semaphore_mem>>)
    %add3A_536 = arith.constant 117 : i32
    %add3A_537 = arith.addi %mul3A_2, %add3A_536 : i32
    %dma_wait3A_538 = arith.constant 5 : i32
    %dma_wait3A_539 = arith.constant 0 : i32
    %dma_wait3A_540 = arith.constant 0 : i32
    %dma_wait3A_541 = tpu.memref_slice %arg6[%dma_wait3A_538, %dma_wait3A_539, %dma_wait3A_540] : memref<8x50x128xf32, #tpu.memory_space<vmem>> -> memref<1x50x128xf32, #tpu.memory_space<vmem>>
    %dma_wait3A_542 = tpu.memref_squeeze %dma_wait3A_541 : memref<1x50x128xf32, #tpu.memory_space<vmem>> -> memref<50x128xf32, #tpu.memory_space<vmem>>
    %dma_wait3A_543 = arith.constant 0 : i32
    %dma_wait3A_544 = arith.constant 0 : i32
    %dma_wait3A_545 = tpu.memref_slice %arg4[%add3A_537, %dma_wait3A_543, %dma_wait3A_544] : memref<4096x50x128xf32, #tpu.memory_space<hbm>> -> memref<1x50x128xf32, #tpu.memory_space<hbm>>
    %dma_wait3A_546 = tpu.memref_squeeze %dma_wait3A_545 : memref<1x50x128xf32, #tpu.memory_space<hbm>> -> memref<50x128xf32, #tpu.memory_space<hbm>>
    %dma_wait3A_547 = arith.constant 0 : i32
    %dma_wait3A_548 = arith.constant 0 : i32
    %dma_wait3A_549 = tpu.memref_slice %arg4[%add3A_537, %dma_wait3A_547, %dma_wait3A_548] : memref<4096x50x128xf32, #tpu.memory_space<hbm>> -> memref<1x50x128xf32, #tpu.memory_space<hbm>>
    %dma_wait3A_550 = tpu.memref_squeeze %dma_wait3A_549 : memref<1x50x128xf32, #tpu.memory_space<hbm>> -> memref<50x128xf32, #tpu.memory_space<hbm>>
    %dma_wait3A_551 = arith.constant 0 : i32
    %dma_wait3A_552 = arith.constant 0 : i32
    %dma_wait3A_553 = tpu.memref_slice %arg6[%dma_wait3A_538, %dma_wait3A_551, %dma_wait3A_552] : memref<8x50x128xf32, #tpu.memory_space<vmem>> -> memref<1x50x128xf32, #tpu.memory_space<vmem>>
    %dma_wait3A_554 = tpu.memref_squeeze %dma_wait3A_553 : memref<1x50x128xf32, #tpu.memory_space<vmem>> -> memref<50x128xf32, #tpu.memory_space<vmem>>
    tpu.wait_dma2 semaphore(%arg20 : memref<!tpu.dma_semaphore, #tpu.memory_space<semaphore_mem>>) src(%dma_wait3A_554 : memref<50x128xf32, #tpu.memory_space<vmem>>) dst(%dma_wait3A_550 : memref<50x128xf32, #tpu.memory_space<hbm>>)
    %dma_start3A_555 = arith.constant 125 : i32
    %dma_start3A_556 = arith.constant 5 : i32
    %dma_start3A_557 = arith.constant 0 : i32
    %dma_start3A_558 = arith.constant 0 : i32
    %dma_start3A_559 = tpu.memref_slice %arg6[%dma_start3A_556, %dma_start3A_557, %dma_start3A_558] : memref<8x50x128xf32, #tpu.memory_space<vmem>> -> memref<1x50x128xf32, #tpu.memory_space<vmem>>
    %dma_start3A_560 = tpu.memref_squeeze %dma_start3A_559 : memref<1x50x128xf32, #tpu.memory_space<vmem>> -> memref<50x128xf32, #tpu.memory_space<vmem>>
    %dma_start3A_561 = arith.constant 0 : i32
    %dma_start3A_562 = tpu.memref_slice %arg5[%dma_start3A_555, %dma_start3A_561] : memref<128x50xi32, #tpu.memory_space<vmem>> -> memref<1x50xi32, #tpu.memory_space<vmem>>
    %dma_start3A_563 = tpu.memref_squeeze %dma_start3A_562 : memref<1x50xi32, #tpu.memory_space<vmem>> -> memref<50xi32, #tpu.memory_space<vmem>>
    %dma_start3A_564 = arith.constant 0 : i32
    %dma_start3A_565 = arith.constant 0 : i32
    %dma_start3A_566 = tpu.memref_slice %arg3[%dma_start3A_564, %dma_start3A_565] : memref<100000x128xf32, #tpu.memory_space<hbm>> -> memref<100000x128xf32, #tpu.memory_space<hbm>>
    tpu.enqueue_indirect_dma source(%dma_start3A_566 : memref<100000x128xf32, #tpu.memory_space<hbm>>) target(%dma_start3A_560 : memref<50x128xf32, #tpu.memory_space<vmem>>) offsets(%dma_start3A_563 : memref<50xi32, #tpu.memory_space<vmem>>) semaphore(%arg12 : memref<!tpu.dma_semaphore, #tpu.memory_space<semaphore_mem>>)
    %dma_wait3A_567 = arith.constant 121 : i32
    %dma_wait3A_568 = arith.constant 1 : i32
    %dma_wait3A_569 = arith.constant 0 : i32
    %dma_wait3A_570 = arith.constant 0 : i32
    %dma_wait3A_571 = tpu.memref_slice %arg6[%dma_wait3A_568, %dma_wait3A_569, %dma_wait3A_570] : memref<8x50x128xf32, #tpu.memory_space<vmem>> -> memref<1x50x128xf32, #tpu.memory_space<vmem>>
    %dma_wait3A_572 = tpu.memref_squeeze %dma_wait3A_571 : memref<1x50x128xf32, #tpu.memory_space<vmem>> -> memref<50x128xf32, #tpu.memory_space<vmem>>
    %dma_wait3A_573 = arith.constant 0 : i32
    %dma_wait3A_574 = tpu.memref_slice %arg5[%dma_wait3A_567, %dma_wait3A_573] : memref<128x50xi32, #tpu.memory_space<vmem>> -> memref<1x50xi32, #tpu.memory_space<vmem>>
    %dma_wait3A_575 = tpu.memref_squeeze %dma_wait3A_574 : memref<1x50xi32, #tpu.memory_space<vmem>> -> memref<50xi32, #tpu.memory_space<vmem>>
    %dma_wait3A_576 = arith.constant 0 : i32
    %dma_wait3A_577 = arith.constant 0 : i32
    %dma_wait3A_578 = tpu.memref_slice %arg3[%dma_wait3A_576, %dma_wait3A_577] : memref<100000x128xf32, #tpu.memory_space<hbm>> -> memref<100000x128xf32, #tpu.memory_space<hbm>>
    tpu.wait_indirect_dma semaphore(%arg8 : memref<!tpu.dma_semaphore, #tpu.memory_space<semaphore_mem>>) src(%dma_wait3A_578 : memref<100000x128xf32, #tpu.memory_space<hbm>>) dst(%dma_wait3A_572 : memref<50x128xf32, #tpu.memory_space<vmem>>)
    %add3A_579 = arith.constant 121 : i32
    %add3A_580 = arith.addi %mul3A_2, %add3A_579 : i32
    %dma_start3A_581 = arith.constant 1 : i32
    %dma_start3A_582 = arith.constant 0 : i32
    %dma_start3A_583 = arith.constant 0 : i32
    %dma_start3A_584 = tpu.memref_slice %arg6[%dma_start3A_581, %dma_start3A_582, %dma_start3A_583] : memref<8x50x128xf32, #tpu.memory_space<vmem>> -> memref<1x50x128xf32, #tpu.memory_space<vmem>>
    %dma_start3A_585 = tpu.memref_squeeze %dma_start3A_584 : memref<1x50x128xf32, #tpu.memory_space<vmem>> -> memref<50x128xf32, #tpu.memory_space<vmem>>
    %dma_start3A_586 = arith.constant 0 : i32
    %dma_start3A_587 = arith.constant 0 : i32
    %dma_start3A_588 = tpu.memref_slice %arg4[%add3A_580, %dma_start3A_586, %dma_start3A_587] : memref<4096x50x128xf32, #tpu.memory_space<hbm>> -> memref<1x50x128xf32, #tpu.memory_space<hbm>>
    %dma_start3A_589 = tpu.memref_squeeze %dma_start3A_588 : memref<1x50x128xf32, #tpu.memory_space<hbm>> -> memref<50x128xf32, #tpu.memory_space<hbm>>
    %dma_start3A_590 = arith.constant 0 : i32
    %dma_start3A_591 = arith.constant 0 : i32
    %dma_start3A_592 = tpu.memref_slice %arg4[%add3A_580, %dma_start3A_590, %dma_start3A_591] : memref<4096x50x128xf32, #tpu.memory_space<hbm>> -> memref<1x50x128xf32, #tpu.memory_space<hbm>>
    %dma_start3A_593 = tpu.memref_squeeze %dma_start3A_592 : memref<1x50x128xf32, #tpu.memory_space<hbm>> -> memref<50x128xf32, #tpu.memory_space<hbm>>
    %dma_start3A_594 = arith.constant 0 : i32
    %dma_start3A_595 = arith.constant 0 : i32
    %dma_start3A_596 = tpu.memref_slice %arg6[%dma_start3A_581, %dma_start3A_594, %dma_start3A_595] : memref<8x50x128xf32, #tpu.memory_space<vmem>> -> memref<1x50x128xf32, #tpu.memory_space<vmem>>
    %dma_start3A_597 = tpu.memref_squeeze %dma_start3A_596 : memref<1x50x128xf32, #tpu.memory_space<vmem>> -> memref<50x128xf32, #tpu.memory_space<vmem>>
    tpu.enqueue_dma source(%dma_start3A_597 : memref<50x128xf32, #tpu.memory_space<vmem>>) target(%dma_start3A_593 : memref<50x128xf32, #tpu.memory_space<hbm>>) target_semaphore(%arg16 : memref<!tpu.dma_semaphore, #tpu.memory_space<semaphore_mem>>)
    %add3A_598 = arith.constant 118 : i32
    %add3A_599 = arith.addi %mul3A_2, %add3A_598 : i32
    %dma_wait3A_600 = arith.constant 6 : i32
    %dma_wait3A_601 = arith.constant 0 : i32
    %dma_wait3A_602 = arith.constant 0 : i32
    %dma_wait3A_603 = tpu.memref_slice %arg6[%dma_wait3A_600, %dma_wait3A_601, %dma_wait3A_602] : memref<8x50x128xf32, #tpu.memory_space<vmem>> -> memref<1x50x128xf32, #tpu.memory_space<vmem>>
    %dma_wait3A_604 = tpu.memref_squeeze %dma_wait3A_603 : memref<1x50x128xf32, #tpu.memory_space<vmem>> -> memref<50x128xf32, #tpu.memory_space<vmem>>
    %dma_wait3A_605 = arith.constant 0 : i32
    %dma_wait3A_606 = arith.constant 0 : i32
    %dma_wait3A_607 = tpu.memref_slice %arg4[%add3A_599, %dma_wait3A_605, %dma_wait3A_606] : memref<4096x50x128xf32, #tpu.memory_space<hbm>> -> memref<1x50x128xf32, #tpu.memory_space<hbm>>
    %dma_wait3A_608 = tpu.memref_squeeze %dma_wait3A_607 : memref<1x50x128xf32, #tpu.memory_space<hbm>> -> memref<50x128xf32, #tpu.memory_space<hbm>>
    %dma_wait3A_609 = arith.constant 0 : i32
    %dma_wait3A_610 = arith.constant 0 : i32
    %dma_wait3A_611 = tpu.memref_slice %arg4[%add3A_599, %dma_wait3A_609, %dma_wait3A_610] : memref<4096x50x128xf32, #tpu.memory_space<hbm>> -> memref<1x50x128xf32, #tpu.memory_space<hbm>>
    %dma_wait3A_612 = tpu.memref_squeeze %dma_wait3A_611 : memref<1x50x128xf32, #tpu.memory_space<hbm>> -> memref<50x128xf32, #tpu.memory_space<hbm>>
    %dma_wait3A_613 = arith.constant 0 : i32
    %dma_wait3A_614 = arith.constant 0 : i32
    %dma_wait3A_615 = tpu.memref_slice %arg6[%dma_wait3A_600, %dma_wait3A_613, %dma_wait3A_614] : memref<8x50x128xf32, #tpu.memory_space<vmem>> -> memref<1x50x128xf32, #tpu.memory_space<vmem>>
    %dma_wait3A_616 = tpu.memref_squeeze %dma_wait3A_615 : memref<1x50x128xf32, #tpu.memory_space<vmem>> -> memref<50x128xf32, #tpu.memory_space<vmem>>
    tpu.wait_dma2 semaphore(%arg21 : memref<!tpu.dma_semaphore, #tpu.memory_space<semaphore_mem>>) src(%dma_wait3A_616 : memref<50x128xf32, #tpu.memory_space<vmem>>) dst(%dma_wait3A_612 : memref<50x128xf32, #tpu.memory_space<hbm>>)
    %dma_start3A_617 = arith.constant 126 : i32
    %dma_start3A_618 = arith.constant 6 : i32
    %dma_start3A_619 = arith.constant 0 : i32
    %dma_start3A_620 = arith.constant 0 : i32
    %dma_start3A_621 = tpu.memref_slice %arg6[%dma_start3A_618, %dma_start3A_619, %dma_start3A_620] : memref<8x50x128xf32, #tpu.memory_space<vmem>> -> memref<1x50x128xf32, #tpu.memory_space<vmem>>
    %dma_start3A_622 = tpu.memref_squeeze %dma_start3A_621 : memref<1x50x128xf32, #tpu.memory_space<vmem>> -> memref<50x128xf32, #tpu.memory_space<vmem>>
    %dma_start3A_623 = arith.constant 0 : i32
    %dma_start3A_624 = tpu.memref_slice %arg5[%dma_start3A_617, %dma_start3A_623] : memref<128x50xi32, #tpu.memory_space<vmem>> -> memref<1x50xi32, #tpu.memory_space<vmem>>
    %dma_start3A_625 = tpu.memref_squeeze %dma_start3A_624 : memref<1x50xi32, #tpu.memory_space<vmem>> -> memref<50xi32, #tpu.memory_space<vmem>>
    %dma_start3A_626 = arith.constant 0 : i32
    %dma_start3A_627 = arith.constant 0 : i32
    %dma_start3A_628 = tpu.memref_slice %arg3[%dma_start3A_626, %dma_start3A_627] : memref<100000x128xf32, #tpu.memory_space<hbm>> -> memref<100000x128xf32, #tpu.memory_space<hbm>>
    tpu.enqueue_indirect_dma source(%dma_start3A_628 : memref<100000x128xf32, #tpu.memory_space<hbm>>) target(%dma_start3A_622 : memref<50x128xf32, #tpu.memory_space<vmem>>) offsets(%dma_start3A_625 : memref<50xi32, #tpu.memory_space<vmem>>) semaphore(%arg13 : memref<!tpu.dma_semaphore, #tpu.memory_space<semaphore_mem>>)
    %dma_wait3A_629 = arith.constant 122 : i32
    %dma_wait3A_630 = arith.constant 2 : i32
    %dma_wait3A_631 = arith.constant 0 : i32
    %dma_wait3A_632 = arith.constant 0 : i32
    %dma_wait3A_633 = tpu.memref_slice %arg6[%dma_wait3A_630, %dma_wait3A_631, %dma_wait3A_632] : memref<8x50x128xf32, #tpu.memory_space<vmem>> -> memref<1x50x128xf32, #tpu.memory_space<vmem>>
    %dma_wait3A_634 = tpu.memref_squeeze %dma_wait3A_633 : memref<1x50x128xf32, #tpu.memory_space<vmem>> -> memref<50x128xf32, #tpu.memory_space<vmem>>
    %dma_wait3A_635 = arith.constant 0 : i32
    %dma_wait3A_636 = tpu.memref_slice %arg5[%dma_wait3A_629, %dma_wait3A_635] : memref<128x50xi32, #tpu.memory_space<vmem>> -> memref<1x50xi32, #tpu.memory_space<vmem>>
    %dma_wait3A_637 = tpu.memref_squeeze %dma_wait3A_636 : memref<1x50xi32, #tpu.memory_space<vmem>> -> memref<50xi32, #tpu.memory_space<vmem>>
    %dma_wait3A_638 = arith.constant 0 : i32
    %dma_wait3A_639 = arith.constant 0 : i32
    %dma_wait3A_640 = tpu.memref_slice %arg3[%dma_wait3A_638, %dma_wait3A_639] : memref<100000x128xf32, #tpu.memory_space<hbm>> -> memref<100000x128xf32, #tpu.memory_space<hbm>>
    tpu.wait_indirect_dma semaphore(%arg9 : memref<!tpu.dma_semaphore, #tpu.memory_space<semaphore_mem>>) src(%dma_wait3A_640 : memref<100000x128xf32, #tpu.memory_space<hbm>>) dst(%dma_wait3A_634 : memref<50x128xf32, #tpu.memory_space<vmem>>)
    %add3A_641 = arith.constant 122 : i32
    %add3A_642 = arith.addi %mul3A_2, %add3A_641 : i32
    %dma_start3A_643 = arith.constant 2 : i32
    %dma_start3A_644 = arith.constant 0 : i32
    %dma_start3A_645 = arith.constant 0 : i32
    %dma_start3A_646 = tpu.memref_slice %arg6[%dma_start3A_643, %dma_start3A_644, %dma_start3A_645] : memref<8x50x128xf32, #tpu.memory_space<vmem>> -> memref<1x50x128xf32, #tpu.memory_space<vmem>>
    %dma_start3A_647 = tpu.memref_squeeze %dma_start3A_646 : memref<1x50x128xf32, #tpu.memory_space<vmem>> -> memref<50x128xf32, #tpu.memory_space<vmem>>
    %dma_start3A_648 = arith.constant 0 : i32
    %dma_start3A_649 = arith.constant 0 : i32
    %dma_start3A_650 = tpu.memref_slice %arg4[%add3A_642, %dma_start3A_648, %dma_start3A_649] : memref<4096x50x128xf32, #tpu.memory_space<hbm>> -> memref<1x50x128xf32, #tpu.memory_space<hbm>>
    %dma_start3A_651 = tpu.memref_squeeze %dma_start3A_650 : memref<1x50x128xf32, #tpu.memory_space<hbm>> -> memref<50x128xf32, #tpu.memory_space<hbm>>
    %dma_start3A_652 = arith.constant 0 : i32
    %dma_start3A_653 = arith.constant 0 : i32
    %dma_start3A_654 = tpu.memref_slice %arg4[%add3A_642, %dma_start3A_652, %dma_start3A_653] : memref<4096x50x128xf32, #tpu.memory_space<hbm>> -> memref<1x50x128xf32, #tpu.memory_space<hbm>>
    %dma_start3A_655 = tpu.memref_squeeze %dma_start3A_654 : memref<1x50x128xf32, #tpu.memory_space<hbm>> -> memref<50x128xf32, #tpu.memory_space<hbm>>
    %dma_start3A_656 = arith.constant 0 : i32
    %dma_start3A_657 = arith.constant 0 : i32
    %dma_start3A_658 = tpu.memref_slice %arg6[%dma_start3A_643, %dma_start3A_656, %dma_start3A_657] : memref<8x50x128xf32, #tpu.memory_space<vmem>> -> memref<1x50x128xf32, #tpu.memory_space<vmem>>
    %dma_start3A_659 = tpu.memref_squeeze %dma_start3A_658 : memref<1x50x128xf32, #tpu.memory_space<vmem>> -> memref<50x128xf32, #tpu.memory_space<vmem>>
    tpu.enqueue_dma source(%dma_start3A_659 : memref<50x128xf32, #tpu.memory_space<vmem>>) target(%dma_start3A_655 : memref<50x128xf32, #tpu.memory_space<hbm>>) target_semaphore(%arg17 : memref<!tpu.dma_semaphore, #tpu.memory_space<semaphore_mem>>)
    %add3A_660 = arith.constant 119 : i32
    %add3A_661 = arith.addi %mul3A_2, %add3A_660 : i32
    %dma_wait3A_662 = arith.constant 7 : i32
    %dma_wait3A_663 = arith.constant 0 : i32
    %dma_wait3A_664 = arith.constant 0 : i32
    %dma_wait3A_665 = tpu.memref_slice %arg6[%dma_wait3A_662, %dma_wait3A_663, %dma_wait3A_664] : memref<8x50x128xf32, #tpu.memory_space<vmem>> -> memref<1x50x128xf32, #tpu.memory_space<vmem>>
    %dma_wait3A_666 = tpu.memref_squeeze %dma_wait3A_665 : memref<1x50x128xf32, #tpu.memory_space<vmem>> -> memref<50x128xf32, #tpu.memory_space<vmem>>
    %dma_wait3A_667 = arith.constant 0 : i32
    %dma_wait3A_668 = arith.constant 0 : i32
    %dma_wait3A_669 = tpu.memref_slice %arg4[%add3A_661, %dma_wait3A_667, %dma_wait3A_668] : memref<4096x50x128xf32, #tpu.memory_space<hbm>> -> memref<1x50x128xf32, #tpu.memory_space<hbm>>
    %dma_wait3A_670 = tpu.memref_squeeze %dma_wait3A_669 : memref<1x50x128xf32, #tpu.memory_space<hbm>> -> memref<50x128xf32, #tpu.memory_space<hbm>>
    %dma_wait3A_671 = arith.constant 0 : i32
    %dma_wait3A_672 = arith.constant 0 : i32
    %dma_wait3A_673 = tpu.memref_slice %arg4[%add3A_661, %dma_wait3A_671, %dma_wait3A_672] : memref<4096x50x128xf32, #tpu.memory_space<hbm>> -> memref<1x50x128xf32, #tpu.memory_space<hbm>>
    %dma_wait3A_674 = tpu.memref_squeeze %dma_wait3A_673 : memref<1x50x128xf32, #tpu.memory_space<hbm>> -> memref<50x128xf32, #tpu.memory_space<hbm>>
    %dma_wait3A_675 = arith.constant 0 : i32
    %dma_wait3A_676 = arith.constant 0 : i32
    %dma_wait3A_677 = tpu.memref_slice %arg6[%dma_wait3A_662, %dma_wait3A_675, %dma_wait3A_676] : memref<8x50x128xf32, #tpu.memory_space<vmem>> -> memref<1x50x128xf32, #tpu.memory_space<vmem>>
    %dma_wait3A_678 = tpu.memref_squeeze %dma_wait3A_677 : memref<1x50x128xf32, #tpu.memory_space<vmem>> -> memref<50x128xf32, #tpu.memory_space<vmem>>
    tpu.wait_dma2 semaphore(%arg22 : memref<!tpu.dma_semaphore, #tpu.memory_space<semaphore_mem>>) src(%dma_wait3A_678 : memref<50x128xf32, #tpu.memory_space<vmem>>) dst(%dma_wait3A_674 : memref<50x128xf32, #tpu.memory_space<hbm>>)
    %dma_start3A_679 = arith.constant 127 : i32
    %dma_start3A_680 = arith.constant 7 : i32
    %dma_start3A_681 = arith.constant 0 : i32
    %dma_start3A_682 = arith.constant 0 : i32
    %dma_start3A_683 = tpu.memref_slice %arg6[%dma_start3A_680, %dma_start3A_681, %dma_start3A_682] : memref<8x50x128xf32, #tpu.memory_space<vmem>> -> memref<1x50x128xf32, #tpu.memory_space<vmem>>
    %dma_start3A_684 = tpu.memref_squeeze %dma_start3A_683 : memref<1x50x128xf32, #tpu.memory_space<vmem>> -> memref<50x128xf32, #tpu.memory_space<vmem>>
    %dma_start3A_685 = arith.constant 0 : i32
    %dma_start3A_686 = tpu.memref_slice %arg5[%dma_start3A_679, %dma_start3A_685] : memref<128x50xi32, #tpu.memory_space<vmem>> -> memref<1x50xi32, #tpu.memory_space<vmem>>
    %dma_start3A_687 = tpu.memref_squeeze %dma_start3A_686 : memref<1x50xi32, #tpu.memory_space<vmem>> -> memref<50xi32, #tpu.memory_space<vmem>>
    %dma_start3A_688 = arith.constant 0 : i32
    %dma_start3A_689 = arith.constant 0 : i32
    %dma_start3A_690 = tpu.memref_slice %arg3[%dma_start3A_688, %dma_start3A_689] : memref<100000x128xf32, #tpu.memory_space<hbm>> -> memref<100000x128xf32, #tpu.memory_space<hbm>>
    tpu.enqueue_indirect_dma source(%dma_start3A_690 : memref<100000x128xf32, #tpu.memory_space<hbm>>) target(%dma_start3A_684 : memref<50x128xf32, #tpu.memory_space<vmem>>) offsets(%dma_start3A_687 : memref<50xi32, #tpu.memory_space<vmem>>) semaphore(%arg14 : memref<!tpu.dma_semaphore, #tpu.memory_space<semaphore_mem>>)
    %dma_wait3A_691 = arith.constant 123 : i32
    %dma_wait3A_692 = arith.constant 3 : i32
    %dma_wait3A_693 = arith.constant 0 : i32
    %dma_wait3A_694 = arith.constant 0 : i32
    %dma_wait3A_695 = tpu.memref_slice %arg6[%dma_wait3A_692, %dma_wait3A_693, %dma_wait3A_694] : memref<8x50x128xf32, #tpu.memory_space<vmem>> -> memref<1x50x128xf32, #tpu.memory_space<vmem>>
    %dma_wait3A_696 = tpu.memref_squeeze %dma_wait3A_695 : memref<1x50x128xf32, #tpu.memory_space<vmem>> -> memref<50x128xf32, #tpu.memory_space<vmem>>
    %dma_wait3A_697 = arith.constant 0 : i32
    %dma_wait3A_698 = tpu.memref_slice %arg5[%dma_wait3A_691, %dma_wait3A_697] : memref<128x50xi32, #tpu.memory_space<vmem>> -> memref<1x50xi32, #tpu.memory_space<vmem>>
    %dma_wait3A_699 = tpu.memref_squeeze %dma_wait3A_698 : memref<1x50xi32, #tpu.memory_space<vmem>> -> memref<50xi32, #tpu.memory_space<vmem>>
    %dma_wait3A_700 = arith.constant 0 : i32
    %dma_wait3A_701 = arith.constant 0 : i32
    %dma_wait3A_702 = tpu.memref_slice %arg3[%dma_wait3A_700, %dma_wait3A_701] : memref<100000x128xf32, #tpu.memory_space<hbm>> -> memref<100000x128xf32, #tpu.memory_space<hbm>>
    tpu.wait_indirect_dma semaphore(%arg10 : memref<!tpu.dma_semaphore, #tpu.memory_space<semaphore_mem>>) src(%dma_wait3A_702 : memref<100000x128xf32, #tpu.memory_space<hbm>>) dst(%dma_wait3A_696 : memref<50x128xf32, #tpu.memory_space<vmem>>)
    %add3A_703 = arith.constant 123 : i32
    %add3A_704 = arith.addi %mul3A_2, %add3A_703 : i32
    %dma_start3A_705 = arith.constant 3 : i32
    %dma_start3A_706 = arith.constant 0 : i32
    %dma_start3A_707 = arith.constant 0 : i32
    %dma_start3A_708 = tpu.memref_slice %arg6[%dma_start3A_705, %dma_start3A_706, %dma_start3A_707] : memref<8x50x128xf32, #tpu.memory_space<vmem>> -> memref<1x50x128xf32, #tpu.memory_space<vmem>>
    %dma_start3A_709 = tpu.memref_squeeze %dma_start3A_708 : memref<1x50x128xf32, #tpu.memory_space<vmem>> -> memref<50x128xf32, #tpu.memory_space<vmem>>
    %dma_start3A_710 = arith.constant 0 : i32
    %dma_start3A_711 = arith.constant 0 : i32
    %dma_start3A_712 = tpu.memref_slice %arg4[%add3A_704, %dma_start3A_710, %dma_start3A_711] : memref<4096x50x128xf32, #tpu.memory_space<hbm>> -> memref<1x50x128xf32, #tpu.memory_space<hbm>>
    %dma_start3A_713 = tpu.memref_squeeze %dma_start3A_712 : memref<1x50x128xf32, #tpu.memory_space<hbm>> -> memref<50x128xf32, #tpu.memory_space<hbm>>
    %dma_start3A_714 = arith.constant 0 : i32
    %dma_start3A_715 = arith.constant 0 : i32
    %dma_start3A_716 = tpu.memref_slice %arg4[%add3A_704, %dma_start3A_714, %dma_start3A_715] : memref<4096x50x128xf32, #tpu.memory_space<hbm>> -> memref<1x50x128xf32, #tpu.memory_space<hbm>>
    %dma_start3A_717 = tpu.memref_squeeze %dma_start3A_716 : memref<1x50x128xf32, #tpu.memory_space<hbm>> -> memref<50x128xf32, #tpu.memory_space<hbm>>
    %dma_start3A_718 = arith.constant 0 : i32
    %dma_start3A_719 = arith.constant 0 : i32
    %dma_start3A_720 = tpu.memref_slice %arg6[%dma_start3A_705, %dma_start3A_718, %dma_start3A_719] : memref<8x50x128xf32, #tpu.memory_space<vmem>> -> memref<1x50x128xf32, #tpu.memory_space<vmem>>
    %dma_start3A_721 = tpu.memref_squeeze %dma_start3A_720 : memref<1x50x128xf32, #tpu.memory_space<vmem>> -> memref<50x128xf32, #tpu.memory_space<vmem>>
    tpu.enqueue_dma source(%dma_start3A_721 : memref<50x128xf32, #tpu.memory_space<vmem>>) target(%dma_start3A_717 : memref<50x128xf32, #tpu.memory_space<hbm>>) target_semaphore(%arg18 : memref<!tpu.dma_semaphore, #tpu.memory_space<semaphore_mem>>)
    %add3A_722 = arith.constant 120 : i32
    %add3A_723 = arith.addi %mul3A_2, %add3A_722 : i32
    %dma_wait3A_724 = arith.constant 0 : i32
    %dma_wait3A_725 = arith.constant 0 : i32
    %dma_wait3A_726 = arith.constant 0 : i32
    %dma_wait3A_727 = tpu.memref_slice %arg6[%dma_wait3A_724, %dma_wait3A_725, %dma_wait3A_726] : memref<8x50x128xf32, #tpu.memory_space<vmem>> -> memref<1x50x128xf32, #tpu.memory_space<vmem>>
    %dma_wait3A_728 = tpu.memref_squeeze %dma_wait3A_727 : memref<1x50x128xf32, #tpu.memory_space<vmem>> -> memref<50x128xf32, #tpu.memory_space<vmem>>
    %dma_wait3A_729 = arith.constant 0 : i32
    %dma_wait3A_730 = arith.constant 0 : i32
    %dma_wait3A_731 = tpu.memref_slice %arg4[%add3A_723, %dma_wait3A_729, %dma_wait3A_730] : memref<4096x50x128xf32, #tpu.memory_space<hbm>> -> memref<1x50x128xf32, #tpu.memory_space<hbm>>
    %dma_wait3A_732 = tpu.memref_squeeze %dma_wait3A_731 : memref<1x50x128xf32, #tpu.memory_space<hbm>> -> memref<50x128xf32, #tpu.memory_space<hbm>>
    %dma_wait3A_733 = arith.constant 0 : i32
    %dma_wait3A_734 = arith.constant 0 : i32
    %dma_wait3A_735 = tpu.memref_slice %arg4[%add3A_723, %dma_wait3A_733, %dma_wait3A_734] : memref<4096x50x128xf32, #tpu.memory_space<hbm>> -> memref<1x50x128xf32, #tpu.memory_space<hbm>>
    %dma_wait3A_736 = tpu.memref_squeeze %dma_wait3A_735 : memref<1x50x128xf32, #tpu.memory_space<hbm>> -> memref<50x128xf32, #tpu.memory_space<hbm>>
    %dma_wait3A_737 = arith.constant 0 : i32
    %dma_wait3A_738 = arith.constant 0 : i32
    %dma_wait3A_739 = tpu.memref_slice %arg6[%dma_wait3A_724, %dma_wait3A_737, %dma_wait3A_738] : memref<8x50x128xf32, #tpu.memory_space<vmem>> -> memref<1x50x128xf32, #tpu.memory_space<vmem>>
    %dma_wait3A_740 = tpu.memref_squeeze %dma_wait3A_739 : memref<1x50x128xf32, #tpu.memory_space<vmem>> -> memref<50x128xf32, #tpu.memory_space<vmem>>
    tpu.wait_dma2 semaphore(%arg15 : memref<!tpu.dma_semaphore, #tpu.memory_space<semaphore_mem>>) src(%dma_wait3A_740 : memref<50x128xf32, #tpu.memory_space<vmem>>) dst(%dma_wait3A_736 : memref<50x128xf32, #tpu.memory_space<hbm>>)
    %dma_wait3A_741 = arith.constant 124 : i32
    %dma_wait3A_742 = arith.constant 4 : i32
    %dma_wait3A_743 = arith.constant 0 : i32
    %dma_wait3A_744 = arith.constant 0 : i32
    %dma_wait3A_745 = tpu.memref_slice %arg6[%dma_wait3A_742, %dma_wait3A_743, %dma_wait3A_744] : memref<8x50x128xf32, #tpu.memory_space<vmem>> -> memref<1x50x128xf32, #tpu.memory_space<vmem>>
    %dma_wait3A_746 = tpu.memref_squeeze %dma_wait3A_745 : memref<1x50x128xf32, #tpu.memory_space<vmem>> -> memref<50x128xf32, #tpu.memory_space<vmem>>
    %dma_wait3A_747 = arith.constant 0 : i32
    %dma_wait3A_748 = tpu.memref_slice %arg5[%dma_wait3A_741, %dma_wait3A_747] : memref<128x50xi32, #tpu.memory_space<vmem>> -> memref<1x50xi32, #tpu.memory_space<vmem>>
    %dma_wait3A_749 = tpu.memref_squeeze %dma_wait3A_748 : memref<1x50xi32, #tpu.memory_space<vmem>> -> memref<50xi32, #tpu.memory_space<vmem>>
    %dma_wait3A_750 = arith.constant 0 : i32
    %dma_wait3A_751 = arith.constant 0 : i32
    %dma_wait3A_752 = tpu.memref_slice %arg3[%dma_wait3A_750, %dma_wait3A_751] : memref<100000x128xf32, #tpu.memory_space<hbm>> -> memref<100000x128xf32, #tpu.memory_space<hbm>>
    tpu.wait_indirect_dma semaphore(%arg11 : memref<!tpu.dma_semaphore, #tpu.memory_space<semaphore_mem>>) src(%dma_wait3A_752 : memref<100000x128xf32, #tpu.memory_space<hbm>>) dst(%dma_wait3A_746 : memref<50x128xf32, #tpu.memory_space<vmem>>)
    %add3A_753 = arith.constant 124 : i32
    %add3A_754 = arith.addi %mul3A_2, %add3A_753 : i32
    %dma_start3A_755 = arith.constant 4 : i32
    %dma_start3A_756 = arith.constant 0 : i32
    %dma_start3A_757 = arith.constant 0 : i32
    %dma_start3A_758 = tpu.memref_slice %arg6[%dma_start3A_755, %dma_start3A_756, %dma_start3A_757] : memref<8x50x128xf32, #tpu.memory_space<vmem>> -> memref<1x50x128xf32, #tpu.memory_space<vmem>>
    %dma_start3A_759 = tpu.memref_squeeze %dma_start3A_758 : memref<1x50x128xf32, #tpu.memory_space<vmem>> -> memref<50x128xf32, #tpu.memory_space<vmem>>
    %dma_start3A_760 = arith.constant 0 : i32
    %dma_start3A_761 = arith.constant 0 : i32
    %dma_start3A_762 = tpu.memref_slice %arg4[%add3A_754, %dma_start3A_760, %dma_start3A_761] : memref<4096x50x128xf32, #tpu.memory_space<hbm>> -> memref<1x50x128xf32, #tpu.memory_space<hbm>>
    %dma_start3A_763 = tpu.memref_squeeze %dma_start3A_762 : memref<1x50x128xf32, #tpu.memory_space<hbm>> -> memref<50x128xf32, #tpu.memory_space<hbm>>
    %dma_start3A_764 = arith.constant 0 : i32
    %dma_start3A_765 = arith.constant 0 : i32
    %dma_start3A_766 = tpu.memref_slice %arg4[%add3A_754, %dma_start3A_764, %dma_start3A_765] : memref<4096x50x128xf32, #tpu.memory_space<hbm>> -> memref<1x50x128xf32, #tpu.memory_space<hbm>>
    %dma_start3A_767 = tpu.memref_squeeze %dma_start3A_766 : memref<1x50x128xf32, #tpu.memory_space<hbm>> -> memref<50x128xf32, #tpu.memory_space<hbm>>
    %dma_start3A_768 = arith.constant 0 : i32
    %dma_start3A_769 = arith.constant 0 : i32
    %dma_start3A_770 = tpu.memref_slice %arg6[%dma_start3A_755, %dma_start3A_768, %dma_start3A_769] : memref<8x50x128xf32, #tpu.memory_space<vmem>> -> memref<1x50x128xf32, #tpu.memory_space<vmem>>
    %dma_start3A_771 = tpu.memref_squeeze %dma_start3A_770 : memref<1x50x128xf32, #tpu.memory_space<vmem>> -> memref<50x128xf32, #tpu.memory_space<vmem>>
    tpu.enqueue_dma source(%dma_start3A_771 : memref<50x128xf32, #tpu.memory_space<vmem>>) target(%dma_start3A_767 : memref<50x128xf32, #tpu.memory_space<hbm>>) target_semaphore(%arg19 : memref<!tpu.dma_semaphore, #tpu.memory_space<semaphore_mem>>)
    %add3A_772 = arith.constant 121 : i32
    %add3A_773 = arith.addi %mul3A_2, %add3A_772 : i32
    %dma_wait3A_774 = arith.constant 1 : i32
    %dma_wait3A_775 = arith.constant 0 : i32
    %dma_wait3A_776 = arith.constant 0 : i32
    %dma_wait3A_777 = tpu.memref_slice %arg6[%dma_wait3A_774, %dma_wait3A_775, %dma_wait3A_776] : memref<8x50x128xf32, #tpu.memory_space<vmem>> -> memref<1x50x128xf32, #tpu.memory_space<vmem>>
    %dma_wait3A_778 = tpu.memref_squeeze %dma_wait3A_777 : memref<1x50x128xf32, #tpu.memory_space<vmem>> -> memref<50x128xf32, #tpu.memory_space<vmem>>
    %dma_wait3A_779 = arith.constant 0 : i32
    %dma_wait3A_780 = arith.constant 0 : i32
    %dma_wait3A_781 = tpu.memref_slice %arg4[%add3A_773, %dma_wait3A_779, %dma_wait3A_780] : memref<4096x50x128xf32, #tpu.memory_space<hbm>> -> memref<1x50x128xf32, #tpu.memory_space<hbm>>
    %dma_wait3A_782 = tpu.memref_squeeze %dma_wait3A_781 : memref<1x50x128xf32, #tpu.memory_space<hbm>> -> memref<50x128xf32, #tpu.memory_space<hbm>>
    %dma_wait3A_783 = arith.constant 0 : i32
    %dma_wait3A_784 = arith.constant 0 : i32
    %dma_wait3A_785 = tpu.memref_slice %arg4[%add3A_773, %dma_wait3A_783, %dma_wait3A_784] : memref<4096x50x128xf32, #tpu.memory_space<hbm>> -> memref<1x50x128xf32, #tpu.memory_space<hbm>>
    %dma_wait3A_786 = tpu.memref_squeeze %dma_wait3A_785 : memref<1x50x128xf32, #tpu.memory_space<hbm>> -> memref<50x128xf32, #tpu.memory_space<hbm>>
    %dma_wait3A_787 = arith.constant 0 : i32
    %dma_wait3A_788 = arith.constant 0 : i32
    %dma_wait3A_789 = tpu.memref_slice %arg6[%dma_wait3A_774, %dma_wait3A_787, %dma_wait3A_788] : memref<8x50x128xf32, #tpu.memory_space<vmem>> -> memref<1x50x128xf32, #tpu.memory_space<vmem>>
    %dma_wait3A_790 = tpu.memref_squeeze %dma_wait3A_789 : memref<1x50x128xf32, #tpu.memory_space<vmem>> -> memref<50x128xf32, #tpu.memory_space<vmem>>
    tpu.wait_dma2 semaphore(%arg16 : memref<!tpu.dma_semaphore, #tpu.memory_space<semaphore_mem>>) src(%dma_wait3A_790 : memref<50x128xf32, #tpu.memory_space<vmem>>) dst(%dma_wait3A_786 : memref<50x128xf32, #tpu.memory_space<hbm>>)
    %dma_wait3A_791 = arith.constant 125 : i32
    %dma_wait3A_792 = arith.constant 5 : i32
    %dma_wait3A_793 = arith.constant 0 : i32
    %dma_wait3A_794 = arith.constant 0 : i32
    %dma_wait3A_795 = tpu.memref_slice %arg6[%dma_wait3A_792, %dma_wait3A_793, %dma_wait3A_794] : memref<8x50x128xf32, #tpu.memory_space<vmem>> -> memref<1x50x128xf32, #tpu.memory_space<vmem>>
    %dma_wait3A_796 = tpu.memref_squeeze %dma_wait3A_795 : memref<1x50x128xf32, #tpu.memory_space<vmem>> -> memref<50x128xf32, #tpu.memory_space<vmem>>
    %dma_wait3A_797 = arith.constant 0 : i32
    %dma_wait3A_798 = tpu.memref_slice %arg5[%dma_wait3A_791, %dma_wait3A_797] : memref<128x50xi32, #tpu.memory_space<vmem>> -> memref<1x50xi32, #tpu.memory_space<vmem>>
    %dma_wait3A_799 = tpu.memref_squeeze %dma_wait3A_798 : memref<1x50xi32, #tpu.memory_space<vmem>> -> memref<50xi32, #tpu.memory_space<vmem>>
    %dma_wait3A_800 = arith.constant 0 : i32
    %dma_wait3A_801 = arith.constant 0 : i32
    %dma_wait3A_802 = tpu.memref_slice %arg3[%dma_wait3A_800, %dma_wait3A_801] : memref<100000x128xf32, #tpu.memory_space<hbm>> -> memref<100000x128xf32, #tpu.memory_space<hbm>>
    tpu.wait_indirect_dma semaphore(%arg12 : memref<!tpu.dma_semaphore, #tpu.memory_space<semaphore_mem>>) src(%dma_wait3A_802 : memref<100000x128xf32, #tpu.memory_space<hbm>>) dst(%dma_wait3A_796 : memref<50x128xf32, #tpu.memory_space<vmem>>)
    %add3A_803 = arith.constant 125 : i32
    %add3A_804 = arith.addi %mul3A_2, %add3A_803 : i32
    %dma_start3A_805 = arith.constant 5 : i32
    %dma_start3A_806 = arith.constant 0 : i32
    %dma_start3A_807 = arith.constant 0 : i32
    %dma_start3A_808 = tpu.memref_slice %arg6[%dma_start3A_805, %dma_start3A_806, %dma_start3A_807] : memref<8x50x128xf32, #tpu.memory_space<vmem>> -> memref<1x50x128xf32, #tpu.memory_space<vmem>>
    %dma_start3A_809 = tpu.memref_squeeze %dma_start3A_808 : memref<1x50x128xf32, #tpu.memory_space<vmem>> -> memref<50x128xf32, #tpu.memory_space<vmem>>
    %dma_start3A_810 = arith.constant 0 : i32
    %dma_start3A_811 = arith.constant 0 : i32
    %dma_start3A_812 = tpu.memref_slice %arg4[%add3A_804, %dma_start3A_810, %dma_start3A_811] : memref<4096x50x128xf32, #tpu.memory_space<hbm>> -> memref<1x50x128xf32, #tpu.memory_space<hbm>>
    %dma_start3A_813 = tpu.memref_squeeze %dma_start3A_812 : memref<1x50x128xf32, #tpu.memory_space<hbm>> -> memref<50x128xf32, #tpu.memory_space<hbm>>
    %dma_start3A_814 = arith.constant 0 : i32
    %dma_start3A_815 = arith.constant 0 : i32
    %dma_start3A_816 = tpu.memref_slice %arg4[%add3A_804, %dma_start3A_814, %dma_start3A_815] : memref<4096x50x128xf32, #tpu.memory_space<hbm>> -> memref<1x50x128xf32, #tpu.memory_space<hbm>>
    %dma_start3A_817 = tpu.memref_squeeze %dma_start3A_816 : memref<1x50x128xf32, #tpu.memory_space<hbm>> -> memref<50x128xf32, #tpu.memory_space<hbm>>
    %dma_start3A_818 = arith.constant 0 : i32
    %dma_start3A_819 = arith.constant 0 : i32
    %dma_start3A_820 = tpu.memref_slice %arg6[%dma_start3A_805, %dma_start3A_818, %dma_start3A_819] : memref<8x50x128xf32, #tpu.memory_space<vmem>> -> memref<1x50x128xf32, #tpu.memory_space<vmem>>
    %dma_start3A_821 = tpu.memref_squeeze %dma_start3A_820 : memref<1x50x128xf32, #tpu.memory_space<vmem>> -> memref<50x128xf32, #tpu.memory_space<vmem>>
    tpu.enqueue_dma source(%dma_start3A_821 : memref<50x128xf32, #tpu.memory_space<vmem>>) target(%dma_start3A_817 : memref<50x128xf32, #tpu.memory_space<hbm>>) target_semaphore(%arg20 : memref<!tpu.dma_semaphore, #tpu.memory_space<semaphore_mem>>)
    %add3A_822 = arith.constant 122 : i32
    %add3A_823 = arith.addi %mul3A_2, %add3A_822 : i32
    %dma_wait3A_824 = arith.constant 2 : i32
    %dma_wait3A_825 = arith.constant 0 : i32
    %dma_wait3A_826 = arith.constant 0 : i32
    %dma_wait3A_827 = tpu.memref_slice %arg6[%dma_wait3A_824, %dma_wait3A_825, %dma_wait3A_826] : memref<8x50x128xf32, #tpu.memory_space<vmem>> -> memref<1x50x128xf32, #tpu.memory_space<vmem>>
    %dma_wait3A_828 = tpu.memref_squeeze %dma_wait3A_827 : memref<1x50x128xf32, #tpu.memory_space<vmem>> -> memref<50x128xf32, #tpu.memory_space<vmem>>
    %dma_wait3A_829 = arith.constant 0 : i32
    %dma_wait3A_830 = arith.constant 0 : i32
    %dma_wait3A_831 = tpu.memref_slice %arg4[%add3A_823, %dma_wait3A_829, %dma_wait3A_830] : memref<4096x50x128xf32, #tpu.memory_space<hbm>> -> memref<1x50x128xf32, #tpu.memory_space<hbm>>
    %dma_wait3A_832 = tpu.memref_squeeze %dma_wait3A_831 : memref<1x50x128xf32, #tpu.memory_space<hbm>> -> memref<50x128xf32, #tpu.memory_space<hbm>>
    %dma_wait3A_833 = arith.constant 0 : i32
    %dma_wait3A_834 = arith.constant 0 : i32
    %dma_wait3A_835 = tpu.memref_slice %arg4[%add3A_823, %dma_wait3A_833, %dma_wait3A_834] : memref<4096x50x128xf32, #tpu.memory_space<hbm>> -> memref<1x50x128xf32, #tpu.memory_space<hbm>>
    %dma_wait3A_836 = tpu.memref_squeeze %dma_wait3A_835 : memref<1x50x128xf32, #tpu.memory_space<hbm>> -> memref<50x128xf32, #tpu.memory_space<hbm>>
    %dma_wait3A_837 = arith.constant 0 : i32
    %dma_wait3A_838 = arith.constant 0 : i32
    %dma_wait3A_839 = tpu.memref_slice %arg6[%dma_wait3A_824, %dma_wait3A_837, %dma_wait3A_838] : memref<8x50x128xf32, #tpu.memory_space<vmem>> -> memref<1x50x128xf32, #tpu.memory_space<vmem>>
    %dma_wait3A_840 = tpu.memref_squeeze %dma_wait3A_839 : memref<1x50x128xf32, #tpu.memory_space<vmem>> -> memref<50x128xf32, #tpu.memory_space<vmem>>
    tpu.wait_dma2 semaphore(%arg17 : memref<!tpu.dma_semaphore, #tpu.memory_space<semaphore_mem>>) src(%dma_wait3A_840 : memref<50x128xf32, #tpu.memory_space<vmem>>) dst(%dma_wait3A_836 : memref<50x128xf32, #tpu.memory_space<hbm>>)
    %dma_wait3A_841 = arith.constant 126 : i32
    %dma_wait3A_842 = arith.constant 6 : i32
    %dma_wait3A_843 = arith.constant 0 : i32
    %dma_wait3A_844 = arith.constant 0 : i32
    %dma_wait3A_845 = tpu.memref_slice %arg6[%dma_wait3A_842, %dma_wait3A_843, %dma_wait3A_844] : memref<8x50x128xf32, #tpu.memory_space<vmem>> -> memref<1x50x128xf32, #tpu.memory_space<vmem>>
    %dma_wait3A_846 = tpu.memref_squeeze %dma_wait3A_845 : memref<1x50x128xf32, #tpu.memory_space<vmem>> -> memref<50x128xf32, #tpu.memory_space<vmem>>
    %dma_wait3A_847 = arith.constant 0 : i32
    %dma_wait3A_848 = tpu.memref_slice %arg5[%dma_wait3A_841, %dma_wait3A_847] : memref<128x50xi32, #tpu.memory_space<vmem>> -> memref<1x50xi32, #tpu.memory_space<vmem>>
    %dma_wait3A_849 = tpu.memref_squeeze %dma_wait3A_848 : memref<1x50xi32, #tpu.memory_space<vmem>> -> memref<50xi32, #tpu.memory_space<vmem>>
    %dma_wait3A_850 = arith.constant 0 : i32
    %dma_wait3A_851 = arith.constant 0 : i32
    %dma_wait3A_852 = tpu.memref_slice %arg3[%dma_wait3A_850, %dma_wait3A_851] : memref<100000x128xf32, #tpu.memory_space<hbm>> -> memref<100000x128xf32, #tpu.memory_space<hbm>>
    tpu.wait_indirect_dma semaphore(%arg13 : memref<!tpu.dma_semaphore, #tpu.memory_space<semaphore_mem>>) src(%dma_wait3A_852 : memref<100000x128xf32, #tpu.memory_space<hbm>>) dst(%dma_wait3A_846 : memref<50x128xf32, #tpu.memory_space<vmem>>)
    %add3A_853 = arith.constant 126 : i32
    %add3A_854 = arith.addi %mul3A_2, %add3A_853 : i32
    %dma_start3A_855 = arith.constant 6 : i32
    %dma_start3A_856 = arith.constant 0 : i32
    %dma_start3A_857 = arith.constant 0 : i32
    %dma_start3A_858 = tpu.memref_slice %arg6[%dma_start3A_855, %dma_start3A_856, %dma_start3A_857] : memref<8x50x128xf32, #tpu.memory_space<vmem>> -> memref<1x50x128xf32, #tpu.memory_space<vmem>>
    %dma_start3A_859 = tpu.memref_squeeze %dma_start3A_858 : memref<1x50x128xf32, #tpu.memory_space<vmem>> -> memref<50x128xf32, #tpu.memory_space<vmem>>
    %dma_start3A_860 = arith.constant 0 : i32
    %dma_start3A_861 = arith.constant 0 : i32
    %dma_start3A_862 = tpu.memref_slice %arg4[%add3A_854, %dma_start3A_860, %dma_start3A_861] : memref<4096x50x128xf32, #tpu.memory_space<hbm>> -> memref<1x50x128xf32, #tpu.memory_space<hbm>>
    %dma_start3A_863 = tpu.memref_squeeze %dma_start3A_862 : memref<1x50x128xf32, #tpu.memory_space<hbm>> -> memref<50x128xf32, #tpu.memory_space<hbm>>
    %dma_start3A_864 = arith.constant 0 : i32
    %dma_start3A_865 = arith.constant 0 : i32
    %dma_start3A_866 = tpu.memref_slice %arg4[%add3A_854, %dma_start3A_864, %dma_start3A_865] : memref<4096x50x128xf32, #tpu.memory_space<hbm>> -> memref<1x50x128xf32, #tpu.memory_space<hbm>>
    %dma_start3A_867 = tpu.memref_squeeze %dma_start3A_866 : memref<1x50x128xf32, #tpu.memory_space<hbm>> -> memref<50x128xf32, #tpu.memory_space<hbm>>
    %dma_start3A_868 = arith.constant 0 : i32
    %dma_start3A_869 = arith.constant 0 : i32
    %dma_start3A_870 = tpu.memref_slice %arg6[%dma_start3A_855, %dma_start3A_868, %dma_start3A_869] : memref<8x50x128xf32, #tpu.memory_space<vmem>> -> memref<1x50x128xf32, #tpu.memory_space<vmem>>
    %dma_start3A_871 = tpu.memref_squeeze %dma_start3A_870 : memref<1x50x128xf32, #tpu.memory_space<vmem>> -> memref<50x128xf32, #tpu.memory_space<vmem>>
    tpu.enqueue_dma source(%dma_start3A_871 : memref<50x128xf32, #tpu.memory_space<vmem>>) target(%dma_start3A_867 : memref<50x128xf32, #tpu.memory_space<hbm>>) target_semaphore(%arg21 : memref<!tpu.dma_semaphore, #tpu.memory_space<semaphore_mem>>)
    %add3A_872 = arith.constant 123 : i32
    %add3A_873 = arith.addi %mul3A_2, %add3A_872 : i32
    %dma_wait3A_874 = arith.constant 3 : i32
    %dma_wait3A_875 = arith.constant 0 : i32
    %dma_wait3A_876 = arith.constant 0 : i32
    %dma_wait3A_877 = tpu.memref_slice %arg6[%dma_wait3A_874, %dma_wait3A_875, %dma_wait3A_876] : memref<8x50x128xf32, #tpu.memory_space<vmem>> -> memref<1x50x128xf32, #tpu.memory_space<vmem>>
    %dma_wait3A_878 = tpu.memref_squeeze %dma_wait3A_877 : memref<1x50x128xf32, #tpu.memory_space<vmem>> -> memref<50x128xf32, #tpu.memory_space<vmem>>
    %dma_wait3A_879 = arith.constant 0 : i32
    %dma_wait3A_880 = arith.constant 0 : i32
    %dma_wait3A_881 = tpu.memref_slice %arg4[%add3A_873, %dma_wait3A_879, %dma_wait3A_880] : memref<4096x50x128xf32, #tpu.memory_space<hbm>> -> memref<1x50x128xf32, #tpu.memory_space<hbm>>
    %dma_wait3A_882 = tpu.memref_squeeze %dma_wait3A_881 : memref<1x50x128xf32, #tpu.memory_space<hbm>> -> memref<50x128xf32, #tpu.memory_space<hbm>>
    %dma_wait3A_883 = arith.constant 0 : i32
    %dma_wait3A_884 = arith.constant 0 : i32
    %dma_wait3A_885 = tpu.memref_slice %arg4[%add3A_873, %dma_wait3A_883, %dma_wait3A_884] : memref<4096x50x128xf32, #tpu.memory_space<hbm>> -> memref<1x50x128xf32, #tpu.memory_space<hbm>>
    %dma_wait3A_886 = tpu.memref_squeeze %dma_wait3A_885 : memref<1x50x128xf32, #tpu.memory_space<hbm>> -> memref<50x128xf32, #tpu.memory_space<hbm>>
    %dma_wait3A_887 = arith.constant 0 : i32
    %dma_wait3A_888 = arith.constant 0 : i32
    %dma_wait3A_889 = tpu.memref_slice %arg6[%dma_wait3A_874, %dma_wait3A_887, %dma_wait3A_888] : memref<8x50x128xf32, #tpu.memory_space<vmem>> -> memref<1x50x128xf32, #tpu.memory_space<vmem>>
    %dma_wait3A_890 = tpu.memref_squeeze %dma_wait3A_889 : memref<1x50x128xf32, #tpu.memory_space<vmem>> -> memref<50x128xf32, #tpu.memory_space<vmem>>
    tpu.wait_dma2 semaphore(%arg18 : memref<!tpu.dma_semaphore, #tpu.memory_space<semaphore_mem>>) src(%dma_wait3A_890 : memref<50x128xf32, #tpu.memory_space<vmem>>) dst(%dma_wait3A_886 : memref<50x128xf32, #tpu.memory_space<hbm>>)
    %dma_wait3A_891 = arith.constant 127 : i32
    %dma_wait3A_892 = arith.constant 7 : i32
    %dma_wait3A_893 = arith.constant 0 : i32
    %dma_wait3A_894 = arith.constant 0 : i32
    %dma_wait3A_895 = tpu.memref_slice %arg6[%dma_wait3A_892, %dma_wait3A_893, %dma_wait3A_894] : memref<8x50x128xf32, #tpu.memory_space<vmem>> -> memref<1x50x128xf32, #tpu.memory_space<vmem>>
    %dma_wait3A_896 = tpu.memref_squeeze %dma_wait3A_895 : memref<1x50x128xf32, #tpu.memory_space<vmem>> -> memref<50x128xf32, #tpu.memory_space<vmem>>
    %dma_wait3A_897 = arith.constant 0 : i32
    %dma_wait3A_898 = tpu.memref_slice %arg5[%dma_wait3A_891, %dma_wait3A_897] : memref<128x50xi32, #tpu.memory_space<vmem>> -> memref<1x50xi32, #tpu.memory_space<vmem>>
    %dma_wait3A_899 = tpu.memref_squeeze %dma_wait3A_898 : memref<1x50xi32, #tpu.memory_space<vmem>> -> memref<50xi32, #tpu.memory_space<vmem>>
    %dma_wait3A_900 = arith.constant 0 : i32
    %dma_wait3A_901 = arith.constant 0 : i32
    %dma_wait3A_902 = tpu.memref_slice %arg3[%dma_wait3A_900, %dma_wait3A_901] : memref<100000x128xf32, #tpu.memory_space<hbm>> -> memref<100000x128xf32, #tpu.memory_space<hbm>>
    tpu.wait_indirect_dma semaphore(%arg14 : memref<!tpu.dma_semaphore, #tpu.memory_space<semaphore_mem>>) src(%dma_wait3A_902 : memref<100000x128xf32, #tpu.memory_space<hbm>>) dst(%dma_wait3A_896 : memref<50x128xf32, #tpu.memory_space<vmem>>)
    %add3A_903 = arith.constant 127 : i32
    %add3A_904 = arith.addi %mul3A_2, %add3A_903 : i32
    %dma_start3A_905 = arith.constant 7 : i32
    %dma_start3A_906 = arith.constant 0 : i32
    %dma_start3A_907 = arith.constant 0 : i32
    %dma_start3A_908 = tpu.memref_slice %arg6[%dma_start3A_905, %dma_start3A_906, %dma_start3A_907] : memref<8x50x128xf32, #tpu.memory_space<vmem>> -> memref<1x50x128xf32, #tpu.memory_space<vmem>>
    %dma_start3A_909 = tpu.memref_squeeze %dma_start3A_908 : memref<1x50x128xf32, #tpu.memory_space<vmem>> -> memref<50x128xf32, #tpu.memory_space<vmem>>
    %dma_start3A_910 = arith.constant 0 : i32
    %dma_start3A_911 = arith.constant 0 : i32
    %dma_start3A_912 = tpu.memref_slice %arg4[%add3A_904, %dma_start3A_910, %dma_start3A_911] : memref<4096x50x128xf32, #tpu.memory_space<hbm>> -> memref<1x50x128xf32, #tpu.memory_space<hbm>>
    %dma_start3A_913 = tpu.memref_squeeze %dma_start3A_912 : memref<1x50x128xf32, #tpu.memory_space<hbm>> -> memref<50x128xf32, #tpu.memory_space<hbm>>
    %dma_start3A_914 = arith.constant 0 : i32
    %dma_start3A_915 = arith.constant 0 : i32
    %dma_start3A_916 = tpu.memref_slice %arg4[%add3A_904, %dma_start3A_914, %dma_start3A_915] : memref<4096x50x128xf32, #tpu.memory_space<hbm>> -> memref<1x50x128xf32, #tpu.memory_space<hbm>>
    %dma_start3A_917 = tpu.memref_squeeze %dma_start3A_916 : memref<1x50x128xf32, #tpu.memory_space<hbm>> -> memref<50x128xf32, #tpu.memory_space<hbm>>
    %dma_start3A_918 = arith.constant 0 : i32
    %dma_start3A_919 = arith.constant 0 : i32
    %dma_start3A_920 = tpu.memref_slice %arg6[%dma_start3A_905, %dma_start3A_918, %dma_start3A_919] : memref<8x50x128xf32, #tpu.memory_space<vmem>> -> memref<1x50x128xf32, #tpu.memory_space<vmem>>
    %dma_start3A_921 = tpu.memref_squeeze %dma_start3A_920 : memref<1x50x128xf32, #tpu.memory_space<vmem>> -> memref<50x128xf32, #tpu.memory_space<vmem>>
    tpu.enqueue_dma source(%dma_start3A_921 : memref<50x128xf32, #tpu.memory_space<vmem>>) target(%dma_start3A_917 : memref<50x128xf32, #tpu.memory_space<hbm>>) target_semaphore(%arg22 : memref<!tpu.dma_semaphore, #tpu.memory_space<semaphore_mem>>)
    %add3A_922 = arith.constant 124 : i32
    %add3A_923 = arith.addi %mul3A_2, %add3A_922 : i32
    %dma_wait3A_924 = arith.constant 4 : i32
    %dma_wait3A_925 = arith.constant 0 : i32
    %dma_wait3A_926 = arith.constant 0 : i32
    %dma_wait3A_927 = tpu.memref_slice %arg6[%dma_wait3A_924, %dma_wait3A_925, %dma_wait3A_926] : memref<8x50x128xf32, #tpu.memory_space<vmem>> -> memref<1x50x128xf32, #tpu.memory_space<vmem>>
    %dma_wait3A_928 = tpu.memref_squeeze %dma_wait3A_927 : memref<1x50x128xf32, #tpu.memory_space<vmem>> -> memref<50x128xf32, #tpu.memory_space<vmem>>
    %dma_wait3A_929 = arith.constant 0 : i32
    %dma_wait3A_930 = arith.constant 0 : i32
    %dma_wait3A_931 = tpu.memref_slice %arg4[%add3A_923, %dma_wait3A_929, %dma_wait3A_930] : memref<4096x50x128xf32, #tpu.memory_space<hbm>> -> memref<1x50x128xf32, #tpu.memory_space<hbm>>
    %dma_wait3A_932 = tpu.memref_squeeze %dma_wait3A_931 : memref<1x50x128xf32, #tpu.memory_space<hbm>> -> memref<50x128xf32, #tpu.memory_space<hbm>>
    %dma_wait3A_933 = arith.constant 0 : i32
    %dma_wait3A_934 = arith.constant 0 : i32
    %dma_wait3A_935 = tpu.memref_slice %arg4[%add3A_923, %dma_wait3A_933, %dma_wait3A_934] : memref<4096x50x128xf32, #tpu.memory_space<hbm>> -> memref<1x50x128xf32, #tpu.memory_space<hbm>>
    %dma_wait3A_936 = tpu.memref_squeeze %dma_wait3A_935 : memref<1x50x128xf32, #tpu.memory_space<hbm>> -> memref<50x128xf32, #tpu.memory_space<hbm>>
    %dma_wait3A_937 = arith.constant 0 : i32
    %dma_wait3A_938 = arith.constant 0 : i32
    %dma_wait3A_939 = tpu.memref_slice %arg6[%dma_wait3A_924, %dma_wait3A_937, %dma_wait3A_938] : memref<8x50x128xf32, #tpu.memory_space<vmem>> -> memref<1x50x128xf32, #tpu.memory_space<vmem>>
    %dma_wait3A_940 = tpu.memref_squeeze %dma_wait3A_939 : memref<1x50x128xf32, #tpu.memory_space<vmem>> -> memref<50x128xf32, #tpu.memory_space<vmem>>
    tpu.wait_dma2 semaphore(%arg19 : memref<!tpu.dma_semaphore, #tpu.memory_space<semaphore_mem>>) src(%dma_wait3A_940 : memref<50x128xf32, #tpu.memory_space<vmem>>) dst(%dma_wait3A_936 : memref<50x128xf32, #tpu.memory_space<hbm>>)
    %add3A_941 = arith.constant 125 : i32
    %add3A_942 = arith.addi %mul3A_2, %add3A_941 : i32
    %dma_wait3A_943 = arith.constant 5 : i32
    %dma_wait3A_944 = arith.constant 0 : i32
    %dma_wait3A_945 = arith.constant 0 : i32
    %dma_wait3A_946 = tpu.memref_slice %arg6[%dma_wait3A_943, %dma_wait3A_944, %dma_wait3A_945] : memref<8x50x128xf32, #tpu.memory_space<vmem>> -> memref<1x50x128xf32, #tpu.memory_space<vmem>>
    %dma_wait3A_947 = tpu.memref_squeeze %dma_wait3A_946 : memref<1x50x128xf32, #tpu.memory_space<vmem>> -> memref<50x128xf32, #tpu.memory_space<vmem>>
    %dma_wait3A_948 = arith.constant 0 : i32
    %dma_wait3A_949 = arith.constant 0 : i32
    %dma_wait3A_950 = tpu.memref_slice %arg4[%add3A_942, %dma_wait3A_948, %dma_wait3A_949] : memref<4096x50x128xf32, #tpu.memory_space<hbm>> -> memref<1x50x128xf32, #tpu.memory_space<hbm>>
    %dma_wait3A_951 = tpu.memref_squeeze %dma_wait3A_950 : memref<1x50x128xf32, #tpu.memory_space<hbm>> -> memref<50x128xf32, #tpu.memory_space<hbm>>
    %dma_wait3A_952 = arith.constant 0 : i32
    %dma_wait3A_953 = arith.constant 0 : i32
    %dma_wait3A_954 = tpu.memref_slice %arg4[%add3A_942, %dma_wait3A_952, %dma_wait3A_953] : memref<4096x50x128xf32, #tpu.memory_space<hbm>> -> memref<1x50x128xf32, #tpu.memory_space<hbm>>
    %dma_wait3A_955 = tpu.memref_squeeze %dma_wait3A_954 : memref<1x50x128xf32, #tpu.memory_space<hbm>> -> memref<50x128xf32, #tpu.memory_space<hbm>>
    %dma_wait3A_956 = arith.constant 0 : i32
    %dma_wait3A_957 = arith.constant 0 : i32
    %dma_wait3A_958 = tpu.memref_slice %arg6[%dma_wait3A_943, %dma_wait3A_956, %dma_wait3A_957] : memref<8x50x128xf32, #tpu.memory_space<vmem>> -> memref<1x50x128xf32, #tpu.memory_space<vmem>>
    %dma_wait3A_959 = tpu.memref_squeeze %dma_wait3A_958 : memref<1x50x128xf32, #tpu.memory_space<vmem>> -> memref<50x128xf32, #tpu.memory_space<vmem>>
    tpu.wait_dma2 semaphore(%arg20 : memref<!tpu.dma_semaphore, #tpu.memory_space<semaphore_mem>>) src(%dma_wait3A_959 : memref<50x128xf32, #tpu.memory_space<vmem>>) dst(%dma_wait3A_955 : memref<50x128xf32, #tpu.memory_space<hbm>>)
    %add3A_960 = arith.constant 126 : i32
    %add3A_961 = arith.addi %mul3A_2, %add3A_960 : i32
    %dma_wait3A_962 = arith.constant 6 : i32
    %dma_wait3A_963 = arith.constant 0 : i32
    %dma_wait3A_964 = arith.constant 0 : i32
    %dma_wait3A_965 = tpu.memref_slice %arg6[%dma_wait3A_962, %dma_wait3A_963, %dma_wait3A_964] : memref<8x50x128xf32, #tpu.memory_space<vmem>> -> memref<1x50x128xf32, #tpu.memory_space<vmem>>
    %dma_wait3A_966 = tpu.memref_squeeze %dma_wait3A_965 : memref<1x50x128xf32, #tpu.memory_space<vmem>> -> memref<50x128xf32, #tpu.memory_space<vmem>>
    %dma_wait3A_967 = arith.constant 0 : i32
    %dma_wait3A_968 = arith.constant 0 : i32
    %dma_wait3A_969 = tpu.memref_slice %arg4[%add3A_961, %dma_wait3A_967, %dma_wait3A_968] : memref<4096x50x128xf32, #tpu.memory_space<hbm>> -> memref<1x50x128xf32, #tpu.memory_space<hbm>>
    %dma_wait3A_970 = tpu.memref_squeeze %dma_wait3A_969 : memref<1x50x128xf32, #tpu.memory_space<hbm>> -> memref<50x128xf32, #tpu.memory_space<hbm>>
    %dma_wait3A_971 = arith.constant 0 : i32
    %dma_wait3A_972 = arith.constant 0 : i32
    %dma_wait3A_973 = tpu.memref_slice %arg4[%add3A_961, %dma_wait3A_971, %dma_wait3A_972] : memref<4096x50x128xf32, #tpu.memory_space<hbm>> -> memref<1x50x128xf32, #tpu.memory_space<hbm>>
    %dma_wait3A_974 = tpu.memref_squeeze %dma_wait3A_973 : memref<1x50x128xf32, #tpu.memory_space<hbm>> -> memref<50x128xf32, #tpu.memory_space<hbm>>
    %dma_wait3A_975 = arith.constant 0 : i32
    %dma_wait3A_976 = arith.constant 0 : i32
    %dma_wait3A_977 = tpu.memref_slice %arg6[%dma_wait3A_962, %dma_wait3A_975, %dma_wait3A_976] : memref<8x50x128xf32, #tpu.memory_space<vmem>> -> memref<1x50x128xf32, #tpu.memory_space<vmem>>
    %dma_wait3A_978 = tpu.memref_squeeze %dma_wait3A_977 : memref<1x50x128xf32, #tpu.memory_space<vmem>> -> memref<50x128xf32, #tpu.memory_space<vmem>>
    tpu.wait_dma2 semaphore(%arg21 : memref<!tpu.dma_semaphore, #tpu.memory_space<semaphore_mem>>) src(%dma_wait3A_978 : memref<50x128xf32, #tpu.memory_space<vmem>>) dst(%dma_wait3A_974 : memref<50x128xf32, #tpu.memory_space<hbm>>)
    %add3A_979 = arith.constant 127 : i32
    %add3A_980 = arith.addi %mul3A_2, %add3A_979 : i32
    %dma_wait3A_981 = arith.constant 7 : i32
    %dma_wait3A_982 = arith.constant 0 : i32
    %dma_wait3A_983 = arith.constant 0 : i32
    %dma_wait3A_984 = tpu.memref_slice %arg6[%dma_wait3A_981, %dma_wait3A_982, %dma_wait3A_983] : memref<8x50x128xf32, #tpu.memory_space<vmem>> -> memref<1x50x128xf32, #tpu.memory_space<vmem>>
    %dma_wait3A_985 = tpu.memref_squeeze %dma_wait3A_984 : memref<1x50x128xf32, #tpu.memory_space<vmem>> -> memref<50x128xf32, #tpu.memory_space<vmem>>
    %dma_wait3A_986 = arith.constant 0 : i32
    %dma_wait3A_987 = arith.constant 0 : i32
    %dma_wait3A_988 = tpu.memref_slice %arg4[%add3A_980, %dma_wait3A_986, %dma_wait3A_987] : memref<4096x50x128xf32, #tpu.memory_space<hbm>> -> memref<1x50x128xf32, #tpu.memory_space<hbm>>
    %dma_wait3A_989 = tpu.memref_squeeze %dma_wait3A_988 : memref<1x50x128xf32, #tpu.memory_space<hbm>> -> memref<50x128xf32, #tpu.memory_space<hbm>>
    %dma_wait3A_990 = arith.constant 0 : i32
    %dma_wait3A_991 = arith.constant 0 : i32
    %dma_wait3A_992 = tpu.memref_slice %arg4[%add3A_980, %dma_wait3A_990, %dma_wait3A_991] : memref<4096x50x128xf32, #tpu.memory_space<hbm>> -> memref<1x50x128xf32, #tpu.memory_space<hbm>>
    %dma_wait3A_993 = tpu.memref_squeeze %dma_wait3A_992 : memref<1x50x128xf32, #tpu.memory_space<hbm>> -> memref<50x128xf32, #tpu.memory_space<hbm>>
    %dma_wait3A_994 = arith.constant 0 : i32
    %dma_wait3A_995 = arith.constant 0 : i32
    %dma_wait3A_996 = tpu.memref_slice %arg6[%dma_wait3A_981, %dma_wait3A_994, %dma_wait3A_995] : memref<8x50x128xf32, #tpu.memory_space<vmem>> -> memref<1x50x128xf32, #tpu.memory_space<vmem>>
    %dma_wait3A_997 = tpu.memref_squeeze %dma_wait3A_996 : memref<1x50x128xf32, #tpu.memory_space<vmem>> -> memref<50x128xf32, #tpu.memory_space<vmem>>
    tpu.wait_dma2 semaphore(%arg22 : memref<!tpu.dma_semaphore, #tpu.memory_space<semaphore_mem>>) src(%dma_wait3A_997 : memref<50x128xf32, #tpu.memory_space<vmem>>) dst(%dma_wait3A_993 : memref<50x128xf32, #tpu.memory_space<hbm>>)
    return
  }
}

</mosaic_0001>

<sc_bundles>
// kernel: kernel.3.cloned.1.call-start
scs
__scs_entry_jumppad:
0x0: {  	(pc) =	sbr.rel $0x88, $3  }
0x1: {  	(tag) =	ssettag $0x0;
	lr =	simm.s32 $0x1  }
0x2: {  	[smem:$0x3F9F] =	sst lr;
	_ =	strace $0xD0000000  }
0x3: {  	_ = 	snop  }
0x4: {  	_ = 	snop  }
0x5: {  	_ = 	snop  }
0x6: {  	_ = 	snop  }
0x7: {  	_ = 	snop  }
__scs_overlays_trampoline_lowered:
0x8: {  	[smem:$0x3FAE] =	sst s0  }
0x9: {  	[smem:$0x3FAF] =	sst s1  }
0xa: {  	[smem:$0x3FB0] =	sst s2  }
0xb: {  	[smem:$0x3FB1] =	sst s3  }
0xc: {  	[smem:$0x3FB2] =	sst s4  }
0xd: {  	[smem:$0x3FB3] =	sst s5  }
0xe: {  	[smem:$0x3FB4] =	sst s6  }
0xf: {  	[smem:$0x3FB5] =	sst s7  }
0x10: {  	[smem:$0x3FB6] =	sst s8  }
0x11: {  	[smem:$0x3FB7] =	sst s9;
	s0 =	simm.s32 @!p0 $0x0  }
0x12: {  	s1 =	sld [smem:$0x3F9D];
	s0 =	simm.s32 @p0 $0x1  }
0x13: {  	[smem:$0x3FB8] =	sst s0;
	s0 =	simm.s32 @!p1 $0x0  }
0x14: {  	s2 =	sld [smem:$0x3F9C];
	s0 =	simm.s32 @p1 $0x1  }
0x15: {  	[smem:$0x3FB9] =	sst s0;
	s0 =	simm.s32 @!p2 $0x0  }
0x16: {  	s3 =	sld [smem:$0x3FDB];
	s0 =	simm.s32 @p2 $0x1  }
0x17: {  	s4 =	simm.s32 $0x1BF5;
	[smem:$0x3FBB] =	sst s0  }
0x18: {  	s0 =	sld [smem:$0x3F9E];
	_ =	swait.ge [sflag:s4], $0x0  }
0x19: {  	s7 =	sld [smem:$0x3F9F]  }
0x1a: {  	s8 =	sadd.s32 $0xFFFFE003, lr  }
0x1b: {  	s9 =	sadd.s32 $0xFFFFFEF7, lr;
	s5 =	simm.s32 $0xFFFFFFFF;
	p2 =	slt.u32 s8, $0xFFFFF086  }
0x1c: {  	p1 =	slt.u32 s9, $0xF7A;
	s5 =	simm.s32 @!p2 $0x0  }
0x1d: {  	s5 =	simm.s32 @p1 $0x1;
	p0 =	seq.s32 s7, s2  }
0x1e: {  	s7 =	smul.u32 @!p0 $0xF7A, s2;
	p2 =	seq.s32 @!p0 s5, $0x0  }
0x1f: {  	s9 =	smul.u32 $0xF7A, s1;
	s8 =	simm.s32 @!p0 $0x1BF5;
	p2 =	por !p2, p0  }
0x20: {  	[sflag:s8] =	ssyncset.s32 @!p0 $0xFFFFF086;
	s6 =	sadd.s32 @!p0 s3, s7;
	s7 =	simm.s32 @!p0 $0x108  }
0x21: {  	s3 =	sadd.s32 s3, s9;
	s6 =	sadd.s32 @!p0 $0x88, s6;
	s7 =	simm.s32 @p2 $0x1082  }
0x22: {  	[simem:s7], [sflag:s8] =	dma.local @!p0 [hbm:s6], $0xF7A  }
0x23: {  	s9 =	sor.u32 $0xD0000000, s2;
	s6 =	simm.s32 $0x108;
	_ =	swait.ge @!p0 [sflag:s8], $0x0  }
0x24: {  	s3 =	sadd.s32 $0x88, s3;
	s6 =	simm.s32 @!p1 $0x1082;
	[sflag:s4] =	ssyncset.s32 $0xFFFFF086  }
0x25: {  	[simem:s6], [sflag:s4] =	dma.local [hbm:s3], $0xF7A  }
0x26: {  	[smem:$0x3F9F] =	sst s1;
	(tag) =	ssettag s2;
	_ =	strace s9  }
0x27: {  	s1 =	sld [smem:$0x3FAF]  }
0x28: {  	s2 =	sld [smem:$0x3FB0]  }
0x29: {  	s4 =	sld [smem:$0x3FB2]  }
0x2a: {  	p0 =	seq.s32 s5, $0x0;
	s5 =	sld [smem:$0x3FB3]  }
0x2b: {  	s6 =	sld [smem:$0x3FB4]  }
0x2c: {  	s7 =	sld [smem:$0x3FB5]  }
0x2d: {  	s3 =	simm.s32 $0x108;
	s8 =	sld [smem:$0x3FB6]  }
0x2e: {  	s3 =	simm.s32 @!p0 $0x1082;
	s9 =	sld [smem:$0x3FB7]  }
0x2f: {  	lr =	sadd.s32 s0, s3;
	s0 =	sld [smem:$0x3FAE]  }
0x30: {  	s3 =	sld [smem:$0x3FB1]  }
0x31: {  	[smem:$0x3FBA] =	sst s10  }
0x32: {  	s10 =	sld [smem:$0x3FB8];
	_ =	sdelay $0x3  }
0x33: {  	p0 =	seq.s32 s10, $0x1;
	s10 =	sld [smem:$0x3FBA];
	_ =	sdelay $0x3  }
0x34: {  	[smem:$0x3FBA] =	sst s10  }
0x35: {  	s10 =	sld [smem:$0x3FB9];
	_ =	sdelay $0x3  }
0x36: {  	p1 =	seq.s32 s10, $0x1;
	s10 =	sld [smem:$0x3FBA];
	_ =	sdelay $0x3  }
0x37: {  	[smem:$0x3FBA] =	sst s10  }
0x38: {  	s10 =	sld [smem:$0x3FBB]  }
0x39: {  	_ = 	snop;
	(pc) =	sbr.ind lr, $3  }
0x3a: {  	_ = 	snop  }
0x3b: {  	_ = 	snop  }
0x3c: {  	p2 =	seq.s32 s10, $0x1;
	s10 =	sld [smem:$0x3FBA]  }
0x3d: {  	_ =	shalt  }
0x3e: {  	_ =	shalt  }
0x3f: {  	_ =	shalt  }
0x40: {  	_ =	shalt  }
0x41: {  	_ =	shalt  }
0x42: {  	_ =	shalt  }
0x43: {  	_ =	shalt  }
0x44: {  	_ =	shalt  }
0x45: {  	_ =	shalt  }
0x46: {  	_ =	shalt  }
0x47: {  	_ =	shalt  }
0x48: {  	_ =	shalt  }
0x49: {  	_ =	shalt  }
0x4a: {  	_ =	shalt  }
0x4b: {  	_ =	shalt  }
0x4c: {  	_ =	shalt  }
0x4d: {  	_ =	shalt  }
0x4e: {  	_ =	shalt  }
0x4f: {  	_ =	shalt  }
0x50: {  	_ =	shalt  }
0x51: {  	_ =	shalt  }
0x52: {  	_ =	shalt  }
0x53: {  	_ =	shalt  }
0x54: {  	_ =	shalt  }
0x55: {  	_ =	shalt  }
0x56: {  	_ =	shalt  }
0x57: {  	_ =	shalt  }
0x58: {  	_ =	shalt  }
0x59: {  	_ =	shalt  }
0x5a: {  	_ =	shalt  }
0x5b: {  	_ =	shalt  }
0x5c: {  	_ =	shalt  }
0x5d: {  	_ =	shalt  }
0x5e: {  	_ =	shalt  }
0x5f: {  	_ =	shalt  }
0x60: {  	_ =	shalt  }
0x61: {  	_ =	shalt  }
0x62: {  	_ =	shalt  }
0x63: {  	_ =	shalt  }
0x64: {  	_ =	shalt  }
0x65: {  	_ =	shalt  }
0x66: {  	_ =	shalt  }
0x67: {  	_ =	shalt  }
0x68: {  	_ =	shalt  }
0x69: {  	_ =	shalt  }
0x6a: {  	_ =	shalt  }
0x6b: {  	_ =	shalt  }
0x6c: {  	_ =	shalt  }
0x6d: {  	_ =	shalt  }
0x6e: {  	_ =	shalt  }
0x6f: {  	_ =	shalt  }
0x70: {  	_ =	shalt  }
0x71: {  	_ =	shalt  }
0x72: {  	_ =	shalt  }
0x73: {  	_ =	shalt  }
0x74: {  	_ =	shalt  }
0x75: {  	_ =	shalt  }
0x76: {  	_ =	shalt  }
0x77: {  	_ =	shalt  }
0x78: {  	_ =	shalt  }
0x79: {  	_ =	shalt  }
0x7a: {  	_ =	shalt  }
0x7b: {  	_ =	shalt  }
0x7c: {  	_ =	shalt  }
0x7d: {  	_ =	shalt  }
0x7e: {  	_ =	shalt  }
0x7f: {  	_ =	shalt  }
0x80: {  	_ =	shalt  }
0x81: {  	_ =	shalt  }
0x82: {  	_ =	shalt  }
0x83: {  	_ =	shalt  }
0x84: {  	_ =	shalt  }
0x85: {  	_ =	shalt  }
0x86: {  	_ =	shalt  }
0x87: {  	_ =	shalt  }
.Lfunc_end0:
.L_simem_size_0:
called_computation_lowered:
.L_overlay_start_0:
0x88: {  	s2 =	sld [smem:$0x3FD9]  }
0x89: {  	s3 =	sld [smem:$0x3FFE];
	_ =	sdelay $0x1  }
0x8a: {  	s1 =	srdreg.scid  }
0x8b: {  	s0 =	sand.u32 $0x1, s1  }
0x8c: {  	s17 =	sshll.u32 s0, $0xA;
	s2 =	sadd.s32 s3, s2  }
0x8d: {  	s2 =	sadd.s32 s2, s17  }
0x8e: {  	[smem:$0x3FC6] =	sst s2  }
0x8f: {  	_ = 	snop  }
0x90: {  	s2 =	sld [smem:$0x3FC8]  }
0x91: {  	s18 =	sld [smem:$0x3FD0];
	(tm) =	ssettm $0x1  }
0x92: {  	s4 =	sld [smem:$0x3FFB];
	_ =	sdelay $0x3  }
0x93: {  	_ =	strace s4  }
0x94: {  	s4 =	sld [smem:$0x3FFC];
	_ =	sdelay $0x3  }
0x95: {  	_ =	strace s4  }
0x96: {  	s4 =	sld [smem:$0x3FFD];
	_ =	sdelay $0x3  }
0x97: {  	_ =	strace s4  }
0x98: {  	_ =	strace $0x8FFFFFFF  }
0x99: {  	s19 =	sld [smem:$0x3FDB];
	_ =	sdelay $0x1  }
0x9a: {  	s5 =	simm.s32 $_scs_section_size  }
0x9b: {  	s6 =	simm.s32 $_size__tile_overlayer_lowered;
	s7 =	simm.s32 $_tile_overlayer_lowered  }
0x9c: {  	s22 =	simm.s32 $0x1BFF;
	s21 =	sshll.u32 s7, $0x1;
	s4 =	sadd.s32 s5, s19  }
0x9d: {  	s8 =	simm.s32 $0x0;
	s20 =	sshll.u32 s6, $0x1;
	s6 =	sadd.s32 s21, s4  }
0x9e: {  	[timem:s8], [sflag:s22] =	dma.local [hbm:s6], s20  }
0x9f: {  	_ =	swait.ge [sflag:s22], s20  }
0xa0: {  	s5 =	ssub.s32 $0x0, s20;
	[sflag:s22] =	ssyncset.done $0x0  }
0xa1: {  	[sflag:s22] =	ssyncadd.s32 s5;
	_ =	sdelay $0x1  }
0xa2: {  	s23 =	simm.s32 $0x1B8B  }
0xa3: {  	_ =	swait.ge [sflag:s23], $0x1  }
0xa4: {  	[sflag:s23] =	ssyncset.done $0x0  }
0xa5: {  	s25 =	simm.s32 $0x1B8E;
	s24 =	sld [smem:$0x3FFE];
	[sflag:s23] =	ssyncadd.s32 $0xFFFFFFFF  }
0xa6: {  	s26 =	simm.s32 $execute0_lowered;
	[smem:$0x3FD2] =	sst s25  }
0xa7: {  	s6 =	sshll.u32 s26, $0x1;
	_ =	strace $0x80000046;
	[dreg:$0x1] =	wrdreg $0xFFFFFFFF  }
0xa8: {  	s28 =	simm.s32 $_size_execute0_lowered;
	s4 =	sadd.s32 s4, s6;
	[dreg:$0x0] =	wrdreg $0x0  }
0xa9: {  	s6 =	sshll.u32 s28, $0x1;
	[dreg:$0x2] =	wrdreg s4  }
0xaa: {  	[dreg:$0x3] =	wrdreg s6  }
0xab: {  	[dreg:$0x4] =	wrdreg $0xC0  }
0xac: {  	_ =	task [dreg:s8], $0x5FFFF  }
0xad: {  	[dreg:$0x1] =	wrdreg $0xFFFFFFFF  }
0xae: {  	[dreg:$0x0] =	wrdreg $0x60  }
0xaf: {  	[dreg:$0x2] =	wrdreg s18  }
0xb0: {  	[dreg:$0x3] =	wrdreg s2  }
0xb1: {  	[dreg:$0x4] =	wrdreg s24  }
0xb2: {  	[dreg:$0x5] =	wrdreg $0x9  }
0xb3: {  	_ =	task.clear_ibuf [dreg:s8], $0x6FFFF;
	_ =	strace $0x90000046  }
0xb4: {  	s29 =	simm.s32 $0x9;
	_ =	strace $0x80000048  }
0xb5: {  	_ =	swait.ge [sflag:s29], $0x1  }
0xb6: {  	[sflag:s29] =	ssyncadd.s32 $0xFFFFFFFF  }
0xb7: {  	_ =	strace $0x90000048  }
0xb8: {  	_ =	sfence  }
0xb9: {  	s30 =	sld [smem:$0x0];
	_ =	sdelay $0x2  }
0xba: {  	s31 =	sshll.u32 s1, $0xD;
	s1 =	sshrl.u32 s1, $0x2  }
0xbb: {  	s3 =	sand.u32 $0x4000, s31;
	s1 =	sadd.s32 s1, s30  }
0xbc: {  	s0 =	sor.u32 s3, s0;
	s1 =	sshll.u32 s1, $0x11  }
0xbd: {  	s0 =	sor.u32 s1, s0  }
0xbe: {  	s0 =	sadd.s32 $0x8F2B, s0  }
0xbf: {  	[sflag:s0] =	ssyncadd.remote.s32 $0x1  }
0xc0: {  	_ =	sfence.sel $0xFFFF  }
0xc1: {  	[dreg:$0x0] =	wrdreg $0xFFFFFFFF;
	(pc) =	sbr.abs _section_cstart, $3  }
0xc2: {  	[dreg:$0x1] =	wrdreg $0xFFFFFFFF  }
0xc3: {  	_ =	task.clear_ibuf [dreg:s8], $0x2FFFF;
	_ =	strace $0x9FFFFFFF  }
0xc4: {  	(tm) =	ssettm $0x7FFFFFFF  }
0xc5: {  	_ =	shalt  }
tec
execute0_lowered:
.L_overlay_start_1:
0x0: {  	(tag) =	ssettag $0x1  }
0x1: {  	s0 =	rddreg [dreg:$0x0]  }
0x2: {  	s2 =	rddreg [dreg:$0x1];
	s1 =	srdreg.scid  }
0x3: {  	s4 =	rddreg [dreg:$0x2];
	s9 =	stileid.u32  }
0x4: {  	s3 =	simm.s32 $0x0;
	s28 =	simm.s32 $0x5C00;
	s30 =	simm.s32 $0x7800  }
0x5: {  	s29 =	simm.s32 $0x1;
	s31 =	simm.s32 $0x2;
	s1 =	sand.u32 $0x1, s1  }
0x6: {  	s5 =	sshll.u32 s9, $0x8;
	[smem:$0x7FF] =	sst s3;
	s4 =	sadd.s32 $0x400, s4  }
0x7: {  	s18 =	smul.u32 $0x38000, s9;
	s9 =	simm.s32 $0x9;
	s6 =	sshll.u32 s1, $0x7  }
0x8: {  	s7 =	ssub.s32 $0x2, s1;
	_ =	strace $0x80000047;
	s5 =	sor.u32 s6, s5  }
0x9: {  	s1 =	smul.u32 $0x1C000, s1;
	s25 =	sshrl.u32 s7, $0x1;
	s26 =	sshll.u32 s5, $0x4  }
0xa: {  	s8 =	smul.u32 $0x380, s5;
	s6 =	ssub.s32 s7, s25;
	s0 =	sadd.s32 s0, s26  }
0xb: {  	s5 =	smul.u32 $0x1C00, s5;
	s25 =	smax.u32 s6, $0x1;
	[dreg:$0x5] =	wrdreg s0  }
0xc: {  	s6 =	simm.s32 $0x3;
	s8 =	sadd.s32 s4, s8;
	[dreg:$0x15] =	wrdreg s25  }
0xd: {  	s13 =	sshrl.u32 s5, $0x3;
	s7 =	sadd.s32 $0x380, s8;
	[dreg:$0x4] =	wrdreg s8  }
0xe: {  	s25 =	simm.s32 $0x4000;
	s10 =	sadd.s32 $0x700, s8;
	[dreg:$0x6] =	wrdreg s7  }
0xf: {  	s5 =	simm.s32 $0xE800;
	s11 =	sadd.s32 $0xA80, s8;
	[dreg:$0x7] =	wrdreg s10  }
0x10: {  	s12 =	sadd.s32 $0xE00, s8;
	s14 =	sadd.s32 $0x1180, s8;
	[dreg:$0x8] =	wrdreg s11  }
0x11: {  	s15 =	sadd.s32 $0x1500, s8;
	s0 =	sadd.s32 s4, s13;
	[dreg:$0x9] =	wrdreg s12  }
0x12: {  	s16 =	sadd.s32 $0x1880, s8;
	s4 =	sadd.s32 s18, s4;
	[dreg:$0xa] =	wrdreg s14  }
0x13: {  	s8 =	simm.s32 $0x4;
	s13 =	simm.s32 $0xB;
	[dreg:$0xb] =	wrdreg s15  }
0x14: {  	s18 =	simm.s32 $0xE;
	[dreg:$0xc] =	wrdreg s16;
	s17 =	sadd.s32 $0x1A400, s0  }
0x15: {  	s19 =	sadd.s32 $0x1A780, s0;
	s20 =	sadd.s32 $0x1AB00, s0;
	[dreg:$0xd] =	wrdreg s17  }
0x16: {  	s21 =	sadd.s32 $0x1AE80, s0;
	s22 =	sadd.s32 $0x1B200, s0;
	[dreg:$0xe] =	wrdreg s19  }
0x17: {  	s23 =	sadd.s32 $0x1B580, s0;
	s24 =	sadd.s32 $0x1B900, s0;
	[dreg:$0xf] =	wrdreg s20  }
0x18: {  	s1 =	sadd.s32 s1, s4;
	s0 =	sadd.s32 $0x1BC80, s0;
	[dreg:$0x10] =	wrdreg s21  }
0x19: {  	s7 =	simm.s32 $0x10400;
	s10 =	simm.s32 $0x5;
	[dreg:$0x11] =	wrdreg s22  }
0x1a: {  	s11 =	simm.s32 $0xA;
	s12 =	simm.s32 $0x6;
	[dreg:$0x12] =	wrdreg s23  }
0x1b: {  	s14 =	simm.s32 $0x7;
	s15 =	simm.s32 $0xC;
	[dreg:$0x13] =	wrdreg s24  }
0x1c: {  	s16 =	simm.s32 $0x8;
	[dreg:$0x14] =	wrdreg s0;
	s26 =	sadd.s32 $0x1C00, s1  }
0x1d: {  	s24 =	simm.s32 $0x32;
	s0 =	simm.s32 $0x9400;
	s1 =	simm.s32 $0xCC00  }
0x1e: {  	s17 =	simm.s32 $0xD;
	s19 =	simm.s32 $0xF;
	s20 =	simm.s32 $0x10  }
0x1f: {  	s21 =	simm.s32 $0x0;
	[dreg:$0x16] =	wrdreg s26;
	s26 =	simm.s32 $0xB000  }
.LBB2_1:
0x20: {  	[dreg:$0x17] =	wrdreg s21  }
0x21: {  	s4 =	rddreg [dreg:$0x5];
	s21 =	simm.s32 $0x11  }
0x22: {  	[tilespmem:s3], [sflag:$0x11] =	stream.linear.gather [hbm4b:s4+s3], $0x4000, $0x38;
	[tilespmem:$0x12000] =	vst v63  }
0x23: {  	_ =	swait.ge [sflag:s21], $0x4000  }
0x24: {  	[sflag:s21] =	ssyncset.done $0x0  }
0x25: {  	[sflag:s21] =	ssyncadd.s32 $0xFFFFC000  }
0x26: {  	[tilespmem:s25], [sflag:$0x1] =	stream.indirect.gather [hbm4b:s2+s24], $0x80, s3, s24, $0xb8;
	[tilespmem:$0x12000] =	vst v63  }
0x27: {  	s22 =	simm.s32 $0x80  }
0x28: {  	[tilespmem:s28], [sflag:$0x2] =	stream.indirect.gather [hbm4b:s2+s24], $0x80, s22, s24, $0xb8;
	[tilespmem:$0x12000] =	vst v63  }
0x29: {  	s23 =	simm.s32 $0x100  }
0x2a: {  	[tilespmem:s30], [sflag:$0x3] =	stream.indirect.gather [hbm4b:s2+s24], $0x80, s23, s24, $0xb8;
	[tilespmem:$0x12000] =	vst v63  }
0x2b: {  	s21 =	simm.s32 $0x180  }
0x2c: {  	[tilespmem:s0], [sflag:$0x4] =	stream.indirect.gather [hbm4b:s2+s24], $0x80, s21, s24, $0xb8;
	[tilespmem:$0x12000] =	vst v63  }
0x2d: {  	s22 =	simm.s32 $0x200  }
0x2e: {  	[tilespmem:s26], [sflag:$0x5] =	stream.indirect.gather [hbm4b:s2+s24], $0x80, s22, s24, $0xb8;
	[tilespmem:$0x12000] =	vst v63  }
0x2f: {  	_ =	swait.ge [sflag:s29], $0x1900  }
0x30: {  	[sflag:s29] =	ssyncset.done $0x0  }
0x31: {  	s23 =	rddreg [dreg:$0x4];
	[sflag:s29] =	ssyncadd.s32 $0xFFFFE700  }
0x32: {  	[hbm4b:s23+s3] =	stream.linear.scatter [tilespmem:s25], [sflag:$0x9], $0x1900, $0x38;
	[tilespmem:$0x12000] =	vst v63  }
0x33: {  	s21 =	simm.s32 $0x280  }
0x34: {  	[tilespmem:s1], [sflag:$0x6] =	stream.indirect.gather [hbm4b:s2+s24], $0x80, s21, s24, $0xb8;
	[tilespmem:$0x12000] =	vst v63  }
0x35: {  	_ =	swait.ge [sflag:s31], $0x1900  }
0x36: {  	[sflag:s31] =	ssyncset.done $0x0  }
0x37: {  	s22 =	rddreg [dreg:$0x6];
	[sflag:s31] =	ssyncadd.s32 $0xFFFFE700  }
0x38: {  	[hbm4b:s22+s3] =	stream.linear.scatter [tilespmem:s28], [sflag:$0xA], $0x1900, $0x38;
	[tilespmem:$0x12000] =	vst v63  }
0x39: {  	s23 =	simm.s32 $0x300  }
0x3a: {  	[tilespmem:s5], [sflag:$0x7] =	stream.indirect.gather [hbm4b:s2+s24], $0x80, s23, s24, $0xb8;
	[tilespmem:$0x12000] =	vst v63  }
0x3b: {  	_ =	swait.ge [sflag:s6], $0x1900  }
0x3c: {  	[sflag:s6] =	ssyncset.done $0x0  }
0x3d: {  	s21 =	rddreg [dreg:$0x7];
	[sflag:s6] =	ssyncadd.s32 $0xFFFFE700  }
0x3e: {  	[hbm4b:s21+s3] =	stream.linear.scatter [tilespmem:s30], [sflag:$0xB], $0x1900, $0x38;
	[tilespmem:$0x12000] =	vst v63  }
0x3f: {  	s22 =	simm.s32 $0x380  }
0x40: {  	[tilespmem:s7], [sflag:$0x8] =	stream.indirect.gather [hbm4b:s2+s24], $0x80, s22, s24, $0xb8;
	[tilespmem:$0x12000] =	vst v63  }
0x41: {  	_ =	swait.ge [sflag:s8], $0x1900  }
0x42: {  	[sflag:s8] =	ssyncset.done $0x0  }
0x43: {  	s23 =	rddreg [dreg:$0x8];
	[sflag:s8] =	ssyncadd.s32 $0xFFFFE700  }
0x44: {  	[hbm4b:s23+s3] =	stream.linear.scatter [tilespmem:s0], [sflag:$0xC], $0x1900, $0x38;
	[tilespmem:$0x12000] =	vst v63  }
0x45: {  	_ =	swait.ge [sflag:s9], $0x1900  }
0x46: {  	[sflag:s9] =	ssyncset.done $0x0  }
0x47: {  	s21 =	simm.s32 $0x400;
	[sflag:s9] =	ssyncadd.s32 $0xFFFFE700  }
0x48: {  	[tilespmem:s25], [sflag:$0x1] =	stream.indirect.gather [hbm4b:s2+s24], $0x80, s21, s24, $0xb8;
	[tilespmem:$0x12000] =	vst v63  }
0x49: {  	_ =	swait.ge [sflag:s10], $0x1900  }
0x4a: {  	[sflag:s10] =	ssyncset.done $0x0  }
0x4b: {  	s22 =	rddreg [dreg:$0x9];
	[sflag:s10] =	ssyncadd.s32 $0xFFFFE700  }
0x4c: {  	[hbm4b:s22+s3] =	stream.linear.scatter [tilespmem:s26], [sflag:$0xD], $0x1900, $0x38;
	[tilespmem:$0x12000] =	vst v63  }
0x4d: {  	_ =	swait.ge [sflag:s11], $0x1900  }
0x4e: {  	[sflag:s11] =	ssyncset.done $0x0  }
0x4f: {  	s23 =	simm.s32 $0x480;
	[sflag:s11] =	ssyncadd.s32 $0xFFFFE700  }
0x50: {  	[tilespmem:s28], [sflag:$0x2] =	stream.indirect.gather [hbm4b:s2+s24], $0x80, s23, s24, $0xb8;
	[tilespmem:$0x12000] =	vst v63  }
0x51: {  	_ =	swait.ge [sflag:s12], $0x1900  }
0x52: {  	[sflag:s12] =	ssyncset.done $0x0  }
0x53: {  	s21 =	rddreg [dreg:$0xa];
	[sflag:s12] =	ssyncadd.s32 $0xFFFFE700  }
0x54: {  	[hbm4b:s21+s3] =	stream.linear.scatter [tilespmem:s1], [sflag:$0xE], $0x1900, $0x38;
	[tilespmem:$0x12000] =	vst v63  }
0x55: {  	_ =	swait.ge [sflag:s13], $0x1900  }
0x56: {  	[sflag:s13] =	ssyncset.done $0x0  }
0x57: {  	s22 =	simm.s32 $0x500;
	[sflag:s13] =	ssyncadd.s32 $0xFFFFE700  }
0x58: {  	[tilespmem:s30], [sflag:$0x3] =	stream.indirect.gather [hbm4b:s2+s24], $0x80, s22, s24, $0xb8;
	[tilespmem:$0x12000] =	vst v63  }
0x59: {  	_ =	swait.ge [sflag:s14], $0x1900  }
0x5a: {  	[sflag:s14] =	ssyncset.done $0x0  }
0x5b: {  	s23 =	rddreg [dreg:$0xb];
	[sflag:s14] =	ssyncadd.s32 $0xFFFFE700  }
0x5c: {  	[hbm4b:s23+s3] =	stream.linear.scatter [tilespmem:s5], [sflag:$0xF], $0x1900, $0x38;
	[tilespmem:$0x12000] =	vst v63  }
0x5d: {  	_ =	swait.ge [sflag:s15], $0x1900  }
0x5e: {  	[sflag:s15] =	ssyncset.done $0x0  }
0x5f: {  	s21 =	simm.s32 $0x580;
	[sflag:s15] =	ssyncadd.s32 $0xFFFFE700  }
0x60: {  	[tilespmem:s0], [sflag:$0x4] =	stream.indirect.gather [hbm4b:s2+s24], $0x80, s21, s24, $0xb8;
	[tilespmem:$0x12000] =	vst v63  }
0x61: {  	_ =	swait.ge [sflag:s16], $0x1900  }
0x62: {  	[sflag:s16] =	ssyncset.done $0x0  }
0x63: {  	s22 =	rddreg [dreg:$0xc];
	[sflag:s16] =	ssyncadd.s32 $0xFFFFE700  }
0x64: {  	[hbm4b:s22+s3] =	stream.linear.scatter [tilespmem:s7], [sflag:$0x10], $0x1900, $0x38;
	[tilespmem:$0x12000] =	vst v63  }
0x65: {  	_ =	swait.ge [sflag:s17], $0x1900  }
0x66: {  	[sflag:s17] =	ssyncset.done $0x0  }
0x67: {  	s23 =	simm.s32 $0x600;
	[sflag:s17] =	ssyncadd.s32 $0xFFFFE700  }
0x68: {  	[tilespmem:s26], [sflag:$0x5] =	stream.indirect.gather [hbm4b:s2+s24], $0x80, s23, s24, $0xb8;
	[tilespmem:$0x12000] =	vst v63  }
0x69: {  	_ =	swait.ge [sflag:s29], $0x1900  }
0x6a: {  	[sflag:s29] =	ssyncset.done $0x0  }
0x6b: {  	s22 =	rddreg [dreg:$0x16];
	[sflag:s29] =	ssyncadd.s32 $0xFFFFE700  }
0x6c: {  	[hbm4b:s22+s3] =	stream.linear.scatter [tilespmem:s25], [sflag:$0x9], $0x1900, $0x38;
	[tilespmem:$0x12000] =	vst v63  }
0x6d: {  	_ =	swait.ge [sflag:s18], $0x1900  }
0x6e: {  	[sflag:s18] =	ssyncset.done $0x0  }
0x6f: {  	s21 =	simm.s32 $0x680;
	[sflag:s18] =	ssyncadd.s32 $0xFFFFE700  }
0x70: {  	[tilespmem:s1], [sflag:$0x6] =	stream.indirect.gather [hbm4b:s2+s24], $0x80, s21, s24, $0xb8;
	[tilespmem:$0x12000] =	vst v63  }
0x71: {  	_ =	swait.ge [sflag:s31], $0x1900  }
0x72: {  	[sflag:s31] =	ssyncset.done $0x0  }
0x73: {  	s23 =	sadd.s32 $0x380, s22;
	[sflag:s31] =	ssyncadd.s32 $0xFFFFE700  }
0x74: {  	[hbm4b:s23+s3] =	stream.linear.scatter [tilespmem:s28], [sflag:$0xA], $0x1900, $0x38;
	[tilespmem:$0x12000] =	vst v63  }
0x75: {  	_ =	swait.ge [sflag:s19], $0x1900  }
0x76: {  	[sflag:s19] =	ssyncset.done $0x0  }
0x77: {  	s21 =	simm.s32 $0x700;
	[sflag:s19] =	ssyncadd.s32 $0xFFFFE700  }
0x78: {  	[tilespmem:s5], [sflag:$0x7] =	stream.indirect.gather [hbm4b:s2+s24], $0x80, s21, s24, $0xb8;
	[tilespmem:$0x12000] =	vst v63  }
0x79: {  	_ =	swait.ge [sflag:s6], $0x1900  }
0x7a: {  	[sflag:s6] =	ssyncset.done $0x0  }
0x7b: {  	s23 =	sadd.s32 $0x700, s22;
	[sflag:s6] =	ssyncadd.s32 $0xFFFFE700  }
0x7c: {  	[hbm4b:s23+s3] =	stream.linear.scatter [tilespmem:s30], [sflag:$0xB], $0x1900, $0x38;
	[tilespmem:$0x12000] =	vst v63  }
0x7d: {  	_ =	swait.ge [sflag:s20], $0x1900  }
0x7e: {  	[sflag:s20] =	ssyncset.done $0x0  }
0x7f: {  	s21 =	simm.s32 $0x780;
	[sflag:s20] =	ssyncadd.s32 $0xFFFFE700  }
0x80: {  	[tilespmem:s7], [sflag:$0x8] =	stream.indirect.gather [hbm4b:s2+s24], $0x80, s21, s24, $0xb8;
	[tilespmem:$0x12000] =	vst v63  }
0x81: {  	_ =	swait.ge [sflag:s8], $0x1900  }
0x82: {  	[sflag:s8] =	ssyncset.done $0x0  }
0x83: {  	s23 =	sadd.s32 $0xA80, s22;
	[sflag:s8] =	ssyncadd.s32 $0xFFFFE700  }
0x84: {  	[hbm4b:s23+s3] =	stream.linear.scatter [tilespmem:s0], [sflag:$0xC], $0x1900, $0x38;
	[tilespmem:$0x12000] =	vst v63  }
0x85: {  	_ =	swait.ge [sflag:s9], $0x1900  }
0x86: {  	[sflag:s9] =	ssyncset.done $0x0  }
0x87: {  	s21 =	simm.s32 $0x800;
	[sflag:s9] =	ssyncadd.s32 $0xFFFFE700  }
0x88: {  	[tilespmem:s25], [sflag:$0x1] =	stream.indirect.gather [hbm4b:s2+s24], $0x80, s21, s24, $0xb8;
	[tilespmem:$0x12000] =	vst v63  }
0x89: {  	_ =	swait.ge [sflag:s10], $0x1900  }
0x8a: {  	[sflag:s10] =	ssyncset.done $0x0  }
0x8b: {  	s23 =	sadd.s32 $0xE00, s22;
	[sflag:s10] =	ssyncadd.s32 $0xFFFFE700  }
0x8c: {  	[hbm4b:s23+s3] =	stream.linear.scatter [tilespmem:s26], [sflag:$0xD], $0x1900, $0x38;
	[tilespmem:$0x12000] =	vst v63  }
0x8d: {  	_ =	swait.ge [sflag:s11], $0x1900  }
0x8e: {  	[sflag:s11] =	ssyncset.done $0x0  }
0x8f: {  	s21 =	simm.s32 $0x880;
	[sflag:s11] =	ssyncadd.s32 $0xFFFFE700  }
0x90: {  	[tilespmem:s28], [sflag:$0x2] =	stream.indirect.gather [hbm4b:s2+s24], $0x80, s21, s24, $0xb8;
	[tilespmem:$0x12000] =	vst v63  }
0x91: {  	_ =	swait.ge [sflag:s12], $0x1900  }
0x92: {  	[sflag:s12] =	ssyncset.done $0x0  }
0x93: {  	s23 =	sadd.s32 $0x1180, s22;
	[sflag:s12] =	ssyncadd.s32 $0xFFFFE700  }
0x94: {  	[hbm4b:s23+s3] =	stream.linear.scatter [tilespmem:s1], [sflag:$0xE], $0x1900, $0x38;
	[tilespmem:$0x12000] =	vst v63  }
0x95: {  	_ =	swait.ge [sflag:s13], $0x1900  }
0x96: {  	[sflag:s13] =	ssyncset.done $0x0  }
0x97: {  	s21 =	simm.s32 $0x900;
	[sflag:s13] =	ssyncadd.s32 $0xFFFFE700  }
0x98: {  	[tilespmem:s30], [sflag:$0x3] =	stream.indirect.gather [hbm4b:s2+s24], $0x80, s21, s24, $0xb8;
	[tilespmem:$0x12000] =	vst v63  }
0x99: {  	_ =	swait.ge [sflag:s14], $0x1900  }
0x9a: {  	[sflag:s14] =	ssyncset.done $0x0  }
0x9b: {  	s23 =	sadd.s32 $0x1500, s22;
	[sflag:s14] =	ssyncadd.s32 $0xFFFFE700  }
0x9c: {  	[hbm4b:s23+s3] =	stream.linear.scatter [tilespmem:s5], [sflag:$0xF], $0x1900, $0x38;
	[tilespmem:$0x12000] =	vst v63  }
0x9d: {  	_ =	swait.ge [sflag:s15], $0x1900  }
0x9e: {  	[sflag:s15] =	ssyncset.done $0x0  }
0x9f: {  	s21 =	simm.s32 $0x980;
	[sflag:s15] =	ssyncadd.s32 $0xFFFFE700  }
0xa0: {  	[tilespmem:s0], [sflag:$0x4] =	stream.indirect.gather [hbm4b:s2+s24], $0x80, s21, s24, $0xb8;
	[tilespmem:$0x12000] =	vst v63  }
0xa1: {  	_ =	swait.ge [sflag:s16], $0x1900  }
0xa2: {  	[sflag:s16] =	ssyncset.done $0x0  }
0xa3: {  	s23 =	sadd.s32 $0x1880, s22;
	[sflag:s16] =	ssyncadd.s32 $0xFFFFE700  }
0xa4: {  	[hbm4b:s23+s3] =	stream.linear.scatter [tilespmem:s7], [sflag:$0x10], $0x1900, $0x38;
	[tilespmem:$0x12000] =	vst v63  }
0xa5: {  	_ =	swait.ge [sflag:s17], $0x1900  }
0xa6: {  	s4 =	simm.s32 $0x1000;
	[sflag:s17] =	ssyncset.done $0x0  }
0xa7: {  	s21 =	simm.s32 $0xA00;
	s23 =	sadd.s32 $0x1C00, s22;
	[sflag:s17] =	ssyncadd.s32 $0xFFFFE700  }
.LBB2_2:
0xa8: {  	[tilespmem:s26], [sflag:$0x5] =	stream.indirect.gather [hbm4b:s2+s24], $0x80, s21, s24, $0xb8;
	[tilespmem:$0x12000] =	vst v63  }
0xa9: {  	s21 =	smov.u32 s4  }
0xaa: {  	p0 =	sne.s32 s4, $0xD000;
	s4 =	sadd.s32 $0x1000, s4;
	_ =	swait.ge [sflag:s29], $0x1900  }
0xab: {  	[sflag:s29] =	ssyncset.done $0x0  }
0xac: {  	[sflag:s29] =	ssyncadd.s32 $0xFFFFE700  }
0xad: {  	[hbm4b:s23+s3] =	stream.linear.scatter [tilespmem:s25], [sflag:$0x9], $0x1900, $0x38;
	[tilespmem:$0x12000] =	vst v63  }
0xae: {  	_ =	swait.ge [sflag:s18], $0x1900  }
0xaf: {  	s21 =	sshra.s32 s21, $0x2;
	[sflag:s18] =	ssyncset.done $0x0  }
0xb0: {  	s22 =	sadd.s32 $0x680, s21;
	[sflag:s18] =	ssyncadd.s32 $0xFFFFE700  }
0xb1: {  	[tilespmem:s1], [sflag:$0x6] =	stream.indirect.gather [hbm4b:s2+s24], $0x80, s22, s24, $0xb8;
	[tilespmem:$0x12000] =	vst v63  }
0xb2: {  	_ =	swait.ge [sflag:s31], $0x1900  }
0xb3: {  	[sflag:s31] =	ssyncset.done $0x0  }
0xb4: {  	s22 =	sadd.s32 $0x380, s23;
	[sflag:s31] =	ssyncadd.s32 $0xFFFFE700  }
0xb5: {  	[hbm4b:s22+s3] =	stream.linear.scatter [tilespmem:s28], [sflag:$0xA], $0x1900, $0x38;
	[tilespmem:$0x12000] =	vst v63  }
0xb6: {  	_ =	swait.ge [sflag:s19], $0x1900  }
0xb7: {  	[sflag:s19] =	ssyncset.done $0x0  }
0xb8: {  	s22 =	sadd.s32 $0x700, s21;
	[sflag:s19] =	ssyncadd.s32 $0xFFFFE700  }
0xb9: {  	[tilespmem:s5], [sflag:$0x7] =	stream.indirect.gather [hbm4b:s2+s24], $0x80, s22, s24, $0xb8;
	[tilespmem:$0x12000] =	vst v63  }
0xba: {  	_ =	swait.ge [sflag:s6], $0x1900  }
0xbb: {  	[sflag:s6] =	ssyncset.done $0x0  }
0xbc: {  	s22 =	sadd.s32 $0x700, s23;
	[sflag:s6] =	ssyncadd.s32 $0xFFFFE700  }
0xbd: {  	[hbm4b:s22+s3] =	stream.linear.scatter [tilespmem:s30], [sflag:$0xB], $0x1900, $0x38;
	[tilespmem:$0x12000] =	vst v63  }
0xbe: {  	_ =	swait.ge [sflag:s20], $0x1900  }
0xbf: {  	[sflag:s20] =	ssyncset.done $0x0  }
0xc0: {  	s22 =	sadd.s32 $0x780, s21;
	[sflag:s20] =	ssyncadd.s32 $0xFFFFE700  }
0xc1: {  	[tilespmem:s7], [sflag:$0x8] =	stream.indirect.gather [hbm4b:s2+s24], $0x80, s22, s24, $0xb8;
	[tilespmem:$0x12000] =	vst v63  }
0xc2: {  	_ =	swait.ge [sflag:s8], $0x1900  }
0xc3: {  	[sflag:s8] =	ssyncset.done $0x0  }
0xc4: {  	s22 =	sadd.s32 $0xA80, s23;
	[sflag:s8] =	ssyncadd.s32 $0xFFFFE700  }
0xc5: {  	[hbm4b:s22+s3] =	stream.linear.scatter [tilespmem:s0], [sflag:$0xC], $0x1900, $0x38;
	[tilespmem:$0x12000] =	vst v63  }
0xc6: {  	_ =	swait.ge [sflag:s9], $0x1900  }
0xc7: {  	[sflag:s9] =	ssyncset.done $0x0  }
0xc8: {  	s22 =	sadd.s32 $0x800, s21;
	[sflag:s9] =	ssyncadd.s32 $0xFFFFE700  }
0xc9: {  	[tilespmem:s25], [sflag:$0x1] =	stream.indirect.gather [hbm4b:s2+s24], $0x80, s22, s24, $0xb8;
	[tilespmem:$0x12000] =	vst v63  }
0xca: {  	_ =	swait.ge [sflag:s10], $0x1900  }
0xcb: {  	[sflag:s10] =	ssyncset.done $0x0  }
0xcc: {  	s22 =	sadd.s32 $0xE00, s23;
	[sflag:s10] =	ssyncadd.s32 $0xFFFFE700  }
0xcd: {  	[hbm4b:s22+s3] =	stream.linear.scatter [tilespmem:s26], [sflag:$0xD], $0x1900, $0x38;
	[tilespmem:$0x12000] =	vst v63  }
0xce: {  	_ =	swait.ge [sflag:s11], $0x1900  }
0xcf: {  	[sflag:s11] =	ssyncset.done $0x0  }
0xd0: {  	s22 =	sadd.s32 $0x880, s21;
	[sflag:s11] =	ssyncadd.s32 $0xFFFFE700  }
0xd1: {  	[tilespmem:s28], [sflag:$0x2] =	stream.indirect.gather [hbm4b:s2+s24], $0x80, s22, s24, $0xb8;
	[tilespmem:$0x12000] =	vst v63  }
0xd2: {  	_ =	swait.ge [sflag:s12], $0x1900  }
0xd3: {  	[sflag:s12] =	ssyncset.done $0x0  }
0xd4: {  	s22 =	sadd.s32 $0x1180, s23;
	[sflag:s12] =	ssyncadd.s32 $0xFFFFE700  }
0xd5: {  	[hbm4b:s22+s3] =	stream.linear.scatter [tilespmem:s1], [sflag:$0xE], $0x1900, $0x38;
	[tilespmem:$0x12000] =	vst v63  }
0xd6: {  	_ =	swait.ge [sflag:s13], $0x1900  }
0xd7: {  	[sflag:s13] =	ssyncset.done $0x0  }
0xd8: {  	s22 =	sadd.s32 $0x900, s21;
	[sflag:s13] =	ssyncadd.s32 $0xFFFFE700  }
0xd9: {  	[tilespmem:s30], [sflag:$0x3] =	stream.indirect.gather [hbm4b:s2+s24], $0x80, s22, s24, $0xb8;
	[tilespmem:$0x12000] =	vst v63  }
0xda: {  	_ =	swait.ge [sflag:s14], $0x1900  }
0xdb: {  	[sflag:s14] =	ssyncset.done $0x0  }
0xdc: {  	s22 =	sadd.s32 $0x1500, s23;
	[sflag:s14] =	ssyncadd.s32 $0xFFFFE700  }
0xdd: {  	[hbm4b:s22+s3] =	stream.linear.scatter [tilespmem:s5], [sflag:$0xF], $0x1900, $0x38;
	[tilespmem:$0x12000] =	vst v63  }
0xde: {  	_ =	swait.ge [sflag:s15], $0x1900  }
0xdf: {  	[sflag:s15] =	ssyncset.done $0x0  }
0xe0: {  	s22 =	sadd.s32 $0x980, s21;
	[sflag:s15] =	ssyncadd.s32 $0xFFFFE700  }
0xe1: {  	[tilespmem:s0], [sflag:$0x4] =	stream.indirect.gather [hbm4b:s2+s24], $0x80, s22, s24, $0xb8;
	[tilespmem:$0x12000] =	vst v63  }
0xe2: {  	_ =	swait.ge [sflag:s16], $0x1900  }
0xe3: {  	[sflag:s16] =	ssyncset.done $0x0  }
.Ltmp0:
0xe4: {  	s22 =	sadd.s32 $0x1880, s23;
	[sflag:s16] =	ssyncadd.s32 $0xFFFFE700;
	(pc) =	sbr.rel @p0 .LBB2_2-.Ltmp0, $4  }
0xe5: {  	[hbm4b:s22+s3] =	stream.linear.scatter [tilespmem:s7], [sflag:$0x10], $0x1900, $0x38;
	[tilespmem:$0x12000] =	vst v63  }
0xe6: {  	_ =	swait.ge [sflag:s17], $0x1900  }
0xe7: {  	[sflag:s17] =	ssyncset.done $0x0  }
0xe8: {  	s21 =	sadd.s32 $0xA00, s21;
	s23 =	sadd.s32 $0x1C00, s23;
	[sflag:s17] =	ssyncadd.s32 $0xFFFFE700  }
0xe9: {  	[tilespmem:s26], [sflag:$0x5] =	stream.indirect.gather [hbm4b:s2+s24], $0x80, s21, s24, $0xb8;
	[tilespmem:$0x12000] =	vst v63  }
0xea: {  	_ =	swait.ge [sflag:s29], $0x1900  }
0xeb: {  	[sflag:s29] =	ssyncset.done $0x0  }
0xec: {  	s4 =	rddreg [dreg:$0xd];
	[sflag:s29] =	ssyncadd.s32 $0xFFFFE700  }
0xed: {  	[hbm4b:s4+s3] =	stream.linear.scatter [tilespmem:s25], [sflag:$0x9], $0x1900, $0x38;
	[tilespmem:$0x12000] =	vst v63  }
0xee: {  	_ =	swait.ge [sflag:s18], $0x1900  }
0xef: {  	[sflag:s18] =	ssyncset.done $0x0  }
0xf0: {  	s21 =	simm.s32 $0x3E80;
	[sflag:s18] =	ssyncadd.s32 $0xFFFFE700  }
0xf1: {  	[tilespmem:s1], [sflag:$0x6] =	stream.indirect.gather [hbm4b:s2+s24], $0x80, s21, s24, $0xb8;
	[tilespmem:$0x12000] =	vst v63  }
0xf2: {  	_ =	swait.ge [sflag:s31], $0x1900  }
0xf3: {  	[sflag:s31] =	ssyncset.done $0x0  }
0xf4: {  	s22 =	rddreg [dreg:$0xe];
	[sflag:s31] =	ssyncadd.s32 $0xFFFFE700  }
0xf5: {  	[hbm4b:s22+s3] =	stream.linear.scatter [tilespmem:s28], [sflag:$0xA], $0x1900, $0x38;
	[tilespmem:$0x12000] =	vst v63  }
0xf6: {  	_ =	swait.ge [sflag:s19], $0x1900  }
0xf7: {  	[sflag:s19] =	ssyncset.done $0x0  }
0xf8: {  	s23 =	simm.s32 $0x3F00;
	[sflag:s19] =	ssyncadd.s32 $0xFFFFE700  }
0xf9: {  	[tilespmem:s5], [sflag:$0x7] =	stream.indirect.gather [hbm4b:s2+s24], $0x80, s23, s24, $0xb8;
	[tilespmem:$0x12000] =	vst v63  }
0xfa: {  	_ =	swait.ge [sflag:s6], $0x1900  }
0xfb: {  	[sflag:s6] =	ssyncset.done $0x0  }
0xfc: {  	s21 =	rddreg [dreg:$0xf];
	[sflag:s6] =	ssyncadd.s32 $0xFFFFE700  }
0xfd: {  	[hbm4b:s21+s3] =	stream.linear.scatter [tilespmem:s30], [sflag:$0xB], $0x1900, $0x38;
	[tilespmem:$0x12000] =	vst v63  }
0xfe: {  	_ =	swait.ge [sflag:s20], $0x1900  }
0xff: {  	[sflag:s20] =	ssyncset.done $0x0  }
0x100: {  	s22 =	simm.s32 $0x3F80;
	[sflag:s20] =	ssyncadd.s32 $0xFFFFE700  }
0x101: {  	[tilespmem:s7], [sflag:$0x8] =	stream.indirect.gather [hbm4b:s2+s24], $0x80, s22, s24, $0xb8;
	[tilespmem:$0x12000] =	vst v63  }
0x102: {  	_ =	swait.ge [sflag:s8], $0x1900  }
0x103: {  	[sflag:s8] =	ssyncset.done $0x0  }
0x104: {  	s23 =	rddreg [dreg:$0x10];
	[sflag:s8] =	ssyncadd.s32 $0xFFFFE700  }
0x105: {  	[hbm4b:s23+s3] =	stream.linear.scatter [tilespmem:s0], [sflag:$0xC], $0x1900, $0x38;
	[tilespmem:$0x12000] =	vst v63  }
0x106: {  	_ =	swait.ge [sflag:s9], $0x1900  }
0x107: {  	[sflag:s9] =	ssyncset.done $0x0  }
0x108: {  	[sflag:s9] =	ssyncadd.s32 $0xFFFFE700  }
0x109: {  	_ =	swait.ge [sflag:s10], $0x1900  }
0x10a: {  	[sflag:s10] =	ssyncset.done $0x0  }
0x10b: {  	s21 =	rddreg [dreg:$0x11];
	[sflag:s10] =	ssyncadd.s32 $0xFFFFE700  }
0x10c: {  	[hbm4b:s21+s3] =	stream.linear.scatter [tilespmem:s26], [sflag:$0xD], $0x1900, $0x38;
	[tilespmem:$0x12000] =	vst v63  }
0x10d: {  	_ =	swait.ge [sflag:s11], $0x1900  }
0x10e: {  	[sflag:s11] =	ssyncset.done $0x0  }
0x10f: {  	[sflag:s11] =	ssyncadd.s32 $0xFFFFE700  }
0x110: {  	_ =	swait.ge [sflag:s12], $0x1900  }
0x111: {  	[sflag:s12] =	ssyncset.done $0x0  }
0x112: {  	s22 =	rddreg [dreg:$0x12];
	[sflag:s12] =	ssyncadd.s32 $0xFFFFE700  }
0x113: {  	[hbm4b:s22+s3] =	stream.linear.scatter [tilespmem:s1], [sflag:$0xE], $0x1900, $0x38;
	[tilespmem:$0x12000] =	vst v63  }
0x114: {  	_ =	swait.ge [sflag:s13], $0x1900  }
0x115: {  	[sflag:s13] =	ssyncset.done $0x0  }
0x116: {  	[sflag:s13] =	ssyncadd.s32 $0xFFFFE700  }
0x117: {  	_ =	swait.ge [sflag:s14], $0x1900  }
0x118: {  	[sflag:s14] =	ssyncset.done $0x0  }
0x119: {  	s23 =	rddreg [dreg:$0x13];
	[sflag:s14] =	ssyncadd.s32 $0xFFFFE700  }
0x11a: {  	[hbm4b:s23+s3] =	stream.linear.scatter [tilespmem:s5], [sflag:$0xF], $0x1900, $0x38;
	[tilespmem:$0x12000] =	vst v63  }
0x11b: {  	_ =	swait.ge [sflag:s15], $0x1900  }
0x11c: {  	[sflag:s15] =	ssyncset.done $0x0  }
0x11d: {  	[sflag:s15] =	ssyncadd.s32 $0xFFFFE700  }
0x11e: {  	_ =	swait.ge [sflag:s16], $0x1900  }
0x11f: {  	[sflag:s16] =	ssyncset.done $0x0  }
0x120: {  	s21 =	rddreg [dreg:$0x14];
	[sflag:s16] =	ssyncadd.s32 $0xFFFFE700  }
0x121: {  	[hbm4b:s21+s3] =	stream.linear.scatter [tilespmem:s7], [sflag:$0x10], $0x1900, $0x38;
	[tilespmem:$0x12000] =	vst v63  }
0x122: {  	_ =	swait.ge [sflag:s17], $0x1900  }
0x123: {  	[sflag:s17] =	ssyncset.done $0x0  }
0x124: {  	[sflag:s17] =	ssyncadd.s32 $0xFFFFE700  }
0x125: {  	_ =	swait.ge [sflag:s18], $0x1900  }
0x126: {  	[sflag:s18] =	ssyncset.done $0x0  }
0x127: {  	[sflag:s18] =	ssyncadd.s32 $0xFFFFE700  }
0x128: {  	_ =	swait.ge [sflag:s19], $0x1900  }
0x129: {  	[sflag:s19] =	ssyncset.done $0x0  }
0x12a: {  	[sflag:s19] =	ssyncadd.s32 $0xFFFFE700  }
0x12b: {  	_ =	swait.ge [sflag:s20], $0x1900  }
0x12c: {  	s22 =	rddreg [dreg:$0x17]  }
0x12d: {  	s23 =	rddreg [dreg:$0x15];
	s21 =	sadd.s32 $0x1, s22  }
0x12e: {  	p0 =	sne.s32 s21, s23  }
.Ltmp1:
0x12f: {  	_ = 	snop;
	(pc) =	sbr.rel @p0 .LBB2_1-.Ltmp1, $3  }
0x130: {  	_ =	sdelay $0x1  }
0x131: {  	[sflag:s20] =	ssyncset.done $0x0  }
0x132: {  	[sflag:s20] =	ssyncadd.s32 $0xFFFFE700  }
0x133: {  	_ =	sfence.sel $0x180000  }
0x134: {  	[bflag:$0x0] =	sbarrier.arrive $0xFFFF  }
0x135: {  	_ =	strace $0x90000047  }
0x136: {  	s0 =	stileid.u32;
	[bflag:$0x2] =	sbarrier.arrive $0xFFFF  }
0x137: {  	p0 =	sne.s32 s0, $0x0;
	s0 =	rddreg [dreg:$0x3]  }
0x138: {  	s0 =	sadd.s32 @!p0 $0x100000, s0  }
0x139: {  	[sflag:s0] =	ssyncadd.tile.s32 @!p0 $0x1;
	_ =	shalt  }
.Lfunc_end2:
_tile_overlayer_lowered:
.L_overlay_start_2:
0x13a: {  	(tag) =	ssettag $0x2  }
0x13b: {  	s0 =	rddreg [dreg:$0x0];
	s2 =	stileid.u32  }
0x13c: {  	s1 =	rddreg [dreg:$0x1];
	p0 =	sne.s32 s2, $0x0  }
0x13d: {  	s3 =	rddreg [dreg:$0x2];
	[bflag:$0x3] =	sbarrier.arrive $0xFFFF;
	s2 =	simm.s32 @!p0 $0x1C11  }
0x13e: {  	[timem:s3], [sflag:s2] =	dma.local @!p0 [hbm:s0], s1  }
0x13f: {  	s0 =	simm.s32 @!p0 $0x11  }
0x140: {  	_ =	swait.ge @!p0 [sflag:s0], s1  }
0x141: {  	s1 =	ssub.s32 @!p0 $0x0, s1;
	[sflag:s0] =	ssyncset.done @!p0 $0x0  }
0x142: {  	[sflag:s0] =	ssyncadd.s32 @!p0 s1  }
0x143: {  	[bflag:$0x3] =	sbarrier.arrive $0xFFFF  }
0x144: {  	_ =	shalt  }

</sc_bundles>
